<compile_context>
chip_gen: v7x
topology: tpu7x:2x2x1
jax: 0.10.2.dev20260603
libtpu: 0.0.44.dev20260713+nightly
codegen_flags: <defaults>
</compile_context>

<pallas_src>
import functools

import jax
import jax.numpy as jnp
from jax import lax
from jax.experimental import pallas as pl
from jax.experimental.pallas import tpu as pltpu
from jax.experimental.pallas import tpu_sc as plsc

VOCAB = 1000000
DIM = 64
B, L = 4096, 200
NTOK = B * L

NC, NS = 2, 16
NW = NC * NS
CB = 64
PER_W = NTOK // NW
NCHUNK = PER_W // CB
NBUF = 8
LOOK = 7
NGROUP = NCHUNK // NBUF


def _sc_gather(idx3, table):
    mesh = plsc.VectorSubcoreMesh(core_axis_name="c", subcore_axis_name="s")

    @functools.partial(
        pl.kernel,
        mesh=mesh,
        compiler_params=pltpu.CompilerParams(use_tc_tiling_on_sc=False),
        out_type=jax.ShapeDtypeStruct((NTOK, 128), jnp.float32),
        scratch_types=[
            pltpu.VMEM((NCHUNK, CB), jnp.int32),
            pltpu.VMEM((NBUF, CB, 128), jnp.float32),
        ] + [pltpu.SemaphoreType.DMA] * (2 * NBUF),
    )
    def k(idx_hbm, w_hbm, out_hbm, idx_v, rows_v, *sems):
        sem_g, sem_p = sems[:NBUF], sems[NBUF:]
        wid = lax.axis_index("s") * NC + lax.axis_index("c")
        base = wid * PER_W
        pltpu.sync_copy(idx_hbm.at[wid], idx_v)

        def gather(j, b):
            pltpu.async_copy(w_hbm.at[idx_v.at[j]], rows_v.at[b], sem_g[b])

        def wait_gather(j, b):
            pltpu.make_async_copy(
                w_hbm.at[idx_v.at[j]], rows_v.at[b], sem_g[b]).wait()

        def put(j, b):
            pltpu.async_copy(
                rows_v.at[b, :, pl.ds(0, DIM)],
                out_hbm.at[pl.ds(base + j * CB, CB), pl.ds(0, DIM)], sem_p[b])

        def wait_put(b):
            pltpu.make_async_copy(
                rows_v.at[b, :, pl.ds(0, DIM)],
                out_hbm.at[pl.ds(base, CB), pl.ds(0, DIM)], sem_p[b]).wait()

        for t in range(LOOK):
            gather(t, t)
        for b in range(NBUF):
            wait_gather(b, b)
            put(b, b)
            jn = b + LOOK
            bn = jn % NBUF
            if jn >= NBUF:
                wait_put(bn)
            gather(jn, bn)

        def group(g, c):
            j0 = g * NBUF
            for b in range(NBUF):
                j = j0 + b
                wait_gather(j, b)
                put(j, b)
                bn = (b + LOOK) % NBUF
                wait_put(bn)
                gather(j + LOOK, bn)
            return c

        lax.fori_loop(1, NGROUP - 1, group, 0)

        j0 = NCHUNK - NBUF
        for b in range(NBUF):
            j = j0 + b
            wait_gather(j, b)
            put(j, b)
            jn = j + LOOK
            if jn < NCHUNK:
                bn = (b + LOOK) % NBUF
                wait_put(bn)
                gather(jn, bn)
        for b in range(NBUF):
            wait_put(b)

    return k(idx3, table)


def kernel(input_word, W):
    idx3 = input_word.reshape(NW, NCHUNK, CB)
    Wp = jnp.pad(W, ((0, 0), (0, 128 - DIM)))
    out = _sc_gather(idx3, Wp)
    return out[:, :DIM].reshape(B, L, DIM)

# --- scband reference (transcript-rebuilt; emitter-appended) ---
"""Pipeline reference for scband-word-encoder-74629351735742 (READ-ONLY COPY).

The authoritative reference and input builder live on the scoring server;
editing this copy changes nothing except your own understanding.
"""

import jax, jax.numpy as jnp
import numpy as np

VOCAB = 1000000
DIM = 64
PAD_IDX = 0
B, L = 4096, 200

def setup_inputs(seed: int = 0) -> dict:
    key = jax.random.key(seed)
    k1, k2 = jax.random.split(key)
    input_word = jax.random.randint(k1, (B, L), 0, VOCAB, dtype=jnp.int64 if jax.config.jax_enable_x64 else jnp.int32).astype(jnp.int32)
    W = jax.random.normal(k2, (VOCAB, DIM), dtype=jnp.float32)
    # nn.Embedding zeroes the padding_idx row at init
    W = W.at[PAD_IDX].set(0.0)
    return {"input_word": input_word, "W": W}

def reference(input_word, W):
    # forward: embedding lookup; dropout prob = 0.0 (identity)
    input_word_embed = jnp.take(W, input_word, axis=0)
    return input_word_embed

if __name__ == "__main__":
    import jax
    _d = setup_inputs()
    print(jax.jit(kernel)(*tuple(_d.values())))

</pallas_src>

<mosaic_0001>
#map = affine_map<(d0, d1) -> (0, 0, 0)>
#map1 = affine_map<(d0, d1) -> (0, 0)>
module attributes {stable_mosaic.version = 14 : i64} {
  func.func @k(%arg0: i32, %arg1: i32, %arg2: memref<32x400x64xi32, #tpu.memory_space<hbm>>, %arg3: memref<1000000x128xf32, #tpu.memory_space<hbm>>, %arg4: memref<819200x128xf32, #tpu.memory_space<hbm>>, %arg5: memref<400x64xi32, #tpu.memory_space<vmem>>, %arg6: memref<8x64x128xf32, #tpu.memory_space<vmem>>, %arg7: memref<!tpu.dma_semaphore, #tpu.memory_space<semaphore_mem>>, %arg8: memref<!tpu.dma_semaphore, #tpu.memory_space<semaphore_mem>>, %arg9: memref<!tpu.dma_semaphore, #tpu.memory_space<semaphore_mem>>, %arg10: memref<!tpu.dma_semaphore, #tpu.memory_space<semaphore_mem>>, %arg11: memref<!tpu.dma_semaphore, #tpu.memory_space<semaphore_mem>>, %arg12: memref<!tpu.dma_semaphore, #tpu.memory_space<semaphore_mem>>, %arg13: memref<!tpu.dma_semaphore, #tpu.memory_space<semaphore_mem>>, %arg14: memref<!tpu.dma_semaphore, #tpu.memory_space<semaphore_mem>>, %arg15: memref<!tpu.dma_semaphore, #tpu.memory_space<semaphore_mem>>, %arg16: memref<!tpu.dma_semaphore, #tpu.memory_space<semaphore_mem>>, %arg17: memref<!tpu.dma_semaphore, #tpu.memory_space<semaphore_mem>>, %arg18: memref<!tpu.dma_semaphore, #tpu.memory_space<semaphore_mem>>, %arg19: memref<!tpu.dma_semaphore, #tpu.memory_space<semaphore_mem>>, %arg20: memref<!tpu.dma_semaphore, #tpu.memory_space<semaphore_mem>>, %arg21: memref<!tpu.dma_semaphore, #tpu.memory_space<semaphore_mem>>, %arg22: memref<!tpu.dma_semaphore, #tpu.memory_space<semaphore_mem>>) attributes {dimension_semantics = [#tpu.dimension_semantics<core_parallel>, #tpu.dimension_semantics<subcore_parallel>], iteration_bounds = array<i64: 2, 16>, scalar_prefetch = 0 : i64, scratch_operands = 18 : i64, tpu.core_type = #tpu.core_type<sc_vector_subcore>, window_params = [{transform_indices = #map}, {transform_indices = #map1}, {transform_indices = #map1}]} {
    %mul3A = arith.constant 2 : i32
    %mul3A_0 = arith.muli %arg1, %mul3A : i32
    %add3A = arith.addi %mul3A_0, %arg0 : i32
    %mul3A_1 = arith.constant 25600 : i32
    %mul3A_2 = arith.muli %add3A, %mul3A_1 : i32
    "tpu.region"() ({
      %run_scoped3A = tpu.sem_alloc : memref<!tpu.dma_semaphore, #tpu.memory_space<semaphore_mem>>
      %dma_start3A_838 = arith.constant 0 : i32
      %dma_start3A_839 = arith.constant 0 : i32
      %dma_start3A_840 = tpu.memref_slice %arg2[%add3A, %dma_start3A_838, %dma_start3A_839] : memref<32x400x64xi32, #tpu.memory_space<hbm>> -> memref<1x400x64xi32, #tpu.memory_space<hbm>>
      %dma_start3A_841 = tpu.memref_squeeze %dma_start3A_840 : memref<1x400x64xi32, #tpu.memory_space<hbm>> -> memref<400x64xi32, #tpu.memory_space<hbm>>
      %dma_start3A_842 = arith.constant 0 : i32
      %dma_start3A_843 = arith.constant 0 : i32
      %dma_start3A_844 = tpu.memref_slice %arg2[%add3A, %dma_start3A_842, %dma_start3A_843] : memref<32x400x64xi32, #tpu.memory_space<hbm>> -> memref<1x400x64xi32, #tpu.memory_space<hbm>>
      %dma_start3A_845 = tpu.memref_squeeze %dma_start3A_844 : memref<1x400x64xi32, #tpu.memory_space<hbm>> -> memref<400x64xi32, #tpu.memory_space<hbm>>
      tpu.enqueue_dma source(%dma_start3A_845 : memref<400x64xi32, #tpu.memory_space<hbm>>) target(%arg5 : memref<400x64xi32, #tpu.memory_space<vmem>>) target_semaphore(%run_scoped3A : memref<!tpu.dma_semaphore, #tpu.memory_space<semaphore_mem>>)
      %dma_wait3A_846 = arith.constant 0 : i32
      %dma_wait3A_847 = arith.constant 0 : i32
      %dma_wait3A_848 = tpu.memref_slice %arg2[%add3A, %dma_wait3A_846, %dma_wait3A_847] : memref<32x400x64xi32, #tpu.memory_space<hbm>> -> memref<1x400x64xi32, #tpu.memory_space<hbm>>
      %dma_wait3A_849 = tpu.memref_squeeze %dma_wait3A_848 : memref<1x400x64xi32, #tpu.memory_space<hbm>> -> memref<400x64xi32, #tpu.memory_space<hbm>>
      %dma_wait3A_850 = arith.constant 0 : i32
      %dma_wait3A_851 = arith.constant 0 : i32
      %dma_wait3A_852 = tpu.memref_slice %arg2[%add3A, %dma_wait3A_850, %dma_wait3A_851] : memref<32x400x64xi32, #tpu.memory_space<hbm>> -> memref<1x400x64xi32, #tpu.memory_space<hbm>>
      %dma_wait3A_853 = tpu.memref_squeeze %dma_wait3A_852 : memref<1x400x64xi32, #tpu.memory_space<hbm>> -> memref<400x64xi32, #tpu.memory_space<hbm>>
      tpu.wait_dma2 semaphore(%run_scoped3A : memref<!tpu.dma_semaphore, #tpu.memory_space<semaphore_mem>>) src(%dma_wait3A_853 : memref<400x64xi32, #tpu.memory_space<hbm>>) dst(%arg5 : memref<400x64xi32, #tpu.memory_space<vmem>>)
      tpu.yield
    }) : () -> ()
    %dma_start3A = arith.constant 0 : i32
    %dma_start3A_3 = arith.constant 0 : i32
    %dma_start3A_4 = arith.constant 0 : i32
    %dma_start3A_5 = arith.constant 0 : i32
    %dma_start3A_6 = tpu.memref_slice %arg6[%dma_start3A_3, %dma_start3A_4, %dma_start3A_5] : memref<8x64x128xf32, #tpu.memory_space<vmem>> -> memref<1x64x128xf32, #tpu.memory_space<vmem>>
    %dma_start3A_7 = tpu.memref_squeeze %dma_start3A_6 : memref<1x64x128xf32, #tpu.memory_space<vmem>> -> memref<64x128xf32, #tpu.memory_space<vmem>>
    %dma_start3A_8 = arith.constant 0 : i32
    %dma_start3A_9 = tpu.memref_slice %arg5[%dma_start3A, %dma_start3A_8] : memref<400x64xi32, #tpu.memory_space<vmem>> -> memref<1x64xi32, #tpu.memory_space<vmem>>
    %dma_start3A_10 = tpu.memref_squeeze %dma_start3A_9 : memref<1x64xi32, #tpu.memory_space<vmem>> -> memref<64xi32, #tpu.memory_space<vmem>>
    %dma_start3A_11 = arith.constant 0 : i32
    %dma_start3A_12 = arith.constant 0 : i32
    %dma_start3A_13 = tpu.memref_slice %arg3[%dma_start3A_11, %dma_start3A_12] : memref<1000000x128xf32, #tpu.memory_space<hbm>> -> memref<1000000x128xf32, #tpu.memory_space<hbm>>
    tpu.enqueue_indirect_dma source(%dma_start3A_13 : memref<1000000x128xf32, #tpu.memory_space<hbm>>) target(%dma_start3A_7 : memref<64x128xf32, #tpu.memory_space<vmem>>) offsets(%dma_start3A_10 : memref<64xi32, #tpu.memory_space<vmem>>) semaphore(%arg7 : memref<!tpu.dma_semaphore, #tpu.memory_space<semaphore_mem>>)
    %dma_start3A_14 = arith.constant 1 : i32
    %dma_start3A_15 = arith.constant 1 : i32
    %dma_start3A_16 = arith.constant 0 : i32
    %dma_start3A_17 = arith.constant 0 : i32
    %dma_start3A_18 = tpu.memref_slice %arg6[%dma_start3A_15, %dma_start3A_16, %dma_start3A_17] : memref<8x64x128xf32, #tpu.memory_space<vmem>> -> memref<1x64x128xf32, #tpu.memory_space<vmem>>
    %dma_start3A_19 = tpu.memref_squeeze %dma_start3A_18 : memref<1x64x128xf32, #tpu.memory_space<vmem>> -> memref<64x128xf32, #tpu.memory_space<vmem>>
    %dma_start3A_20 = arith.constant 0 : i32
    %dma_start3A_21 = tpu.memref_slice %arg5[%dma_start3A_14, %dma_start3A_20] : memref<400x64xi32, #tpu.memory_space<vmem>> -> memref<1x64xi32, #tpu.memory_space<vmem>>
    %dma_start3A_22 = tpu.memref_squeeze %dma_start3A_21 : memref<1x64xi32, #tpu.memory_space<vmem>> -> memref<64xi32, #tpu.memory_space<vmem>>
    %dma_start3A_23 = arith.constant 0 : i32
    %dma_start3A_24 = arith.constant 0 : i32
    %dma_start3A_25 = tpu.memref_slice %arg3[%dma_start3A_23, %dma_start3A_24] : memref<1000000x128xf32, #tpu.memory_space<hbm>> -> memref<1000000x128xf32, #tpu.memory_space<hbm>>
    tpu.enqueue_indirect_dma source(%dma_start3A_25 : memref<1000000x128xf32, #tpu.memory_space<hbm>>) target(%dma_start3A_19 : memref<64x128xf32, #tpu.memory_space<vmem>>) offsets(%dma_start3A_22 : memref<64xi32, #tpu.memory_space<vmem>>) semaphore(%arg8 : memref<!tpu.dma_semaphore, #tpu.memory_space<semaphore_mem>>)
    %dma_start3A_26 = arith.constant 2 : i32
    %dma_start3A_27 = arith.constant 2 : i32
    %dma_start3A_28 = arith.constant 0 : i32
    %dma_start3A_29 = arith.constant 0 : i32
    %dma_start3A_30 = tpu.memref_slice %arg6[%dma_start3A_27, %dma_start3A_28, %dma_start3A_29] : memref<8x64x128xf32, #tpu.memory_space<vmem>> -> memref<1x64x128xf32, #tpu.memory_space<vmem>>
    %dma_start3A_31 = tpu.memref_squeeze %dma_start3A_30 : memref<1x64x128xf32, #tpu.memory_space<vmem>> -> memref<64x128xf32, #tpu.memory_space<vmem>>
    %dma_start3A_32 = arith.constant 0 : i32
    %dma_start3A_33 = tpu.memref_slice %arg5[%dma_start3A_26, %dma_start3A_32] : memref<400x64xi32, #tpu.memory_space<vmem>> -> memref<1x64xi32, #tpu.memory_space<vmem>>
    %dma_start3A_34 = tpu.memref_squeeze %dma_start3A_33 : memref<1x64xi32, #tpu.memory_space<vmem>> -> memref<64xi32, #tpu.memory_space<vmem>>
    %dma_start3A_35 = arith.constant 0 : i32
    %dma_start3A_36 = arith.constant 0 : i32
    %dma_start3A_37 = tpu.memref_slice %arg3[%dma_start3A_35, %dma_start3A_36] : memref<1000000x128xf32, #tpu.memory_space<hbm>> -> memref<1000000x128xf32, #tpu.memory_space<hbm>>
    tpu.enqueue_indirect_dma source(%dma_start3A_37 : memref<1000000x128xf32, #tpu.memory_space<hbm>>) target(%dma_start3A_31 : memref<64x128xf32, #tpu.memory_space<vmem>>) offsets(%dma_start3A_34 : memref<64xi32, #tpu.memory_space<vmem>>) semaphore(%arg9 : memref<!tpu.dma_semaphore, #tpu.memory_space<semaphore_mem>>)
    %dma_start3A_38 = arith.constant 3 : i32
    %dma_start3A_39 = arith.constant 3 : i32
    %dma_start3A_40 = arith.constant 0 : i32
    %dma_start3A_41 = arith.constant 0 : i32
    %dma_start3A_42 = tpu.memref_slice %arg6[%dma_start3A_39, %dma_start3A_40, %dma_start3A_41] : memref<8x64x128xf32, #tpu.memory_space<vmem>> -> memref<1x64x128xf32, #tpu.memory_space<vmem>>
    %dma_start3A_43 = tpu.memref_squeeze %dma_start3A_42 : memref<1x64x128xf32, #tpu.memory_space<vmem>> -> memref<64x128xf32, #tpu.memory_space<vmem>>
    %dma_start3A_44 = arith.constant 0 : i32
    %dma_start3A_45 = tpu.memref_slice %arg5[%dma_start3A_38, %dma_start3A_44] : memref<400x64xi32, #tpu.memory_space<vmem>> -> memref<1x64xi32, #tpu.memory_space<vmem>>
    %dma_start3A_46 = tpu.memref_squeeze %dma_start3A_45 : memref<1x64xi32, #tpu.memory_space<vmem>> -> memref<64xi32, #tpu.memory_space<vmem>>
    %dma_start3A_47 = arith.constant 0 : i32
    %dma_start3A_48 = arith.constant 0 : i32
    %dma_start3A_49 = tpu.memref_slice %arg3[%dma_start3A_47, %dma_start3A_48] : memref<1000000x128xf32, #tpu.memory_space<hbm>> -> memref<1000000x128xf32, #tpu.memory_space<hbm>>
    tpu.enqueue_indirect_dma source(%dma_start3A_49 : memref<1000000x128xf32, #tpu.memory_space<hbm>>) target(%dma_start3A_43 : memref<64x128xf32, #tpu.memory_space<vmem>>) offsets(%dma_start3A_46 : memref<64xi32, #tpu.memory_space<vmem>>) semaphore(%arg10 : memref<!tpu.dma_semaphore, #tpu.memory_space<semaphore_mem>>)
    %dma_start3A_50 = arith.constant 4 : i32
    %dma_start3A_51 = arith.constant 4 : i32
    %dma_start3A_52 = arith.constant 0 : i32
    %dma_start3A_53 = arith.constant 0 : i32
    %dma_start3A_54 = tpu.memref_slice %arg6[%dma_start3A_51, %dma_start3A_52, %dma_start3A_53] : memref<8x64x128xf32, #tpu.memory_space<vmem>> -> memref<1x64x128xf32, #tpu.memory_space<vmem>>
    %dma_start3A_55 = tpu.memref_squeeze %dma_start3A_54 : memref<1x64x128xf32, #tpu.memory_space<vmem>> -> memref<64x128xf32, #tpu.memory_space<vmem>>
    %dma_start3A_56 = arith.constant 0 : i32
    %dma_start3A_57 = tpu.memref_slice %arg5[%dma_start3A_50, %dma_start3A_56] : memref<400x64xi32, #tpu.memory_space<vmem>> -> memref<1x64xi32, #tpu.memory_space<vmem>>
    %dma_start3A_58 = tpu.memref_squeeze %dma_start3A_57 : memref<1x64xi32, #tpu.memory_space<vmem>> -> memref<64xi32, #tpu.memory_space<vmem>>
    %dma_start3A_59 = arith.constant 0 : i32
    %dma_start3A_60 = arith.constant 0 : i32
    %dma_start3A_61 = tpu.memref_slice %arg3[%dma_start3A_59, %dma_start3A_60] : memref<1000000x128xf32, #tpu.memory_space<hbm>> -> memref<1000000x128xf32, #tpu.memory_space<hbm>>
    tpu.enqueue_indirect_dma source(%dma_start3A_61 : memref<1000000x128xf32, #tpu.memory_space<hbm>>) target(%dma_start3A_55 : memref<64x128xf32, #tpu.memory_space<vmem>>) offsets(%dma_start3A_58 : memref<64xi32, #tpu.memory_space<vmem>>) semaphore(%arg11 : memref<!tpu.dma_semaphore, #tpu.memory_space<semaphore_mem>>)
    %dma_start3A_62 = arith.constant 5 : i32
    %dma_start3A_63 = arith.constant 5 : i32
    %dma_start3A_64 = arith.constant 0 : i32
    %dma_start3A_65 = arith.constant 0 : i32
    %dma_start3A_66 = tpu.memref_slice %arg6[%dma_start3A_63, %dma_start3A_64, %dma_start3A_65] : memref<8x64x128xf32, #tpu.memory_space<vmem>> -> memref<1x64x128xf32, #tpu.memory_space<vmem>>
    %dma_start3A_67 = tpu.memref_squeeze %dma_start3A_66 : memref<1x64x128xf32, #tpu.memory_space<vmem>> -> memref<64x128xf32, #tpu.memory_space<vmem>>
    %dma_start3A_68 = arith.constant 0 : i32
    %dma_start3A_69 = tpu.memref_slice %arg5[%dma_start3A_62, %dma_start3A_68] : memref<400x64xi32, #tpu.memory_space<vmem>> -> memref<1x64xi32, #tpu.memory_space<vmem>>
    %dma_start3A_70 = tpu.memref_squeeze %dma_start3A_69 : memref<1x64xi32, #tpu.memory_space<vmem>> -> memref<64xi32, #tpu.memory_space<vmem>>
    %dma_start3A_71 = arith.constant 0 : i32
    %dma_start3A_72 = arith.constant 0 : i32
    %dma_start3A_73 = tpu.memref_slice %arg3[%dma_start3A_71, %dma_start3A_72] : memref<1000000x128xf32, #tpu.memory_space<hbm>> -> memref<1000000x128xf32, #tpu.memory_space<hbm>>
    tpu.enqueue_indirect_dma source(%dma_start3A_73 : memref<1000000x128xf32, #tpu.memory_space<hbm>>) target(%dma_start3A_67 : memref<64x128xf32, #tpu.memory_space<vmem>>) offsets(%dma_start3A_70 : memref<64xi32, #tpu.memory_space<vmem>>) semaphore(%arg12 : memref<!tpu.dma_semaphore, #tpu.memory_space<semaphore_mem>>)
    %dma_start3A_74 = arith.constant 6 : i32
    %dma_start3A_75 = arith.constant 6 : i32
    %dma_start3A_76 = arith.constant 0 : i32
    %dma_start3A_77 = arith.constant 0 : i32
    %dma_start3A_78 = tpu.memref_slice %arg6[%dma_start3A_75, %dma_start3A_76, %dma_start3A_77] : memref<8x64x128xf32, #tpu.memory_space<vmem>> -> memref<1x64x128xf32, #tpu.memory_space<vmem>>
    %dma_start3A_79 = tpu.memref_squeeze %dma_start3A_78 : memref<1x64x128xf32, #tpu.memory_space<vmem>> -> memref<64x128xf32, #tpu.memory_space<vmem>>
    %dma_start3A_80 = arith.constant 0 : i32
    %dma_start3A_81 = tpu.memref_slice %arg5[%dma_start3A_74, %dma_start3A_80] : memref<400x64xi32, #tpu.memory_space<vmem>> -> memref<1x64xi32, #tpu.memory_space<vmem>>
    %dma_start3A_82 = tpu.memref_squeeze %dma_start3A_81 : memref<1x64xi32, #tpu.memory_space<vmem>> -> memref<64xi32, #tpu.memory_space<vmem>>
    %dma_start3A_83 = arith.constant 0 : i32
    %dma_start3A_84 = arith.constant 0 : i32
    %dma_start3A_85 = tpu.memref_slice %arg3[%dma_start3A_83, %dma_start3A_84] : memref<1000000x128xf32, #tpu.memory_space<hbm>> -> memref<1000000x128xf32, #tpu.memory_space<hbm>>
    tpu.enqueue_indirect_dma source(%dma_start3A_85 : memref<1000000x128xf32, #tpu.memory_space<hbm>>) target(%dma_start3A_79 : memref<64x128xf32, #tpu.memory_space<vmem>>) offsets(%dma_start3A_82 : memref<64xi32, #tpu.memory_space<vmem>>) semaphore(%arg13 : memref<!tpu.dma_semaphore, #tpu.memory_space<semaphore_mem>>)
    %dma_wait3A = arith.constant 0 : i32
    %dma_wait3A_86 = arith.constant 0 : i32
    %dma_wait3A_87 = arith.constant 0 : i32
    %dma_wait3A_88 = arith.constant 0 : i32
    %dma_wait3A_89 = tpu.memref_slice %arg6[%dma_wait3A_86, %dma_wait3A_87, %dma_wait3A_88] : memref<8x64x128xf32, #tpu.memory_space<vmem>> -> memref<1x64x128xf32, #tpu.memory_space<vmem>>
    %dma_wait3A_90 = tpu.memref_squeeze %dma_wait3A_89 : memref<1x64x128xf32, #tpu.memory_space<vmem>> -> memref<64x128xf32, #tpu.memory_space<vmem>>
    %dma_wait3A_91 = arith.constant 0 : i32
    %dma_wait3A_92 = tpu.memref_slice %arg5[%dma_wait3A, %dma_wait3A_91] : memref<400x64xi32, #tpu.memory_space<vmem>> -> memref<1x64xi32, #tpu.memory_space<vmem>>
    %dma_wait3A_93 = tpu.memref_squeeze %dma_wait3A_92 : memref<1x64xi32, #tpu.memory_space<vmem>> -> memref<64xi32, #tpu.memory_space<vmem>>
    %dma_wait3A_94 = arith.constant 0 : i32
    %dma_wait3A_95 = arith.constant 0 : i32
    %dma_wait3A_96 = tpu.memref_slice %arg3[%dma_wait3A_94, %dma_wait3A_95] : memref<1000000x128xf32, #tpu.memory_space<hbm>> -> memref<1000000x128xf32, #tpu.memory_space<hbm>>
    tpu.wait_indirect_dma semaphore(%arg7 : memref<!tpu.dma_semaphore, #tpu.memory_space<semaphore_mem>>) src(%dma_wait3A_96 : memref<1000000x128xf32, #tpu.memory_space<hbm>>) dst(%dma_wait3A_90 : memref<64x128xf32, #tpu.memory_space<vmem>>)
    %add3A_97 = arith.constant 0 : i32
    %add3A_98 = arith.addi %mul3A_2, %add3A_97 : i32
    %dma_start3A_99 = arith.constant 0 : i32
    %dma_start3A_100 = arith.constant 0 : i32
    %dma_start3A_101 = arith.constant 0 : i32
    %dma_start3A_102 = tpu.memref_slice %arg6[%dma_start3A_99, %dma_start3A_100, %dma_start3A_101] : memref<8x64x128xf32, #tpu.memory_space<vmem>> -> memref<1x64x64xf32, #tpu.memory_space<vmem>>
    %dma_start3A_103 = tpu.memref_squeeze %dma_start3A_102 : memref<1x64x64xf32, #tpu.memory_space<vmem>> -> memref<64x64xf32, #tpu.memory_space<vmem>>
    %dma_start3A_104 = arith.constant 0 : i32
    %dma_start3A_105 = tpu.memref_slice %arg4[%add3A_98, %dma_start3A_104] : memref<819200x128xf32, #tpu.memory_space<hbm>> -> memref<64x64xf32, #tpu.memory_space<hbm>>
    %dma_start3A_106 = arith.constant 0 : i32
    %dma_start3A_107 = tpu.memref_slice %arg4[%add3A_98, %dma_start3A_106] : memref<819200x128xf32, #tpu.memory_space<hbm>> -> memref<64x64xf32, #tpu.memory_space<hbm>>
    %dma_start3A_108 = arith.constant 0 : i32
    %dma_start3A_109 = arith.constant 0 : i32
    %dma_start3A_110 = tpu.memref_slice %arg6[%dma_start3A_99, %dma_start3A_108, %dma_start3A_109] : memref<8x64x128xf32, #tpu.memory_space<vmem>> -> memref<1x64x64xf32, #tpu.memory_space<vmem>>
    %dma_start3A_111 = tpu.memref_squeeze %dma_start3A_110 : memref<1x64x64xf32, #tpu.memory_space<vmem>> -> memref<64x64xf32, #tpu.memory_space<vmem>>
    tpu.enqueue_dma source(%dma_start3A_111 : memref<64x64xf32, #tpu.memory_space<vmem>>) target(%dma_start3A_107 : memref<64x64xf32, #tpu.memory_space<hbm>>) target_semaphore(%arg15 : memref<!tpu.dma_semaphore, #tpu.memory_space<semaphore_mem>>)
    %dma_start3A_112 = arith.constant 7 : i32
    %dma_start3A_113 = arith.constant 7 : i32
    %dma_start3A_114 = arith.constant 0 : i32
    %dma_start3A_115 = arith.constant 0 : i32
    %dma_start3A_116 = tpu.memref_slice %arg6[%dma_start3A_113, %dma_start3A_114, %dma_start3A_115] : memref<8x64x128xf32, #tpu.memory_space<vmem>> -> memref<1x64x128xf32, #tpu.memory_space<vmem>>
    %dma_start3A_117 = tpu.memref_squeeze %dma_start3A_116 : memref<1x64x128xf32, #tpu.memory_space<vmem>> -> memref<64x128xf32, #tpu.memory_space<vmem>>
    %dma_start3A_118 = arith.constant 0 : i32
    %dma_start3A_119 = tpu.memref_slice %arg5[%dma_start3A_112, %dma_start3A_118] : memref<400x64xi32, #tpu.memory_space<vmem>> -> memref<1x64xi32, #tpu.memory_space<vmem>>
    %dma_start3A_120 = tpu.memref_squeeze %dma_start3A_119 : memref<1x64xi32, #tpu.memory_space<vmem>> -> memref<64xi32, #tpu.memory_space<vmem>>
    %dma_start3A_121 = arith.constant 0 : i32
    %dma_start3A_122 = arith.constant 0 : i32
    %dma_start3A_123 = tpu.memref_slice %arg3[%dma_start3A_121, %dma_start3A_122] : memref<1000000x128xf32, #tpu.memory_space<hbm>> -> memref<1000000x128xf32, #tpu.memory_space<hbm>>
    tpu.enqueue_indirect_dma source(%dma_start3A_123 : memref<1000000x128xf32, #tpu.memory_space<hbm>>) target(%dma_start3A_117 : memref<64x128xf32, #tpu.memory_space<vmem>>) offsets(%dma_start3A_120 : memref<64xi32, #tpu.memory_space<vmem>>) semaphore(%arg14 : memref<!tpu.dma_semaphore, #tpu.memory_space<semaphore_mem>>)
    %dma_wait3A_124 = arith.constant 1 : i32
    %dma_wait3A_125 = arith.constant 1 : i32
    %dma_wait3A_126 = arith.constant 0 : i32
    %dma_wait3A_127 = arith.constant 0 : i32
    %dma_wait3A_128 = tpu.memref_slice %arg6[%dma_wait3A_125, %dma_wait3A_126, %dma_wait3A_127] : memref<8x64x128xf32, #tpu.memory_space<vmem>> -> memref<1x64x128xf32, #tpu.memory_space<vmem>>
    %dma_wait3A_129 = tpu.memref_squeeze %dma_wait3A_128 : memref<1x64x128xf32, #tpu.memory_space<vmem>> -> memref<64x128xf32, #tpu.memory_space<vmem>>
    %dma_wait3A_130 = arith.constant 0 : i32
    %dma_wait3A_131 = tpu.memref_slice %arg5[%dma_wait3A_124, %dma_wait3A_130] : memref<400x64xi32, #tpu.memory_space<vmem>> -> memref<1x64xi32, #tpu.memory_space<vmem>>
    %dma_wait3A_132 = tpu.memref_squeeze %dma_wait3A_131 : memref<1x64xi32, #tpu.memory_space<vmem>> -> memref<64xi32, #tpu.memory_space<vmem>>
    %dma_wait3A_133 = arith.constant 0 : i32
    %dma_wait3A_134 = arith.constant 0 : i32
    %dma_wait3A_135 = tpu.memref_slice %arg3[%dma_wait3A_133, %dma_wait3A_134] : memref<1000000x128xf32, #tpu.memory_space<hbm>> -> memref<1000000x128xf32, #tpu.memory_space<hbm>>
    tpu.wait_indirect_dma semaphore(%arg8 : memref<!tpu.dma_semaphore, #tpu.memory_space<semaphore_mem>>) src(%dma_wait3A_135 : memref<1000000x128xf32, #tpu.memory_space<hbm>>) dst(%dma_wait3A_129 : memref<64x128xf32, #tpu.memory_space<vmem>>)
    %add3A_136 = arith.constant 64 : i32
    %add3A_137 = arith.addi %mul3A_2, %add3A_136 : i32
    %dma_start3A_138 = arith.constant 1 : i32
    %dma_start3A_139 = arith.constant 0 : i32
    %dma_start3A_140 = arith.constant 0 : i32
    %dma_start3A_141 = tpu.memref_slice %arg6[%dma_start3A_138, %dma_start3A_139, %dma_start3A_140] : memref<8x64x128xf32, #tpu.memory_space<vmem>> -> memref<1x64x64xf32, #tpu.memory_space<vmem>>
    %dma_start3A_142 = tpu.memref_squeeze %dma_start3A_141 : memref<1x64x64xf32, #tpu.memory_space<vmem>> -> memref<64x64xf32, #tpu.memory_space<vmem>>
    %dma_start3A_143 = arith.constant 0 : i32
    %dma_start3A_144 = tpu.memref_slice %arg4[%add3A_137, %dma_start3A_143] : memref<819200x128xf32, #tpu.memory_space<hbm>> -> memref<64x64xf32, #tpu.memory_space<hbm>>
    %dma_start3A_145 = arith.constant 0 : i32
    %dma_start3A_146 = tpu.memref_slice %arg4[%add3A_137, %dma_start3A_145] : memref<819200x128xf32, #tpu.memory_space<hbm>> -> memref<64x64xf32, #tpu.memory_space<hbm>>
    %dma_start3A_147 = arith.constant 0 : i32
    %dma_start3A_148 = arith.constant 0 : i32
    %dma_start3A_149 = tpu.memref_slice %arg6[%dma_start3A_138, %dma_start3A_147, %dma_start3A_148] : memref<8x64x128xf32, #tpu.memory_space<vmem>> -> memref<1x64x64xf32, #tpu.memory_space<vmem>>
    %dma_start3A_150 = tpu.memref_squeeze %dma_start3A_149 : memref<1x64x64xf32, #tpu.memory_space<vmem>> -> memref<64x64xf32, #tpu.memory_space<vmem>>
    tpu.enqueue_dma source(%dma_start3A_150 : memref<64x64xf32, #tpu.memory_space<vmem>>) target(%dma_start3A_146 : memref<64x64xf32, #tpu.memory_space<hbm>>) target_semaphore(%arg16 : memref<!tpu.dma_semaphore, #tpu.memory_space<semaphore_mem>>)
    %dma_wait3A_151 = arith.constant 0 : i32
    %dma_wait3A_152 = arith.constant 0 : i32
    %dma_wait3A_153 = arith.constant 0 : i32
    %dma_wait3A_154 = tpu.memref_slice %arg6[%dma_wait3A_151, %dma_wait3A_152, %dma_wait3A_153] : memref<8x64x128xf32, #tpu.memory_space<vmem>> -> memref<1x64x64xf32, #tpu.memory_space<vmem>>
    %dma_wait3A_155 = tpu.memref_squeeze %dma_wait3A_154 : memref<1x64x64xf32, #tpu.memory_space<vmem>> -> memref<64x64xf32, #tpu.memory_space<vmem>>
    %dma_wait3A_156 = arith.constant 0 : i32
    %dma_wait3A_157 = tpu.memref_slice %arg4[%mul3A_2, %dma_wait3A_156] : memref<819200x128xf32, #tpu.memory_space<hbm>> -> memref<64x64xf32, #tpu.memory_space<hbm>>
    %dma_wait3A_158 = arith.constant 0 : i32
    %dma_wait3A_159 = tpu.memref_slice %arg4[%mul3A_2, %dma_wait3A_158] : memref<819200x128xf32, #tpu.memory_space<hbm>> -> memref<64x64xf32, #tpu.memory_space<hbm>>
    %dma_wait3A_160 = arith.constant 0 : i32
    %dma_wait3A_161 = arith.constant 0 : i32
    %dma_wait3A_162 = tpu.memref_slice %arg6[%dma_wait3A_151, %dma_wait3A_160, %dma_wait3A_161] : memref<8x64x128xf32, #tpu.memory_space<vmem>> -> memref<1x64x64xf32, #tpu.memory_space<vmem>>
    %dma_wait3A_163 = tpu.memref_squeeze %dma_wait3A_162 : memref<1x64x64xf32, #tpu.memory_space<vmem>> -> memref<64x64xf32, #tpu.memory_space<vmem>>
    tpu.wait_dma2 semaphore(%arg15 : memref<!tpu.dma_semaphore, #tpu.memory_space<semaphore_mem>>) src(%dma_wait3A_163 : memref<64x64xf32, #tpu.memory_space<vmem>>) dst(%dma_wait3A_159 : memref<64x64xf32, #tpu.memory_space<hbm>>)
    %dma_start3A_164 = arith.constant 8 : i32
    %dma_start3A_165 = arith.constant 0 : i32
    %dma_start3A_166 = arith.constant 0 : i32
    %dma_start3A_167 = arith.constant 0 : i32
    %dma_start3A_168 = tpu.memref_slice %arg6[%dma_start3A_165, %dma_start3A_166, %dma_start3A_167] : memref<8x64x128xf32, #tpu.memory_space<vmem>> -> memref<1x64x128xf32, #tpu.memory_space<vmem>>
    %dma_start3A_169 = tpu.memref_squeeze %dma_start3A_168 : memref<1x64x128xf32, #tpu.memory_space<vmem>> -> memref<64x128xf32, #tpu.memory_space<vmem>>
    %dma_start3A_170 = arith.constant 0 : i32
    %dma_start3A_171 = tpu.memref_slice %arg5[%dma_start3A_164, %dma_start3A_170] : memref<400x64xi32, #tpu.memory_space<vmem>> -> memref<1x64xi32, #tpu.memory_space<vmem>>
    %dma_start3A_172 = tpu.memref_squeeze %dma_start3A_171 : memref<1x64xi32, #tpu.memory_space<vmem>> -> memref<64xi32, #tpu.memory_space<vmem>>
    %dma_start3A_173 = arith.constant 0 : i32
    %dma_start3A_174 = arith.constant 0 : i32
    %dma_start3A_175 = tpu.memref_slice %arg3[%dma_start3A_173, %dma_start3A_174] : memref<1000000x128xf32, #tpu.memory_space<hbm>> -> memref<1000000x128xf32, #tpu.memory_space<hbm>>
    tpu.enqueue_indirect_dma source(%dma_start3A_175 : memref<1000000x128xf32, #tpu.memory_space<hbm>>) target(%dma_start3A_169 : memref<64x128xf32, #tpu.memory_space<vmem>>) offsets(%dma_start3A_172 : memref<64xi32, #tpu.memory_space<vmem>>) semaphore(%arg7 : memref<!tpu.dma_semaphore, #tpu.memory_space<semaphore_mem>>)
    %dma_wait3A_176 = arith.constant 2 : i32
    %dma_wait3A_177 = arith.constant 2 : i32
    %dma_wait3A_178 = arith.constant 0 : i32
    %dma_wait3A_179 = arith.constant 0 : i32
    %dma_wait3A_180 = tpu.memref_slice %arg6[%dma_wait3A_177, %dma_wait3A_178, %dma_wait3A_179] : memref<8x64x128xf32, #tpu.memory_space<vmem>> -> memref<1x64x128xf32, #tpu.memory_space<vmem>>
    %dma_wait3A_181 = tpu.memref_squeeze %dma_wait3A_180 : memref<1x64x128xf32, #tpu.memory_space<vmem>> -> memref<64x128xf32, #tpu.memory_space<vmem>>
    %dma_wait3A_182 = arith.constant 0 : i32
    %dma_wait3A_183 = tpu.memref_slice %arg5[%dma_wait3A_176, %dma_wait3A_182] : memref<400x64xi32, #tpu.memory_space<vmem>> -> memref<1x64xi32, #tpu.memory_space<vmem>>
    %dma_wait3A_184 = tpu.memref_squeeze %dma_wait3A_183 : memref<1x64xi32, #tpu.memory_space<vmem>> -> memref<64xi32, #tpu.memory_space<vmem>>
    %dma_wait3A_185 = arith.constant 0 : i32
    %dma_wait3A_186 = arith.constant 0 : i32
    %dma_wait3A_187 = tpu.memref_slice %arg3[%dma_wait3A_185, %dma_wait3A_186] : memref<1000000x128xf32, #tpu.memory_space<hbm>> -> memref<1000000x128xf32, #tpu.memory_space<hbm>>
    tpu.wait_indirect_dma semaphore(%arg9 : memref<!tpu.dma_semaphore, #tpu.memory_space<semaphore_mem>>) src(%dma_wait3A_187 : memref<1000000x128xf32, #tpu.memory_space<hbm>>) dst(%dma_wait3A_181 : memref<64x128xf32, #tpu.memory_space<vmem>>)
    %add3A_188 = arith.constant 128 : i32
    %add3A_189 = arith.addi %mul3A_2, %add3A_188 : i32
    %dma_start3A_190 = arith.constant 2 : i32
    %dma_start3A_191 = arith.constant 0 : i32
    %dma_start3A_192 = arith.constant 0 : i32
    %dma_start3A_193 = tpu.memref_slice %arg6[%dma_start3A_190, %dma_start3A_191, %dma_start3A_192] : memref<8x64x128xf32, #tpu.memory_space<vmem>> -> memref<1x64x64xf32, #tpu.memory_space<vmem>>
    %dma_start3A_194 = tpu.memref_squeeze %dma_start3A_193 : memref<1x64x64xf32, #tpu.memory_space<vmem>> -> memref<64x64xf32, #tpu.memory_space<vmem>>
    %dma_start3A_195 = arith.constant 0 : i32
    %dma_start3A_196 = tpu.memref_slice %arg4[%add3A_189, %dma_start3A_195] : memref<819200x128xf32, #tpu.memory_space<hbm>> -> memref<64x64xf32, #tpu.memory_space<hbm>>
    %dma_start3A_197 = arith.constant 0 : i32
    %dma_start3A_198 = tpu.memref_slice %arg4[%add3A_189, %dma_start3A_197] : memref<819200x128xf32, #tpu.memory_space<hbm>> -> memref<64x64xf32, #tpu.memory_space<hbm>>
    %dma_start3A_199 = arith.constant 0 : i32
    %dma_start3A_200 = arith.constant 0 : i32
    %dma_start3A_201 = tpu.memref_slice %arg6[%dma_start3A_190, %dma_start3A_199, %dma_start3A_200] : memref<8x64x128xf32, #tpu.memory_space<vmem>> -> memref<1x64x64xf32, #tpu.memory_space<vmem>>
    %dma_start3A_202 = tpu.memref_squeeze %dma_start3A_201 : memref<1x64x64xf32, #tpu.memory_space<vmem>> -> memref<64x64xf32, #tpu.memory_space<vmem>>
    tpu.enqueue_dma source(%dma_start3A_202 : memref<64x64xf32, #tpu.memory_space<vmem>>) target(%dma_start3A_198 : memref<64x64xf32, #tpu.memory_space<hbm>>) target_semaphore(%arg17 : memref<!tpu.dma_semaphore, #tpu.memory_space<semaphore_mem>>)
    %dma_wait3A_203 = arith.constant 1 : i32
    %dma_wait3A_204 = arith.constant 0 : i32
    %dma_wait3A_205 = arith.constant 0 : i32
    %dma_wait3A_206 = tpu.memref_slice %arg6[%dma_wait3A_203, %dma_wait3A_204, %dma_wait3A_205] : memref<8x64x128xf32, #tpu.memory_space<vmem>> -> memref<1x64x64xf32, #tpu.memory_space<vmem>>
    %dma_wait3A_207 = tpu.memref_squeeze %dma_wait3A_206 : memref<1x64x64xf32, #tpu.memory_space<vmem>> -> memref<64x64xf32, #tpu.memory_space<vmem>>
    %dma_wait3A_208 = arith.constant 0 : i32
    %dma_wait3A_209 = tpu.memref_slice %arg4[%mul3A_2, %dma_wait3A_208] : memref<819200x128xf32, #tpu.memory_space<hbm>> -> memref<64x64xf32, #tpu.memory_space<hbm>>
    %dma_wait3A_210 = arith.constant 0 : i32
    %dma_wait3A_211 = tpu.memref_slice %arg4[%mul3A_2, %dma_wait3A_210] : memref<819200x128xf32, #tpu.memory_space<hbm>> -> memref<64x64xf32, #tpu.memory_space<hbm>>
    %dma_wait3A_212 = arith.constant 0 : i32
    %dma_wait3A_213 = arith.constant 0 : i32
    %dma_wait3A_214 = tpu.memref_slice %arg6[%dma_wait3A_203, %dma_wait3A_212, %dma_wait3A_213] : memref<8x64x128xf32, #tpu.memory_space<vmem>> -> memref<1x64x64xf32, #tpu.memory_space<vmem>>
    %dma_wait3A_215 = tpu.memref_squeeze %dma_wait3A_214 : memref<1x64x64xf32, #tpu.memory_space<vmem>> -> memref<64x64xf32, #tpu.memory_space<vmem>>
    tpu.wait_dma2 semaphore(%arg16 : memref<!tpu.dma_semaphore, #tpu.memory_space<semaphore_mem>>) src(%dma_wait3A_215 : memref<64x64xf32, #tpu.memory_space<vmem>>) dst(%dma_wait3A_211 : memref<64x64xf32, #tpu.memory_space<hbm>>)
    %dma_start3A_216 = arith.constant 9 : i32
    %dma_start3A_217 = arith.constant 1 : i32
    %dma_start3A_218 = arith.constant 0 : i32
    %dma_start3A_219 = arith.constant 0 : i32
    %dma_start3A_220 = tpu.memref_slice %arg6[%dma_start3A_217, %dma_start3A_218, %dma_start3A_219] : memref<8x64x128xf32, #tpu.memory_space<vmem>> -> memref<1x64x128xf32, #tpu.memory_space<vmem>>
    %dma_start3A_221 = tpu.memref_squeeze %dma_start3A_220 : memref<1x64x128xf32, #tpu.memory_space<vmem>> -> memref<64x128xf32, #tpu.memory_space<vmem>>
    %dma_start3A_222 = arith.constant 0 : i32
    %dma_start3A_223 = tpu.memref_slice %arg5[%dma_start3A_216, %dma_start3A_222] : memref<400x64xi32, #tpu.memory_space<vmem>> -> memref<1x64xi32, #tpu.memory_space<vmem>>
    %dma_start3A_224 = tpu.memref_squeeze %dma_start3A_223 : memref<1x64xi32, #tpu.memory_space<vmem>> -> memref<64xi32, #tpu.memory_space<vmem>>
    %dma_start3A_225 = arith.constant 0 : i32
    %dma_start3A_226 = arith.constant 0 : i32
    %dma_start3A_227 = tpu.memref_slice %arg3[%dma_start3A_225, %dma_start3A_226] : memref<1000000x128xf32, #tpu.memory_space<hbm>> -> memref<1000000x128xf32, #tpu.memory_space<hbm>>
    tpu.enqueue_indirect_dma source(%dma_start3A_227 : memref<1000000x128xf32, #tpu.memory_space<hbm>>) target(%dma_start3A_221 : memref<64x128xf32, #tpu.memory_space<vmem>>) offsets(%dma_start3A_224 : memref<64xi32, #tpu.memory_space<vmem>>) semaphore(%arg8 : memref<!tpu.dma_semaphore, #tpu.memory_space<semaphore_mem>>)
    %dma_wait3A_228 = arith.constant 3 : i32
    %dma_wait3A_229 = arith.constant 3 : i32
    %dma_wait3A_230 = arith.constant 0 : i32
    %dma_wait3A_231 = arith.constant 0 : i32
    %dma_wait3A_232 = tpu.memref_slice %arg6[%dma_wait3A_229, %dma_wait3A_230, %dma_wait3A_231] : memref<8x64x128xf32, #tpu.memory_space<vmem>> -> memref<1x64x128xf32, #tpu.memory_space<vmem>>
    %dma_wait3A_233 = tpu.memref_squeeze %dma_wait3A_232 : memref<1x64x128xf32, #tpu.memory_space<vmem>> -> memref<64x128xf32, #tpu.memory_space<vmem>>
    %dma_wait3A_234 = arith.constant 0 : i32
    %dma_wait3A_235 = tpu.memref_slice %arg5[%dma_wait3A_228, %dma_wait3A_234] : memref<400x64xi32, #tpu.memory_space<vmem>> -> memref<1x64xi32, #tpu.memory_space<vmem>>
    %dma_wait3A_236 = tpu.memref_squeeze %dma_wait3A_235 : memref<1x64xi32, #tpu.memory_space<vmem>> -> memref<64xi32, #tpu.memory_space<vmem>>
    %dma_wait3A_237 = arith.constant 0 : i32
    %dma_wait3A_238 = arith.constant 0 : i32
    %dma_wait3A_239 = tpu.memref_slice %arg3[%dma_wait3A_237, %dma_wait3A_238] : memref<1000000x128xf32, #tpu.memory_space<hbm>> -> memref<1000000x128xf32, #tpu.memory_space<hbm>>
    tpu.wait_indirect_dma semaphore(%arg10 : memref<!tpu.dma_semaphore, #tpu.memory_space<semaphore_mem>>) src(%dma_wait3A_239 : memref<1000000x128xf32, #tpu.memory_space<hbm>>) dst(%dma_wait3A_233 : memref<64x128xf32, #tpu.memory_space<vmem>>)
    %add3A_240 = arith.constant 192 : i32
    %add3A_241 = arith.addi %mul3A_2, %add3A_240 : i32
    %dma_start3A_242 = arith.constant 3 : i32
    %dma_start3A_243 = arith.constant 0 : i32
    %dma_start3A_244 = arith.constant 0 : i32
    %dma_start3A_245 = tpu.memref_slice %arg6[%dma_start3A_242, %dma_start3A_243, %dma_start3A_244] : memref<8x64x128xf32, #tpu.memory_space<vmem>> -> memref<1x64x64xf32, #tpu.memory_space<vmem>>
    %dma_start3A_246 = tpu.memref_squeeze %dma_start3A_245 : memref<1x64x64xf32, #tpu.memory_space<vmem>> -> memref<64x64xf32, #tpu.memory_space<vmem>>
    %dma_start3A_247 = arith.constant 0 : i32
    %dma_start3A_248 = tpu.memref_slice %arg4[%add3A_241, %dma_start3A_247] : memref<819200x128xf32, #tpu.memory_space<hbm>> -> memref<64x64xf32, #tpu.memory_space<hbm>>
    %dma_start3A_249 = arith.constant 0 : i32
    %dma_start3A_250 = tpu.memref_slice %arg4[%add3A_241, %dma_start3A_249] : memref<819200x128xf32, #tpu.memory_space<hbm>> -> memref<64x64xf32, #tpu.memory_space<hbm>>
    %dma_start3A_251 = arith.constant 0 : i32
    %dma_start3A_252 = arith.constant 0 : i32
    %dma_start3A_253 = tpu.memref_slice %arg6[%dma_start3A_242, %dma_start3A_251, %dma_start3A_252] : memref<8x64x128xf32, #tpu.memory_space<vmem>> -> memref<1x64x64xf32, #tpu.memory_space<vmem>>
    %dma_start3A_254 = tpu.memref_squeeze %dma_start3A_253 : memref<1x64x64xf32, #tpu.memory_space<vmem>> -> memref<64x64xf32, #tpu.memory_space<vmem>>
    tpu.enqueue_dma source(%dma_start3A_254 : memref<64x64xf32, #tpu.memory_space<vmem>>) target(%dma_start3A_250 : memref<64x64xf32, #tpu.memory_space<hbm>>) target_semaphore(%arg18 : memref<!tpu.dma_semaphore, #tpu.memory_space<semaphore_mem>>)
    %dma_wait3A_255 = arith.constant 2 : i32
    %dma_wait3A_256 = arith.constant 0 : i32
    %dma_wait3A_257 = arith.constant 0 : i32
    %dma_wait3A_258 = tpu.memref_slice %arg6[%dma_wait3A_255, %dma_wait3A_256, %dma_wait3A_257] : memref<8x64x128xf32, #tpu.memory_space<vmem>> -> memref<1x64x64xf32, #tpu.memory_space<vmem>>
    %dma_wait3A_259 = tpu.memref_squeeze %dma_wait3A_258 : memref<1x64x64xf32, #tpu.memory_space<vmem>> -> memref<64x64xf32, #tpu.memory_space<vmem>>
    %dma_wait3A_260 = arith.constant 0 : i32
    %dma_wait3A_261 = tpu.memref_slice %arg4[%mul3A_2, %dma_wait3A_260] : memref<819200x128xf32, #tpu.memory_space<hbm>> -> memref<64x64xf32, #tpu.memory_space<hbm>>
    %dma_wait3A_262 = arith.constant 0 : i32
    %dma_wait3A_263 = tpu.memref_slice %arg4[%mul3A_2, %dma_wait3A_262] : memref<819200x128xf32, #tpu.memory_space<hbm>> -> memref<64x64xf32, #tpu.memory_space<hbm>>
    %dma_wait3A_264 = arith.constant 0 : i32
    %dma_wait3A_265 = arith.constant 0 : i32
    %dma_wait3A_266 = tpu.memref_slice %arg6[%dma_wait3A_255, %dma_wait3A_264, %dma_wait3A_265] : memref<8x64x128xf32, #tpu.memory_space<vmem>> -> memref<1x64x64xf32, #tpu.memory_space<vmem>>
    %dma_wait3A_267 = tpu.memref_squeeze %dma_wait3A_266 : memref<1x64x64xf32, #tpu.memory_space<vmem>> -> memref<64x64xf32, #tpu.memory_space<vmem>>
    tpu.wait_dma2 semaphore(%arg17 : memref<!tpu.dma_semaphore, #tpu.memory_space<semaphore_mem>>) src(%dma_wait3A_267 : memref<64x64xf32, #tpu.memory_space<vmem>>) dst(%dma_wait3A_263 : memref<64x64xf32, #tpu.memory_space<hbm>>)
    %dma_start3A_268 = arith.constant 10 : i32
    %dma_start3A_269 = arith.constant 2 : i32
    %dma_start3A_270 = arith.constant 0 : i32
    %dma_start3A_271 = arith.constant 0 : i32
    %dma_start3A_272 = tpu.memref_slice %arg6[%dma_start3A_269, %dma_start3A_270, %dma_start3A_271] : memref<8x64x128xf32, #tpu.memory_space<vmem>> -> memref<1x64x128xf32, #tpu.memory_space<vmem>>
    %dma_start3A_273 = tpu.memref_squeeze %dma_start3A_272 : memref<1x64x128xf32, #tpu.memory_space<vmem>> -> memref<64x128xf32, #tpu.memory_space<vmem>>
    %dma_start3A_274 = arith.constant 0 : i32
    %dma_start3A_275 = tpu.memref_slice %arg5[%dma_start3A_268, %dma_start3A_274] : memref<400x64xi32, #tpu.memory_space<vmem>> -> memref<1x64xi32, #tpu.memory_space<vmem>>
    %dma_start3A_276 = tpu.memref_squeeze %dma_start3A_275 : memref<1x64xi32, #tpu.memory_space<vmem>> -> memref<64xi32, #tpu.memory_space<vmem>>
    %dma_start3A_277 = arith.constant 0 : i32
    %dma_start3A_278 = arith.constant 0 : i32
    %dma_start3A_279 = tpu.memref_slice %arg3[%dma_start3A_277, %dma_start3A_278] : memref<1000000x128xf32, #tpu.memory_space<hbm>> -> memref<1000000x128xf32, #tpu.memory_space<hbm>>
    tpu.enqueue_indirect_dma source(%dma_start3A_279 : memref<1000000x128xf32, #tpu.memory_space<hbm>>) target(%dma_start3A_273 : memref<64x128xf32, #tpu.memory_space<vmem>>) offsets(%dma_start3A_276 : memref<64xi32, #tpu.memory_space<vmem>>) semaphore(%arg9 : memref<!tpu.dma_semaphore, #tpu.memory_space<semaphore_mem>>)
    %dma_wait3A_280 = arith.constant 4 : i32
    %dma_wait3A_281 = arith.constant 4 : i32
    %dma_wait3A_282 = arith.constant 0 : i32
    %dma_wait3A_283 = arith.constant 0 : i32
    %dma_wait3A_284 = tpu.memref_slice %arg6[%dma_wait3A_281, %dma_wait3A_282, %dma_wait3A_283] : memref<8x64x128xf32, #tpu.memory_space<vmem>> -> memref<1x64x128xf32, #tpu.memory_space<vmem>>
    %dma_wait3A_285 = tpu.memref_squeeze %dma_wait3A_284 : memref<1x64x128xf32, #tpu.memory_space<vmem>> -> memref<64x128xf32, #tpu.memory_space<vmem>>
    %dma_wait3A_286 = arith.constant 0 : i32
    %dma_wait3A_287 = tpu.memref_slice %arg5[%dma_wait3A_280, %dma_wait3A_286] : memref<400x64xi32, #tpu.memory_space<vmem>> -> memref<1x64xi32, #tpu.memory_space<vmem>>
    %dma_wait3A_288 = tpu.memref_squeeze %dma_wait3A_287 : memref<1x64xi32, #tpu.memory_space<vmem>> -> memref<64xi32, #tpu.memory_space<vmem>>
    %dma_wait3A_289 = arith.constant 0 : i32
    %dma_wait3A_290 = arith.constant 0 : i32
    %dma_wait3A_291 = tpu.memref_slice %arg3[%dma_wait3A_289, %dma_wait3A_290] : memref<1000000x128xf32, #tpu.memory_space<hbm>> -> memref<1000000x128xf32, #tpu.memory_space<hbm>>
    tpu.wait_indirect_dma semaphore(%arg11 : memref<!tpu.dma_semaphore, #tpu.memory_space<semaphore_mem>>) src(%dma_wait3A_291 : memref<1000000x128xf32, #tpu.memory_space<hbm>>) dst(%dma_wait3A_285 : memref<64x128xf32, #tpu.memory_space<vmem>>)
    %add3A_292 = arith.constant 256 : i32
    %add3A_293 = arith.addi %mul3A_2, %add3A_292 : i32
    %dma_start3A_294 = arith.constant 4 : i32
    %dma_start3A_295 = arith.constant 0 : i32
    %dma_start3A_296 = arith.constant 0 : i32
    %dma_start3A_297 = tpu.memref_slice %arg6[%dma_start3A_294, %dma_start3A_295, %dma_start3A_296] : memref<8x64x128xf32, #tpu.memory_space<vmem>> -> memref<1x64x64xf32, #tpu.memory_space<vmem>>
    %dma_start3A_298 = tpu.memref_squeeze %dma_start3A_297 : memref<1x64x64xf32, #tpu.memory_space<vmem>> -> memref<64x64xf32, #tpu.memory_space<vmem>>
    %dma_start3A_299 = arith.constant 0 : i32
    %dma_start3A_300 = tpu.memref_slice %arg4[%add3A_293, %dma_start3A_299] : memref<819200x128xf32, #tpu.memory_space<hbm>> -> memref<64x64xf32, #tpu.memory_space<hbm>>
    %dma_start3A_301 = arith.constant 0 : i32
    %dma_start3A_302 = tpu.memref_slice %arg4[%add3A_293, %dma_start3A_301] : memref<819200x128xf32, #tpu.memory_space<hbm>> -> memref<64x64xf32, #tpu.memory_space<hbm>>
    %dma_start3A_303 = arith.constant 0 : i32
    %dma_start3A_304 = arith.constant 0 : i32
    %dma_start3A_305 = tpu.memref_slice %arg6[%dma_start3A_294, %dma_start3A_303, %dma_start3A_304] : memref<8x64x128xf32, #tpu.memory_space<vmem>> -> memref<1x64x64xf32, #tpu.memory_space<vmem>>
    %dma_start3A_306 = tpu.memref_squeeze %dma_start3A_305 : memref<1x64x64xf32, #tpu.memory_space<vmem>> -> memref<64x64xf32, #tpu.memory_space<vmem>>
    tpu.enqueue_dma source(%dma_start3A_306 : memref<64x64xf32, #tpu.memory_space<vmem>>) target(%dma_start3A_302 : memref<64x64xf32, #tpu.memory_space<hbm>>) target_semaphore(%arg19 : memref<!tpu.dma_semaphore, #tpu.memory_space<semaphore_mem>>)
    %dma_wait3A_307 = arith.constant 3 : i32
    %dma_wait3A_308 = arith.constant 0 : i32
    %dma_wait3A_309 = arith.constant 0 : i32
    %dma_wait3A_310 = tpu.memref_slice %arg6[%dma_wait3A_307, %dma_wait3A_308, %dma_wait3A_309] : memref<8x64x128xf32, #tpu.memory_space<vmem>> -> memref<1x64x64xf32, #tpu.memory_space<vmem>>
    %dma_wait3A_311 = tpu.memref_squeeze %dma_wait3A_310 : memref<1x64x64xf32, #tpu.memory_space<vmem>> -> memref<64x64xf32, #tpu.memory_space<vmem>>
    %dma_wait3A_312 = arith.constant 0 : i32
    %dma_wait3A_313 = tpu.memref_slice %arg4[%mul3A_2, %dma_wait3A_312] : memref<819200x128xf32, #tpu.memory_space<hbm>> -> memref<64x64xf32, #tpu.memory_space<hbm>>
    %dma_wait3A_314 = arith.constant 0 : i32
    %dma_wait3A_315 = tpu.memref_slice %arg4[%mul3A_2, %dma_wait3A_314] : memref<819200x128xf32, #tpu.memory_space<hbm>> -> memref<64x64xf32, #tpu.memory_space<hbm>>
    %dma_wait3A_316 = arith.constant 0 : i32
    %dma_wait3A_317 = arith.constant 0 : i32
    %dma_wait3A_318 = tpu.memref_slice %arg6[%dma_wait3A_307, %dma_wait3A_316, %dma_wait3A_317] : memref<8x64x128xf32, #tpu.memory_space<vmem>> -> memref<1x64x64xf32, #tpu.memory_space<vmem>>
    %dma_wait3A_319 = tpu.memref_squeeze %dma_wait3A_318 : memref<1x64x64xf32, #tpu.memory_space<vmem>> -> memref<64x64xf32, #tpu.memory_space<vmem>>
    tpu.wait_dma2 semaphore(%arg18 : memref<!tpu.dma_semaphore, #tpu.memory_space<semaphore_mem>>) src(%dma_wait3A_319 : memref<64x64xf32, #tpu.memory_space<vmem>>) dst(%dma_wait3A_315 : memref<64x64xf32, #tpu.memory_space<hbm>>)
    %dma_start3A_320 = arith.constant 11 : i32
    %dma_start3A_321 = arith.constant 3 : i32
    %dma_start3A_322 = arith.constant 0 : i32
    %dma_start3A_323 = arith.constant 0 : i32
    %dma_start3A_324 = tpu.memref_slice %arg6[%dma_start3A_321, %dma_start3A_322, %dma_start3A_323] : memref<8x64x128xf32, #tpu.memory_space<vmem>> -> memref<1x64x128xf32, #tpu.memory_space<vmem>>
    %dma_start3A_325 = tpu.memref_squeeze %dma_start3A_324 : memref<1x64x128xf32, #tpu.memory_space<vmem>> -> memref<64x128xf32, #tpu.memory_space<vmem>>
    %dma_start3A_326 = arith.constant 0 : i32
    %dma_start3A_327 = tpu.memref_slice %arg5[%dma_start3A_320, %dma_start3A_326] : memref<400x64xi32, #tpu.memory_space<vmem>> -> memref<1x64xi32, #tpu.memory_space<vmem>>
    %dma_start3A_328 = tpu.memref_squeeze %dma_start3A_327 : memref<1x64xi32, #tpu.memory_space<vmem>> -> memref<64xi32, #tpu.memory_space<vmem>>
    %dma_start3A_329 = arith.constant 0 : i32
    %dma_start3A_330 = arith.constant 0 : i32
    %dma_start3A_331 = tpu.memref_slice %arg3[%dma_start3A_329, %dma_start3A_330] : memref<1000000x128xf32, #tpu.memory_space<hbm>> -> memref<1000000x128xf32, #tpu.memory_space<hbm>>
    tpu.enqueue_indirect_dma source(%dma_start3A_331 : memref<1000000x128xf32, #tpu.memory_space<hbm>>) target(%dma_start3A_325 : memref<64x128xf32, #tpu.memory_space<vmem>>) offsets(%dma_start3A_328 : memref<64xi32, #tpu.memory_space<vmem>>) semaphore(%arg10 : memref<!tpu.dma_semaphore, #tpu.memory_space<semaphore_mem>>)
    %dma_wait3A_332 = arith.constant 5 : i32
    %dma_wait3A_333 = arith.constant 5 : i32
    %dma_wait3A_334 = arith.constant 0 : i32
    %dma_wait3A_335 = arith.constant 0 : i32
    %dma_wait3A_336 = tpu.memref_slice %arg6[%dma_wait3A_333, %dma_wait3A_334, %dma_wait3A_335] : memref<8x64x128xf32, #tpu.memory_space<vmem>> -> memref<1x64x128xf32, #tpu.memory_space<vmem>>
    %dma_wait3A_337 = tpu.memref_squeeze %dma_wait3A_336 : memref<1x64x128xf32, #tpu.memory_space<vmem>> -> memref<64x128xf32, #tpu.memory_space<vmem>>
    %dma_wait3A_338 = arith.constant 0 : i32
    %dma_wait3A_339 = tpu.memref_slice %arg5[%dma_wait3A_332, %dma_wait3A_338] : memref<400x64xi32, #tpu.memory_space<vmem>> -> memref<1x64xi32, #tpu.memory_space<vmem>>
    %dma_wait3A_340 = tpu.memref_squeeze %dma_wait3A_339 : memref<1x64xi32, #tpu.memory_space<vmem>> -> memref<64xi32, #tpu.memory_space<vmem>>
    %dma_wait3A_341 = arith.constant 0 : i32
    %dma_wait3A_342 = arith.constant 0 : i32
    %dma_wait3A_343 = tpu.memref_slice %arg3[%dma_wait3A_341, %dma_wait3A_342] : memref<1000000x128xf32, #tpu.memory_space<hbm>> -> memref<1000000x128xf32, #tpu.memory_space<hbm>>
    tpu.wait_indirect_dma semaphore(%arg12 : memref<!tpu.dma_semaphore, #tpu.memory_space<semaphore_mem>>) src(%dma_wait3A_343 : memref<1000000x128xf32, #tpu.memory_space<hbm>>) dst(%dma_wait3A_337 : memref<64x128xf32, #tpu.memory_space<vmem>>)
    %add3A_344 = arith.constant 320 : i32
    %add3A_345 = arith.addi %mul3A_2, %add3A_344 : i32
    %dma_start3A_346 = arith.constant 5 : i32
    %dma_start3A_347 = arith.constant 0 : i32
    %dma_start3A_348 = arith.constant 0 : i32
    %dma_start3A_349 = tpu.memref_slice %arg6[%dma_start3A_346, %dma_start3A_347, %dma_start3A_348] : memref<8x64x128xf32, #tpu.memory_space<vmem>> -> memref<1x64x64xf32, #tpu.memory_space<vmem>>
    %dma_start3A_350 = tpu.memref_squeeze %dma_start3A_349 : memref<1x64x64xf32, #tpu.memory_space<vmem>> -> memref<64x64xf32, #tpu.memory_space<vmem>>
    %dma_start3A_351 = arith.constant 0 : i32
    %dma_start3A_352 = tpu.memref_slice %arg4[%add3A_345, %dma_start3A_351] : memref<819200x128xf32, #tpu.memory_space<hbm>> -> memref<64x64xf32, #tpu.memory_space<hbm>>
    %dma_start3A_353 = arith.constant 0 : i32
    %dma_start3A_354 = tpu.memref_slice %arg4[%add3A_345, %dma_start3A_353] : memref<819200x128xf32, #tpu.memory_space<hbm>> -> memref<64x64xf32, #tpu.memory_space<hbm>>
    %dma_start3A_355 = arith.constant 0 : i32
    %dma_start3A_356 = arith.constant 0 : i32
    %dma_start3A_357 = tpu.memref_slice %arg6[%dma_start3A_346, %dma_start3A_355, %dma_start3A_356] : memref<8x64x128xf32, #tpu.memory_space<vmem>> -> memref<1x64x64xf32, #tpu.memory_space<vmem>>
    %dma_start3A_358 = tpu.memref_squeeze %dma_start3A_357 : memref<1x64x64xf32, #tpu.memory_space<vmem>> -> memref<64x64xf32, #tpu.memory_space<vmem>>
    tpu.enqueue_dma source(%dma_start3A_358 : memref<64x64xf32, #tpu.memory_space<vmem>>) target(%dma_start3A_354 : memref<64x64xf32, #tpu.memory_space<hbm>>) target_semaphore(%arg20 : memref<!tpu.dma_semaphore, #tpu.memory_space<semaphore_mem>>)
    %dma_wait3A_359 = arith.constant 4 : i32
    %dma_wait3A_360 = arith.constant 0 : i32
    %dma_wait3A_361 = arith.constant 0 : i32
    %dma_wait3A_362 = tpu.memref_slice %arg6[%dma_wait3A_359, %dma_wait3A_360, %dma_wait3A_361] : memref<8x64x128xf32, #tpu.memory_space<vmem>> -> memref<1x64x64xf32, #tpu.memory_space<vmem>>
    %dma_wait3A_363 = tpu.memref_squeeze %dma_wait3A_362 : memref<1x64x64xf32, #tpu.memory_space<vmem>> -> memref<64x64xf32, #tpu.memory_space<vmem>>
    %dma_wait3A_364 = arith.constant 0 : i32
    %dma_wait3A_365 = tpu.memref_slice %arg4[%mul3A_2, %dma_wait3A_364] : memref<819200x128xf32, #tpu.memory_space<hbm>> -> memref<64x64xf32, #tpu.memory_space<hbm>>
    %dma_wait3A_366 = arith.constant 0 : i32
    %dma_wait3A_367 = tpu.memref_slice %arg4[%mul3A_2, %dma_wait3A_366] : memref<819200x128xf32, #tpu.memory_space<hbm>> -> memref<64x64xf32, #tpu.memory_space<hbm>>
    %dma_wait3A_368 = arith.constant 0 : i32
    %dma_wait3A_369 = arith.constant 0 : i32
    %dma_wait3A_370 = tpu.memref_slice %arg6[%dma_wait3A_359, %dma_wait3A_368, %dma_wait3A_369] : memref<8x64x128xf32, #tpu.memory_space<vmem>> -> memref<1x64x64xf32, #tpu.memory_space<vmem>>
    %dma_wait3A_371 = tpu.memref_squeeze %dma_wait3A_370 : memref<1x64x64xf32, #tpu.memory_space<vmem>> -> memref<64x64xf32, #tpu.memory_space<vmem>>
    tpu.wait_dma2 semaphore(%arg19 : memref<!tpu.dma_semaphore, #tpu.memory_space<semaphore_mem>>) src(%dma_wait3A_371 : memref<64x64xf32, #tpu.memory_space<vmem>>) dst(%dma_wait3A_367 : memref<64x64xf32, #tpu.memory_space<hbm>>)
    %dma_start3A_372 = arith.constant 12 : i32
    %dma_start3A_373 = arith.constant 4 : i32
    %dma_start3A_374 = arith.constant 0 : i32
    %dma_start3A_375 = arith.constant 0 : i32
    %dma_start3A_376 = tpu.memref_slice %arg6[%dma_start3A_373, %dma_start3A_374, %dma_start3A_375] : memref<8x64x128xf32, #tpu.memory_space<vmem>> -> memref<1x64x128xf32, #tpu.memory_space<vmem>>
    %dma_start3A_377 = tpu.memref_squeeze %dma_start3A_376 : memref<1x64x128xf32, #tpu.memory_space<vmem>> -> memref<64x128xf32, #tpu.memory_space<vmem>>
    %dma_start3A_378 = arith.constant 0 : i32
    %dma_start3A_379 = tpu.memref_slice %arg5[%dma_start3A_372, %dma_start3A_378] : memref<400x64xi32, #tpu.memory_space<vmem>> -> memref<1x64xi32, #tpu.memory_space<vmem>>
    %dma_start3A_380 = tpu.memref_squeeze %dma_start3A_379 : memref<1x64xi32, #tpu.memory_space<vmem>> -> memref<64xi32, #tpu.memory_space<vmem>>
    %dma_start3A_381 = arith.constant 0 : i32
    %dma_start3A_382 = arith.constant 0 : i32
    %dma_start3A_383 = tpu.memref_slice %arg3[%dma_start3A_381, %dma_start3A_382] : memref<1000000x128xf32, #tpu.memory_space<hbm>> -> memref<1000000x128xf32, #tpu.memory_space<hbm>>
    tpu.enqueue_indirect_dma source(%dma_start3A_383 : memref<1000000x128xf32, #tpu.memory_space<hbm>>) target(%dma_start3A_377 : memref<64x128xf32, #tpu.memory_space<vmem>>) offsets(%dma_start3A_380 : memref<64xi32, #tpu.memory_space<vmem>>) semaphore(%arg11 : memref<!tpu.dma_semaphore, #tpu.memory_space<semaphore_mem>>)
    %dma_wait3A_384 = arith.constant 6 : i32
    %dma_wait3A_385 = arith.constant 6 : i32
    %dma_wait3A_386 = arith.constant 0 : i32
    %dma_wait3A_387 = arith.constant 0 : i32
    %dma_wait3A_388 = tpu.memref_slice %arg6[%dma_wait3A_385, %dma_wait3A_386, %dma_wait3A_387] : memref<8x64x128xf32, #tpu.memory_space<vmem>> -> memref<1x64x128xf32, #tpu.memory_space<vmem>>
    %dma_wait3A_389 = tpu.memref_squeeze %dma_wait3A_388 : memref<1x64x128xf32, #tpu.memory_space<vmem>> -> memref<64x128xf32, #tpu.memory_space<vmem>>
    %dma_wait3A_390 = arith.constant 0 : i32
    %dma_wait3A_391 = tpu.memref_slice %arg5[%dma_wait3A_384, %dma_wait3A_390] : memref<400x64xi32, #tpu.memory_space<vmem>> -> memref<1x64xi32, #tpu.memory_space<vmem>>
    %dma_wait3A_392 = tpu.memref_squeeze %dma_wait3A_391 : memref<1x64xi32, #tpu.memory_space<vmem>> -> memref<64xi32, #tpu.memory_space<vmem>>
    %dma_wait3A_393 = arith.constant 0 : i32
    %dma_wait3A_394 = arith.constant 0 : i32
    %dma_wait3A_395 = tpu.memref_slice %arg3[%dma_wait3A_393, %dma_wait3A_394] : memref<1000000x128xf32, #tpu.memory_space<hbm>> -> memref<1000000x128xf32, #tpu.memory_space<hbm>>
    tpu.wait_indirect_dma semaphore(%arg13 : memref<!tpu.dma_semaphore, #tpu.memory_space<semaphore_mem>>) src(%dma_wait3A_395 : memref<1000000x128xf32, #tpu.memory_space<hbm>>) dst(%dma_wait3A_389 : memref<64x128xf32, #tpu.memory_space<vmem>>)
    %add3A_396 = arith.constant 384 : i32
    %add3A_397 = arith.addi %mul3A_2, %add3A_396 : i32
    %dma_start3A_398 = arith.constant 6 : i32
    %dma_start3A_399 = arith.constant 0 : i32
    %dma_start3A_400 = arith.constant 0 : i32
    %dma_start3A_401 = tpu.memref_slice %arg6[%dma_start3A_398, %dma_start3A_399, %dma_start3A_400] : memref<8x64x128xf32, #tpu.memory_space<vmem>> -> memref<1x64x64xf32, #tpu.memory_space<vmem>>
    %dma_start3A_402 = tpu.memref_squeeze %dma_start3A_401 : memref<1x64x64xf32, #tpu.memory_space<vmem>> -> memref<64x64xf32, #tpu.memory_space<vmem>>
    %dma_start3A_403 = arith.constant 0 : i32
    %dma_start3A_404 = tpu.memref_slice %arg4[%add3A_397, %dma_start3A_403] : memref<819200x128xf32, #tpu.memory_space<hbm>> -> memref<64x64xf32, #tpu.memory_space<hbm>>
    %dma_start3A_405 = arith.constant 0 : i32
    %dma_start3A_406 = tpu.memref_slice %arg4[%add3A_397, %dma_start3A_405] : memref<819200x128xf32, #tpu.memory_space<hbm>> -> memref<64x64xf32, #tpu.memory_space<hbm>>
    %dma_start3A_407 = arith.constant 0 : i32
    %dma_start3A_408 = arith.constant 0 : i32
    %dma_start3A_409 = tpu.memref_slice %arg6[%dma_start3A_398, %dma_start3A_407, %dma_start3A_408] : memref<8x64x128xf32, #tpu.memory_space<vmem>> -> memref<1x64x64xf32, #tpu.memory_space<vmem>>
    %dma_start3A_410 = tpu.memref_squeeze %dma_start3A_409 : memref<1x64x64xf32, #tpu.memory_space<vmem>> -> memref<64x64xf32, #tpu.memory_space<vmem>>
    tpu.enqueue_dma source(%dma_start3A_410 : memref<64x64xf32, #tpu.memory_space<vmem>>) target(%dma_start3A_406 : memref<64x64xf32, #tpu.memory_space<hbm>>) target_semaphore(%arg21 : memref<!tpu.dma_semaphore, #tpu.memory_space<semaphore_mem>>)
    %dma_wait3A_411 = arith.constant 5 : i32
    %dma_wait3A_412 = arith.constant 0 : i32
    %dma_wait3A_413 = arith.constant 0 : i32
    %dma_wait3A_414 = tpu.memref_slice %arg6[%dma_wait3A_411, %dma_wait3A_412, %dma_wait3A_413] : memref<8x64x128xf32, #tpu.memory_space<vmem>> -> memref<1x64x64xf32, #tpu.memory_space<vmem>>
    %dma_wait3A_415 = tpu.memref_squeeze %dma_wait3A_414 : memref<1x64x64xf32, #tpu.memory_space<vmem>> -> memref<64x64xf32, #tpu.memory_space<vmem>>
    %dma_wait3A_416 = arith.constant 0 : i32
    %dma_wait3A_417 = tpu.memref_slice %arg4[%mul3A_2, %dma_wait3A_416] : memref<819200x128xf32, #tpu.memory_space<hbm>> -> memref<64x64xf32, #tpu.memory_space<hbm>>
    %dma_wait3A_418 = arith.constant 0 : i32
    %dma_wait3A_419 = tpu.memref_slice %arg4[%mul3A_2, %dma_wait3A_418] : memref<819200x128xf32, #tpu.memory_space<hbm>> -> memref<64x64xf32, #tpu.memory_space<hbm>>
    %dma_wait3A_420 = arith.constant 0 : i32
    %dma_wait3A_421 = arith.constant 0 : i32
    %dma_wait3A_422 = tpu.memref_slice %arg6[%dma_wait3A_411, %dma_wait3A_420, %dma_wait3A_421] : memref<8x64x128xf32, #tpu.memory_space<vmem>> -> memref<1x64x64xf32, #tpu.memory_space<vmem>>
    %dma_wait3A_423 = tpu.memref_squeeze %dma_wait3A_422 : memref<1x64x64xf32, #tpu.memory_space<vmem>> -> memref<64x64xf32, #tpu.memory_space<vmem>>
    tpu.wait_dma2 semaphore(%arg20 : memref<!tpu.dma_semaphore, #tpu.memory_space<semaphore_mem>>) src(%dma_wait3A_423 : memref<64x64xf32, #tpu.memory_space<vmem>>) dst(%dma_wait3A_419 : memref<64x64xf32, #tpu.memory_space<hbm>>)
    %dma_start3A_424 = arith.constant 13 : i32
    %dma_start3A_425 = arith.constant 5 : i32
    %dma_start3A_426 = arith.constant 0 : i32
    %dma_start3A_427 = arith.constant 0 : i32
    %dma_start3A_428 = tpu.memref_slice %arg6[%dma_start3A_425, %dma_start3A_426, %dma_start3A_427] : memref<8x64x128xf32, #tpu.memory_space<vmem>> -> memref<1x64x128xf32, #tpu.memory_space<vmem>>
    %dma_start3A_429 = tpu.memref_squeeze %dma_start3A_428 : memref<1x64x128xf32, #tpu.memory_space<vmem>> -> memref<64x128xf32, #tpu.memory_space<vmem>>
    %dma_start3A_430 = arith.constant 0 : i32
    %dma_start3A_431 = tpu.memref_slice %arg5[%dma_start3A_424, %dma_start3A_430] : memref<400x64xi32, #tpu.memory_space<vmem>> -> memref<1x64xi32, #tpu.memory_space<vmem>>
    %dma_start3A_432 = tpu.memref_squeeze %dma_start3A_431 : memref<1x64xi32, #tpu.memory_space<vmem>> -> memref<64xi32, #tpu.memory_space<vmem>>
    %dma_start3A_433 = arith.constant 0 : i32
    %dma_start3A_434 = arith.constant 0 : i32
    %dma_start3A_435 = tpu.memref_slice %arg3[%dma_start3A_433, %dma_start3A_434] : memref<1000000x128xf32, #tpu.memory_space<hbm>> -> memref<1000000x128xf32, #tpu.memory_space<hbm>>
    tpu.enqueue_indirect_dma source(%dma_start3A_435 : memref<1000000x128xf32, #tpu.memory_space<hbm>>) target(%dma_start3A_429 : memref<64x128xf32, #tpu.memory_space<vmem>>) offsets(%dma_start3A_432 : memref<64xi32, #tpu.memory_space<vmem>>) semaphore(%arg12 : memref<!tpu.dma_semaphore, #tpu.memory_space<semaphore_mem>>)
    %dma_wait3A_436 = arith.constant 7 : i32
    %dma_wait3A_437 = arith.constant 7 : i32
    %dma_wait3A_438 = arith.constant 0 : i32
    %dma_wait3A_439 = arith.constant 0 : i32
    %dma_wait3A_440 = tpu.memref_slice %arg6[%dma_wait3A_437, %dma_wait3A_438, %dma_wait3A_439] : memref<8x64x128xf32, #tpu.memory_space<vmem>> -> memref<1x64x128xf32, #tpu.memory_space<vmem>>
    %dma_wait3A_441 = tpu.memref_squeeze %dma_wait3A_440 : memref<1x64x128xf32, #tpu.memory_space<vmem>> -> memref<64x128xf32, #tpu.memory_space<vmem>>
    %dma_wait3A_442 = arith.constant 0 : i32
    %dma_wait3A_443 = tpu.memref_slice %arg5[%dma_wait3A_436, %dma_wait3A_442] : memref<400x64xi32, #tpu.memory_space<vmem>> -> memref<1x64xi32, #tpu.memory_space<vmem>>
    %dma_wait3A_444 = tpu.memref_squeeze %dma_wait3A_443 : memref<1x64xi32, #tpu.memory_space<vmem>> -> memref<64xi32, #tpu.memory_space<vmem>>
    %dma_wait3A_445 = arith.constant 0 : i32
    %dma_wait3A_446 = arith.constant 0 : i32
    %dma_wait3A_447 = tpu.memref_slice %arg3[%dma_wait3A_445, %dma_wait3A_446] : memref<1000000x128xf32, #tpu.memory_space<hbm>> -> memref<1000000x128xf32, #tpu.memory_space<hbm>>
    tpu.wait_indirect_dma semaphore(%arg14 : memref<!tpu.dma_semaphore, #tpu.memory_space<semaphore_mem>>) src(%dma_wait3A_447 : memref<1000000x128xf32, #tpu.memory_space<hbm>>) dst(%dma_wait3A_441 : memref<64x128xf32, #tpu.memory_space<vmem>>)
    %add3A_448 = arith.constant 448 : i32
    %add3A_449 = arith.addi %mul3A_2, %add3A_448 : i32
    %dma_start3A_450 = arith.constant 7 : i32
    %dma_start3A_451 = arith.constant 0 : i32
    %dma_start3A_452 = arith.constant 0 : i32
    %dma_start3A_453 = tpu.memref_slice %arg6[%dma_start3A_450, %dma_start3A_451, %dma_start3A_452] : memref<8x64x128xf32, #tpu.memory_space<vmem>> -> memref<1x64x64xf32, #tpu.memory_space<vmem>>
    %dma_start3A_454 = tpu.memref_squeeze %dma_start3A_453 : memref<1x64x64xf32, #tpu.memory_space<vmem>> -> memref<64x64xf32, #tpu.memory_space<vmem>>
    %dma_start3A_455 = arith.constant 0 : i32
    %dma_start3A_456 = tpu.memref_slice %arg4[%add3A_449, %dma_start3A_455] : memref<819200x128xf32, #tpu.memory_space<hbm>> -> memref<64x64xf32, #tpu.memory_space<hbm>>
    %dma_start3A_457 = arith.constant 0 : i32
    %dma_start3A_458 = tpu.memref_slice %arg4[%add3A_449, %dma_start3A_457] : memref<819200x128xf32, #tpu.memory_space<hbm>> -> memref<64x64xf32, #tpu.memory_space<hbm>>
    %dma_start3A_459 = arith.constant 0 : i32
    %dma_start3A_460 = arith.constant 0 : i32
    %dma_start3A_461 = tpu.memref_slice %arg6[%dma_start3A_450, %dma_start3A_459, %dma_start3A_460] : memref<8x64x128xf32, #tpu.memory_space<vmem>> -> memref<1x64x64xf32, #tpu.memory_space<vmem>>
    %dma_start3A_462 = tpu.memref_squeeze %dma_start3A_461 : memref<1x64x64xf32, #tpu.memory_space<vmem>> -> memref<64x64xf32, #tpu.memory_space<vmem>>
    tpu.enqueue_dma source(%dma_start3A_462 : memref<64x64xf32, #tpu.memory_space<vmem>>) target(%dma_start3A_458 : memref<64x64xf32, #tpu.memory_space<hbm>>) target_semaphore(%arg22 : memref<!tpu.dma_semaphore, #tpu.memory_space<semaphore_mem>>)
    %dma_wait3A_463 = arith.constant 6 : i32
    %dma_wait3A_464 = arith.constant 0 : i32
    %dma_wait3A_465 = arith.constant 0 : i32
    %dma_wait3A_466 = tpu.memref_slice %arg6[%dma_wait3A_463, %dma_wait3A_464, %dma_wait3A_465] : memref<8x64x128xf32, #tpu.memory_space<vmem>> -> memref<1x64x64xf32, #tpu.memory_space<vmem>>
    %dma_wait3A_467 = tpu.memref_squeeze %dma_wait3A_466 : memref<1x64x64xf32, #tpu.memory_space<vmem>> -> memref<64x64xf32, #tpu.memory_space<vmem>>
    %dma_wait3A_468 = arith.constant 0 : i32
    %dma_wait3A_469 = tpu.memref_slice %arg4[%mul3A_2, %dma_wait3A_468] : memref<819200x128xf32, #tpu.memory_space<hbm>> -> memref<64x64xf32, #tpu.memory_space<hbm>>
    %dma_wait3A_470 = arith.constant 0 : i32
    %dma_wait3A_471 = tpu.memref_slice %arg4[%mul3A_2, %dma_wait3A_470] : memref<819200x128xf32, #tpu.memory_space<hbm>> -> memref<64x64xf32, #tpu.memory_space<hbm>>
    %dma_wait3A_472 = arith.constant 0 : i32
    %dma_wait3A_473 = arith.constant 0 : i32
    %dma_wait3A_474 = tpu.memref_slice %arg6[%dma_wait3A_463, %dma_wait3A_472, %dma_wait3A_473] : memref<8x64x128xf32, #tpu.memory_space<vmem>> -> memref<1x64x64xf32, #tpu.memory_space<vmem>>
    %dma_wait3A_475 = tpu.memref_squeeze %dma_wait3A_474 : memref<1x64x64xf32, #tpu.memory_space<vmem>> -> memref<64x64xf32, #tpu.memory_space<vmem>>
    tpu.wait_dma2 semaphore(%arg21 : memref<!tpu.dma_semaphore, #tpu.memory_space<semaphore_mem>>) src(%dma_wait3A_475 : memref<64x64xf32, #tpu.memory_space<vmem>>) dst(%dma_wait3A_471 : memref<64x64xf32, #tpu.memory_space<hbm>>)
    %dma_start3A_476 = arith.constant 14 : i32
    %dma_start3A_477 = arith.constant 6 : i32
    %dma_start3A_478 = arith.constant 0 : i32
    %dma_start3A_479 = arith.constant 0 : i32
    %dma_start3A_480 = tpu.memref_slice %arg6[%dma_start3A_477, %dma_start3A_478, %dma_start3A_479] : memref<8x64x128xf32, #tpu.memory_space<vmem>> -> memref<1x64x128xf32, #tpu.memory_space<vmem>>
    %dma_start3A_481 = tpu.memref_squeeze %dma_start3A_480 : memref<1x64x128xf32, #tpu.memory_space<vmem>> -> memref<64x128xf32, #tpu.memory_space<vmem>>
    %dma_start3A_482 = arith.constant 0 : i32
    %dma_start3A_483 = tpu.memref_slice %arg5[%dma_start3A_476, %dma_start3A_482] : memref<400x64xi32, #tpu.memory_space<vmem>> -> memref<1x64xi32, #tpu.memory_space<vmem>>
    %dma_start3A_484 = tpu.memref_squeeze %dma_start3A_483 : memref<1x64xi32, #tpu.memory_space<vmem>> -> memref<64xi32, #tpu.memory_space<vmem>>
    %dma_start3A_485 = arith.constant 0 : i32
    %dma_start3A_486 = arith.constant 0 : i32
    %dma_start3A_487 = tpu.memref_slice %arg3[%dma_start3A_485, %dma_start3A_486] : memref<1000000x128xf32, #tpu.memory_space<hbm>> -> memref<1000000x128xf32, #tpu.memory_space<hbm>>
    tpu.enqueue_indirect_dma source(%dma_start3A_487 : memref<1000000x128xf32, #tpu.memory_space<hbm>>) target(%dma_start3A_481 : memref<64x128xf32, #tpu.memory_space<vmem>>) offsets(%dma_start3A_484 : memref<64xi32, #tpu.memory_space<vmem>>) semaphore(%arg13 : memref<!tpu.dma_semaphore, #tpu.memory_space<semaphore_mem>>)
    %scan3A = arith.constant 0 : i32
    %scan3A_488 = arith.constant 1 : i32
    %scan3A_489 = arith.constant 48 : i32
    %scan3A_490 = arith.addi %scan3A_488, %scan3A_489 : i32
    %scan3A_491 = arith.constant 1 : i32
    scf.for %scan3A_838 = %scan3A_488 to %scan3A_490 step %scan3A_491  : i32 {
      %mul3A_839 = arith.constant 8 : i32
      %mul3A_840 = arith.muli %scan3A_838, %mul3A_839 : i32
      %add3A_841 = arith.constant 0 : i32
      %add3A_842 = arith.addi %mul3A_840, %add3A_841 : i32
      %dma_wait3A_843 = arith.constant 0 : i32
      %dma_wait3A_844 = arith.constant 0 : i32
      %dma_wait3A_845 = arith.constant 0 : i32
      %dma_wait3A_846 = tpu.memref_slice %arg6[%dma_wait3A_843, %dma_wait3A_844, %dma_wait3A_845] : memref<8x64x128xf32, #tpu.memory_space<vmem>> -> memref<1x64x128xf32, #tpu.memory_space<vmem>>
      %dma_wait3A_847 = tpu.memref_squeeze %dma_wait3A_846 : memref<1x64x128xf32, #tpu.memory_space<vmem>> -> memref<64x128xf32, #tpu.memory_space<vmem>>
      %dma_wait3A_848 = arith.constant 0 : i32
      %dma_wait3A_849 = tpu.memref_slice %arg5[%add3A_842, %dma_wait3A_848] : memref<400x64xi32, #tpu.memory_space<vmem>> -> memref<1x64xi32, #tpu.memory_space<vmem>>
      %dma_wait3A_850 = tpu.memref_squeeze %dma_wait3A_849 : memref<1x64xi32, #tpu.memory_space<vmem>> -> memref<64xi32, #tpu.memory_space<vmem>>
      %dma_wait3A_851 = arith.constant 0 : i32
      %dma_wait3A_852 = arith.constant 0 : i32
      %dma_wait3A_853 = tpu.memref_slice %arg3[%dma_wait3A_851, %dma_wait3A_852] : memref<1000000x128xf32, #tpu.memory_space<hbm>> -> memref<1000000x128xf32, #tpu.memory_space<hbm>>
      tpu.wait_indirect_dma semaphore(%arg7 : memref<!tpu.dma_semaphore, #tpu.memory_space<semaphore_mem>>) src(%dma_wait3A_853 : memref<1000000x128xf32, #tpu.memory_space<hbm>>) dst(%dma_wait3A_847 : memref<64x128xf32, #tpu.memory_space<vmem>>)
      %mul3A_854 = arith.constant 64 : i32
      %mul3A_855 = arith.muli %add3A_842, %mul3A_854 : i32
      %add3A_856 = arith.addi %mul3A_2, %mul3A_855 : i32
      %dma_start3A_857 = arith.constant 0 : i32
      %dma_start3A_858 = arith.constant 0 : i32
      %dma_start3A_859 = arith.constant 0 : i32
      %dma_start3A_860 = tpu.memref_slice %arg6[%dma_start3A_857, %dma_start3A_858, %dma_start3A_859] : memref<8x64x128xf32, #tpu.memory_space<vmem>> -> memref<1x64x64xf32, #tpu.memory_space<vmem>>
      %dma_start3A_861 = tpu.memref_squeeze %dma_start3A_860 : memref<1x64x64xf32, #tpu.memory_space<vmem>> -> memref<64x64xf32, #tpu.memory_space<vmem>>
      %dma_start3A_862 = arith.constant 0 : i32
      %dma_start3A_863 = tpu.memref_slice %arg4[%add3A_856, %dma_start3A_862] : memref<819200x128xf32, #tpu.memory_space<hbm>> -> memref<64x64xf32, #tpu.memory_space<hbm>>
      %dma_start3A_864 = arith.constant 0 : i32
      %dma_start3A_865 = tpu.memref_slice %arg4[%add3A_856, %dma_start3A_864] : memref<819200x128xf32, #tpu.memory_space<hbm>> -> memref<64x64xf32, #tpu.memory_space<hbm>>
      %dma_start3A_866 = arith.constant 0 : i32
      %dma_start3A_867 = arith.constant 0 : i32
      %dma_start3A_868 = tpu.memref_slice %arg6[%dma_start3A_857, %dma_start3A_866, %dma_start3A_867] : memref<8x64x128xf32, #tpu.memory_space<vmem>> -> memref<1x64x64xf32, #tpu.memory_space<vmem>>
      %dma_start3A_869 = tpu.memref_squeeze %dma_start3A_868 : memref<1x64x64xf32, #tpu.memory_space<vmem>> -> memref<64x64xf32, #tpu.memory_space<vmem>>
      tpu.enqueue_dma source(%dma_start3A_869 : memref<64x64xf32, #tpu.memory_space<vmem>>) target(%dma_start3A_865 : memref<64x64xf32, #tpu.memory_space<hbm>>) target_semaphore(%arg15 : memref<!tpu.dma_semaphore, #tpu.memory_space<semaphore_mem>>)
      %dma_wait3A_870 = arith.constant 7 : i32
      %dma_wait3A_871 = arith.constant 0 : i32
      %dma_wait3A_872 = arith.constant 0 : i32
      %dma_wait3A_873 = tpu.memref_slice %arg6[%dma_wait3A_870, %dma_wait3A_871, %dma_wait3A_872] : memref<8x64x128xf32, #tpu.memory_space<vmem>> -> memref<1x64x64xf32, #tpu.memory_space<vmem>>
      %dma_wait3A_874 = tpu.memref_squeeze %dma_wait3A_873 : memref<1x64x64xf32, #tpu.memory_space<vmem>> -> memref<64x64xf32, #tpu.memory_space<vmem>>
      %dma_wait3A_875 = arith.constant 0 : i32
      %dma_wait3A_876 = tpu.memref_slice %arg4[%mul3A_2, %dma_wait3A_875] : memref<819200x128xf32, #tpu.memory_space<hbm>> -> memref<64x64xf32, #tpu.memory_space<hbm>>
      %dma_wait3A_877 = arith.constant 0 : i32
      %dma_wait3A_878 = tpu.memref_slice %arg4[%mul3A_2, %dma_wait3A_877] : memref<819200x128xf32, #tpu.memory_space<hbm>> -> memref<64x64xf32, #tpu.memory_space<hbm>>
      %dma_wait3A_879 = arith.constant 0 : i32
      %dma_wait3A_880 = arith.constant 0 : i32
      %dma_wait3A_881 = tpu.memref_slice %arg6[%dma_wait3A_870, %dma_wait3A_879, %dma_wait3A_880] : memref<8x64x128xf32, #tpu.memory_space<vmem>> -> memref<1x64x64xf32, #tpu.memory_space<vmem>>
      %dma_wait3A_882 = tpu.memref_squeeze %dma_wait3A_881 : memref<1x64x64xf32, #tpu.memory_space<vmem>> -> memref<64x64xf32, #tpu.memory_space<vmem>>
      tpu.wait_dma2 semaphore(%arg22 : memref<!tpu.dma_semaphore, #tpu.memory_space<semaphore_mem>>) src(%dma_wait3A_882 : memref<64x64xf32, #tpu.memory_space<vmem>>) dst(%dma_wait3A_878 : memref<64x64xf32, #tpu.memory_space<hbm>>)
      %add3A_883 = arith.constant 7 : i32
      %add3A_884 = arith.addi %add3A_842, %add3A_883 : i32
      %dma_start3A_885 = arith.constant 7 : i32
      %dma_start3A_886 = arith.constant 0 : i32
      %dma_start3A_887 = arith.constant 0 : i32
      %dma_start3A_888 = tpu.memref_slice %arg6[%dma_start3A_885, %dma_start3A_886, %dma_start3A_887] : memref<8x64x128xf32, #tpu.memory_space<vmem>> -> memref<1x64x128xf32, #tpu.memory_space<vmem>>
      %dma_start3A_889 = tpu.memref_squeeze %dma_start3A_888 : memref<1x64x128xf32, #tpu.memory_space<vmem>> -> memref<64x128xf32, #tpu.memory_space<vmem>>
      %dma_start3A_890 = arith.constant 0 : i32
      %dma_start3A_891 = tpu.memref_slice %arg5[%add3A_884, %dma_start3A_890] : memref<400x64xi32, #tpu.memory_space<vmem>> -> memref<1x64xi32, #tpu.memory_space<vmem>>
      %dma_start3A_892 = tpu.memref_squeeze %dma_start3A_891 : memref<1x64xi32, #tpu.memory_space<vmem>> -> memref<64xi32, #tpu.memory_space<vmem>>
      %dma_start3A_893 = arith.constant 0 : i32
      %dma_start3A_894 = arith.constant 0 : i32
      %dma_start3A_895 = tpu.memref_slice %arg3[%dma_start3A_893, %dma_start3A_894] : memref<1000000x128xf32, #tpu.memory_space<hbm>> -> memref<1000000x128xf32, #tpu.memory_space<hbm>>
      tpu.enqueue_indirect_dma source(%dma_start3A_895 : memref<1000000x128xf32, #tpu.memory_space<hbm>>) target(%dma_start3A_889 : memref<64x128xf32, #tpu.memory_space<vmem>>) offsets(%dma_start3A_892 : memref<64xi32, #tpu.memory_space<vmem>>) semaphore(%arg14 : memref<!tpu.dma_semaphore, #tpu.memory_space<semaphore_mem>>)
      %add3A_896 = arith.constant 1 : i32
      %add3A_897 = arith.addi %mul3A_840, %add3A_896 : i32
      %dma_wait3A_898 = arith.constant 1 : i32
      %dma_wait3A_899 = arith.constant 0 : i32
      %dma_wait3A_900 = arith.constant 0 : i32
      %dma_wait3A_901 = tpu.memref_slice %arg6[%dma_wait3A_898, %dma_wait3A_899, %dma_wait3A_900] : memref<8x64x128xf32, #tpu.memory_space<vmem>> -> memref<1x64x128xf32, #tpu.memory_space<vmem>>
      %dma_wait3A_902 = tpu.memref_squeeze %dma_wait3A_901 : memref<1x64x128xf32, #tpu.memory_space<vmem>> -> memref<64x128xf32, #tpu.memory_space<vmem>>
      %dma_wait3A_903 = arith.constant 0 : i32
      %dma_wait3A_904 = tpu.memref_slice %arg5[%add3A_897, %dma_wait3A_903] : memref<400x64xi32, #tpu.memory_space<vmem>> -> memref<1x64xi32, #tpu.memory_space<vmem>>
      %dma_wait3A_905 = tpu.memref_squeeze %dma_wait3A_904 : memref<1x64xi32, #tpu.memory_space<vmem>> -> memref<64xi32, #tpu.memory_space<vmem>>
      %dma_wait3A_906 = arith.constant 0 : i32
      %dma_wait3A_907 = arith.constant 0 : i32
      %dma_wait3A_908 = tpu.memref_slice %arg3[%dma_wait3A_906, %dma_wait3A_907] : memref<1000000x128xf32, #tpu.memory_space<hbm>> -> memref<1000000x128xf32, #tpu.memory_space<hbm>>
      tpu.wait_indirect_dma semaphore(%arg8 : memref<!tpu.dma_semaphore, #tpu.memory_space<semaphore_mem>>) src(%dma_wait3A_908 : memref<1000000x128xf32, #tpu.memory_space<hbm>>) dst(%dma_wait3A_902 : memref<64x128xf32, #tpu.memory_space<vmem>>)
      %mul3A_909 = arith.constant 64 : i32
      %mul3A_910 = arith.muli %add3A_897, %mul3A_909 : i32
      %add3A_911 = arith.addi %mul3A_2, %mul3A_910 : i32
      %dma_start3A_912 = arith.constant 1 : i32
      %dma_start3A_913 = arith.constant 0 : i32
      %dma_start3A_914 = arith.constant 0 : i32
      %dma_start3A_915 = tpu.memref_slice %arg6[%dma_start3A_912, %dma_start3A_913, %dma_start3A_914] : memref<8x64x128xf32, #tpu.memory_space<vmem>> -> memref<1x64x64xf32, #tpu.memory_space<vmem>>
      %dma_start3A_916 = tpu.memref_squeeze %dma_start3A_915 : memref<1x64x64xf32, #tpu.memory_space<vmem>> -> memref<64x64xf32, #tpu.memory_space<vmem>>
      %dma_start3A_917 = arith.constant 0 : i32
      %dma_start3A_918 = tpu.memref_slice %arg4[%add3A_911, %dma_start3A_917] : memref<819200x128xf32, #tpu.memory_space<hbm>> -> memref<64x64xf32, #tpu.memory_space<hbm>>
      %dma_start3A_919 = arith.constant 0 : i32
      %dma_start3A_920 = tpu.memref_slice %arg4[%add3A_911, %dma_start3A_919] : memref<819200x128xf32, #tpu.memory_space<hbm>> -> memref<64x64xf32, #tpu.memory_space<hbm>>
      %dma_start3A_921 = arith.constant 0 : i32
      %dma_start3A_922 = arith.constant 0 : i32
      %dma_start3A_923 = tpu.memref_slice %arg6[%dma_start3A_912, %dma_start3A_921, %dma_start3A_922] : memref<8x64x128xf32, #tpu.memory_space<vmem>> -> memref<1x64x64xf32, #tpu.memory_space<vmem>>
      %dma_start3A_924 = tpu.memref_squeeze %dma_start3A_923 : memref<1x64x64xf32, #tpu.memory_space<vmem>> -> memref<64x64xf32, #tpu.memory_space<vmem>>
      tpu.enqueue_dma source(%dma_start3A_924 : memref<64x64xf32, #tpu.memory_space<vmem>>) target(%dma_start3A_920 : memref<64x64xf32, #tpu.memory_space<hbm>>) target_semaphore(%arg16 : memref<!tpu.dma_semaphore, #tpu.memory_space<semaphore_mem>>)
      %dma_wait3A_925 = arith.constant 0 : i32
      %dma_wait3A_926 = arith.constant 0 : i32
      %dma_wait3A_927 = arith.constant 0 : i32
      %dma_wait3A_928 = tpu.memref_slice %arg6[%dma_wait3A_925, %dma_wait3A_926, %dma_wait3A_927] : memref<8x64x128xf32, #tpu.memory_space<vmem>> -> memref<1x64x64xf32, #tpu.memory_space<vmem>>
      %dma_wait3A_929 = tpu.memref_squeeze %dma_wait3A_928 : memref<1x64x64xf32, #tpu.memory_space<vmem>> -> memref<64x64xf32, #tpu.memory_space<vmem>>
      %dma_wait3A_930 = arith.constant 0 : i32
      %dma_wait3A_931 = tpu.memref_slice %arg4[%mul3A_2, %dma_wait3A_930] : memref<819200x128xf32, #tpu.memory_space<hbm>> -> memref<64x64xf32, #tpu.memory_space<hbm>>
      %dma_wait3A_932 = arith.constant 0 : i32
      %dma_wait3A_933 = tpu.memref_slice %arg4[%mul3A_2, %dma_wait3A_932] : memref<819200x128xf32, #tpu.memory_space<hbm>> -> memref<64x64xf32, #tpu.memory_space<hbm>>
      %dma_wait3A_934 = arith.constant 0 : i32
      %dma_wait3A_935 = arith.constant 0 : i32
      %dma_wait3A_936 = tpu.memref_slice %arg6[%dma_wait3A_925, %dma_wait3A_934, %dma_wait3A_935] : memref<8x64x128xf32, #tpu.memory_space<vmem>> -> memref<1x64x64xf32, #tpu.memory_space<vmem>>
      %dma_wait3A_937 = tpu.memref_squeeze %dma_wait3A_936 : memref<1x64x64xf32, #tpu.memory_space<vmem>> -> memref<64x64xf32, #tpu.memory_space<vmem>>
      tpu.wait_dma2 semaphore(%arg15 : memref<!tpu.dma_semaphore, #tpu.memory_space<semaphore_mem>>) src(%dma_wait3A_937 : memref<64x64xf32, #tpu.memory_space<vmem>>) dst(%dma_wait3A_933 : memref<64x64xf32, #tpu.memory_space<hbm>>)
      %add3A_938 = arith.constant 7 : i32
      %add3A_939 = arith.addi %add3A_897, %add3A_938 : i32
      %dma_start3A_940 = arith.constant 0 : i32
      %dma_start3A_941 = arith.constant 0 : i32
      %dma_start3A_942 = arith.constant 0 : i32
      %dma_start3A_943 = tpu.memref_slice %arg6[%dma_start3A_940, %dma_start3A_941, %dma_start3A_942] : memref<8x64x128xf32, #tpu.memory_space<vmem>> -> memref<1x64x128xf32, #tpu.memory_space<vmem>>
      %dma_start3A_944 = tpu.memref_squeeze %dma_start3A_943 : memref<1x64x128xf32, #tpu.memory_space<vmem>> -> memref<64x128xf32, #tpu.memory_space<vmem>>
      %dma_start3A_945 = arith.constant 0 : i32
      %dma_start3A_946 = tpu.memref_slice %arg5[%add3A_939, %dma_start3A_945] : memref<400x64xi32, #tpu.memory_space<vmem>> -> memref<1x64xi32, #tpu.memory_space<vmem>>
      %dma_start3A_947 = tpu.memref_squeeze %dma_start3A_946 : memref<1x64xi32, #tpu.memory_space<vmem>> -> memref<64xi32, #tpu.memory_space<vmem>>
      %dma_start3A_948 = arith.constant 0 : i32
      %dma_start3A_949 = arith.constant 0 : i32
      %dma_start3A_950 = tpu.memref_slice %arg3[%dma_start3A_948, %dma_start3A_949] : memref<1000000x128xf32, #tpu.memory_space<hbm>> -> memref<1000000x128xf32, #tpu.memory_space<hbm>>
      tpu.enqueue_indirect_dma source(%dma_start3A_950 : memref<1000000x128xf32, #tpu.memory_space<hbm>>) target(%dma_start3A_944 : memref<64x128xf32, #tpu.memory_space<vmem>>) offsets(%dma_start3A_947 : memref<64xi32, #tpu.memory_space<vmem>>) semaphore(%arg7 : memref<!tpu.dma_semaphore, #tpu.memory_space<semaphore_mem>>)
      %add3A_951 = arith.constant 2 : i32
      %add3A_952 = arith.addi %mul3A_840, %add3A_951 : i32
      %dma_wait3A_953 = arith.constant 2 : i32
      %dma_wait3A_954 = arith.constant 0 : i32
      %dma_wait3A_955 = arith.constant 0 : i32
      %dma_wait3A_956 = tpu.memref_slice %arg6[%dma_wait3A_953, %dma_wait3A_954, %dma_wait3A_955] : memref<8x64x128xf32, #tpu.memory_space<vmem>> -> memref<1x64x128xf32, #tpu.memory_space<vmem>>
      %dma_wait3A_957 = tpu.memref_squeeze %dma_wait3A_956 : memref<1x64x128xf32, #tpu.memory_space<vmem>> -> memref<64x128xf32, #tpu.memory_space<vmem>>
      %dma_wait3A_958 = arith.constant 0 : i32
      %dma_wait3A_959 = tpu.memref_slice %arg5[%add3A_952, %dma_wait3A_958] : memref<400x64xi32, #tpu.memory_space<vmem>> -> memref<1x64xi32, #tpu.memory_space<vmem>>
      %dma_wait3A_960 = tpu.memref_squeeze %dma_wait3A_959 : memref<1x64xi32, #tpu.memory_space<vmem>> -> memref<64xi32, #tpu.memory_space<vmem>>
      %dma_wait3A_961 = arith.constant 0 : i32
      %dma_wait3A_962 = arith.constant 0 : i32
      %dma_wait3A_963 = tpu.memref_slice %arg3[%dma_wait3A_961, %dma_wait3A_962] : memref<1000000x128xf32, #tpu.memory_space<hbm>> -> memref<1000000x128xf32, #tpu.memory_space<hbm>>
      tpu.wait_indirect_dma semaphore(%arg9 : memref<!tpu.dma_semaphore, #tpu.memory_space<semaphore_mem>>) src(%dma_wait3A_963 : memref<1000000x128xf32, #tpu.memory_space<hbm>>) dst(%dma_wait3A_957 : memref<64x128xf32, #tpu.memory_space<vmem>>)
      %mul3A_964 = arith.constant 64 : i32
      %mul3A_965 = arith.muli %add3A_952, %mul3A_964 : i32
      %add3A_966 = arith.addi %mul3A_2, %mul3A_965 : i32
      %dma_start3A_967 = arith.constant 2 : i32
      %dma_start3A_968 = arith.constant 0 : i32
      %dma_start3A_969 = arith.constant 0 : i32
      %dma_start3A_970 = tpu.memref_slice %arg6[%dma_start3A_967, %dma_start3A_968, %dma_start3A_969] : memref<8x64x128xf32, #tpu.memory_space<vmem>> -> memref<1x64x64xf32, #tpu.memory_space<vmem>>
      %dma_start3A_971 = tpu.memref_squeeze %dma_start3A_970 : memref<1x64x64xf32, #tpu.memory_space<vmem>> -> memref<64x64xf32, #tpu.memory_space<vmem>>
      %dma_start3A_972 = arith.constant 0 : i32
      %dma_start3A_973 = tpu.memref_slice %arg4[%add3A_966, %dma_start3A_972] : memref<819200x128xf32, #tpu.memory_space<hbm>> -> memref<64x64xf32, #tpu.memory_space<hbm>>
      %dma_start3A_974 = arith.constant 0 : i32
      %dma_start3A_975 = tpu.memref_slice %arg4[%add3A_966, %dma_start3A_974] : memref<819200x128xf32, #tpu.memory_space<hbm>> -> memref<64x64xf32, #tpu.memory_space<hbm>>
      %dma_start3A_976 = arith.constant 0 : i32
      %dma_start3A_977 = arith.constant 0 : i32
      %dma_start3A_978 = tpu.memref_slice %arg6[%dma_start3A_967, %dma_start3A_976, %dma_start3A_977] : memref<8x64x128xf32, #tpu.memory_space<vmem>> -> memref<1x64x64xf32, #tpu.memory_space<vmem>>
      %dma_start3A_979 = tpu.memref_squeeze %dma_start3A_978 : memref<1x64x64xf32, #tpu.memory_space<vmem>> -> memref<64x64xf32, #tpu.memory_space<vmem>>
      tpu.enqueue_dma source(%dma_start3A_979 : memref<64x64xf32, #tpu.memory_space<vmem>>) target(%dma_start3A_975 : memref<64x64xf32, #tpu.memory_space<hbm>>) target_semaphore(%arg17 : memref<!tpu.dma_semaphore, #tpu.memory_space<semaphore_mem>>)
      %dma_wait3A_980 = arith.constant 1 : i32
      %dma_wait3A_981 = arith.constant 0 : i32
      %dma_wait3A_982 = arith.constant 0 : i32
      %dma_wait3A_983 = tpu.memref_slice %arg6[%dma_wait3A_980, %dma_wait3A_981, %dma_wait3A_982] : memref<8x64x128xf32, #tpu.memory_space<vmem>> -> memref<1x64x64xf32, #tpu.memory_space<vmem>>
      %dma_wait3A_984 = tpu.memref_squeeze %dma_wait3A_983 : memref<1x64x64xf32, #tpu.memory_space<vmem>> -> memref<64x64xf32, #tpu.memory_space<vmem>>
      %dma_wait3A_985 = arith.constant 0 : i32
      %dma_wait3A_986 = tpu.memref_slice %arg4[%mul3A_2, %dma_wait3A_985] : memref<819200x128xf32, #tpu.memory_space<hbm>> -> memref<64x64xf32, #tpu.memory_space<hbm>>
      %dma_wait3A_987 = arith.constant 0 : i32
      %dma_wait3A_988 = tpu.memref_slice %arg4[%mul3A_2, %dma_wait3A_987] : memref<819200x128xf32, #tpu.memory_space<hbm>> -> memref<64x64xf32, #tpu.memory_space<hbm>>
      %dma_wait3A_989 = arith.constant 0 : i32
      %dma_wait3A_990 = arith.constant 0 : i32
      %dma_wait3A_991 = tpu.memref_slice %arg6[%dma_wait3A_980, %dma_wait3A_989, %dma_wait3A_990] : memref<8x64x128xf32, #tpu.memory_space<vmem>> -> memref<1x64x64xf32, #tpu.memory_space<vmem>>
      %dma_wait3A_992 = tpu.memref_squeeze %dma_wait3A_991 : memref<1x64x64xf32, #tpu.memory_space<vmem>> -> memref<64x64xf32, #tpu.memory_space<vmem>>
      tpu.wait_dma2 semaphore(%arg16 : memref<!tpu.dma_semaphore, #tpu.memory_space<semaphore_mem>>) src(%dma_wait3A_992 : memref<64x64xf32, #tpu.memory_space<vmem>>) dst(%dma_wait3A_988 : memref<64x64xf32, #tpu.memory_space<hbm>>)
      %add3A_993 = arith.constant 7 : i32
      %add3A_994 = arith.addi %add3A_952, %add3A_993 : i32
      %dma_start3A_995 = arith.constant 1 : i32
      %dma_start3A_996 = arith.constant 0 : i32
      %dma_start3A_997 = arith.constant 0 : i32
      %dma_start3A_998 = tpu.memref_slice %arg6[%dma_start3A_995, %dma_start3A_996, %dma_start3A_997] : memref<8x64x128xf32, #tpu.memory_space<vmem>> -> memref<1x64x128xf32, #tpu.memory_space<vmem>>
      %dma_start3A_999 = tpu.memref_squeeze %dma_start3A_998 : memref<1x64x128xf32, #tpu.memory_space<vmem>> -> memref<64x128xf32, #tpu.memory_space<vmem>>
      %dma_start3A_1000 = arith.constant 0 : i32
      %dma_start3A_1001 = tpu.memref_slice %arg5[%add3A_994, %dma_start3A_1000] : memref<400x64xi32, #tpu.memory_space<vmem>> -> memref<1x64xi32, #tpu.memory_space<vmem>>
      %dma_start3A_1002 = tpu.memref_squeeze %dma_start3A_1001 : memref<1x64xi32, #tpu.memory_space<vmem>> -> memref<64xi32, #tpu.memory_space<vmem>>
      %dma_start3A_1003 = arith.constant 0 : i32
      %dma_start3A_1004 = arith.constant 0 : i32
      %dma_start3A_1005 = tpu.memref_slice %arg3[%dma_start3A_1003, %dma_start3A_1004] : memref<1000000x128xf32, #tpu.memory_space<hbm>> -> memref<1000000x128xf32, #tpu.memory_space<hbm>>
      tpu.enqueue_indirect_dma source(%dma_start3A_1005 : memref<1000000x128xf32, #tpu.memory_space<hbm>>) target(%dma_start3A_999 : memref<64x128xf32, #tpu.memory_space<vmem>>) offsets(%dma_start3A_1002 : memref<64xi32, #tpu.memory_space<vmem>>) semaphore(%arg8 : memref<!tpu.dma_semaphore, #tpu.memory_space<semaphore_mem>>)
      %add3A_1006 = arith.constant 3 : i32
      %add3A_1007 = arith.addi %mul3A_840, %add3A_1006 : i32
      %dma_wait3A_1008 = arith.constant 3 : i32
      %dma_wait3A_1009 = arith.constant 0 : i32
      %dma_wait3A_1010 = arith.constant 0 : i32
      %dma_wait3A_1011 = tpu.memref_slice %arg6[%dma_wait3A_1008, %dma_wait3A_1009, %dma_wait3A_1010] : memref<8x64x128xf32, #tpu.memory_space<vmem>> -> memref<1x64x128xf32, #tpu.memory_space<vmem>>
      %dma_wait3A_1012 = tpu.memref_squeeze %dma_wait3A_1011 : memref<1x64x128xf32, #tpu.memory_space<vmem>> -> memref<64x128xf32, #tpu.memory_space<vmem>>
      %dma_wait3A_1013 = arith.constant 0 : i32
      %dma_wait3A_1014 = tpu.memref_slice %arg5[%add3A_1007, %dma_wait3A_1013] : memref<400x64xi32, #tpu.memory_space<vmem>> -> memref<1x64xi32, #tpu.memory_space<vmem>>
      %dma_wait3A_1015 = tpu.memref_squeeze %dma_wait3A_1014 : memref<1x64xi32, #tpu.memory_space<vmem>> -> memref<64xi32, #tpu.memory_space<vmem>>
      %dma_wait3A_1016 = arith.constant 0 : i32
      %dma_wait3A_1017 = arith.constant 0 : i32
      %dma_wait3A_1018 = tpu.memref_slice %arg3[%dma_wait3A_1016, %dma_wait3A_1017] : memref<1000000x128xf32, #tpu.memory_space<hbm>> -> memref<1000000x128xf32, #tpu.memory_space<hbm>>
      tpu.wait_indirect_dma semaphore(%arg10 : memref<!tpu.dma_semaphore, #tpu.memory_space<semaphore_mem>>) src(%dma_wait3A_1018 : memref<1000000x128xf32, #tpu.memory_space<hbm>>) dst(%dma_wait3A_1012 : memref<64x128xf32, #tpu.memory_space<vmem>>)
      %mul3A_1019 = arith.constant 64 : i32
      %mul3A_1020 = arith.muli %add3A_1007, %mul3A_1019 : i32
      %add3A_1021 = arith.addi %mul3A_2, %mul3A_1020 : i32
      %dma_start3A_1022 = arith.constant 3 : i32
      %dma_start3A_1023 = arith.constant 0 : i32
      %dma_start3A_1024 = arith.constant 0 : i32
      %dma_start3A_1025 = tpu.memref_slice %arg6[%dma_start3A_1022, %dma_start3A_1023, %dma_start3A_1024] : memref<8x64x128xf32, #tpu.memory_space<vmem>> -> memref<1x64x64xf32, #tpu.memory_space<vmem>>
      %dma_start3A_1026 = tpu.memref_squeeze %dma_start3A_1025 : memref<1x64x64xf32, #tpu.memory_space<vmem>> -> memref<64x64xf32, #tpu.memory_space<vmem>>
      %dma_start3A_1027 = arith.constant 0 : i32
      %dma_start3A_1028 = tpu.memref_slice %arg4[%add3A_1021, %dma_start3A_1027] : memref<819200x128xf32, #tpu.memory_space<hbm>> -> memref<64x64xf32, #tpu.memory_space<hbm>>
      %dma_start3A_1029 = arith.constant 0 : i32
      %dma_start3A_1030 = tpu.memref_slice %arg4[%add3A_1021, %dma_start3A_1029] : memref<819200x128xf32, #tpu.memory_space<hbm>> -> memref<64x64xf32, #tpu.memory_space<hbm>>
      %dma_start3A_1031 = arith.constant 0 : i32
      %dma_start3A_1032 = arith.constant 0 : i32
      %dma_start3A_1033 = tpu.memref_slice %arg6[%dma_start3A_1022, %dma_start3A_1031, %dma_start3A_1032] : memref<8x64x128xf32, #tpu.memory_space<vmem>> -> memref<1x64x64xf32, #tpu.memory_space<vmem>>
      %dma_start3A_1034 = tpu.memref_squeeze %dma_start3A_1033 : memref<1x64x64xf32, #tpu.memory_space<vmem>> -> memref<64x64xf32, #tpu.memory_space<vmem>>
      tpu.enqueue_dma source(%dma_start3A_1034 : memref<64x64xf32, #tpu.memory_space<vmem>>) target(%dma_start3A_1030 : memref<64x64xf32, #tpu.memory_space<hbm>>) target_semaphore(%arg18 : memref<!tpu.dma_semaphore, #tpu.memory_space<semaphore_mem>>)
      %dma_wait3A_1035 = arith.constant 2 : i32
      %dma_wait3A_1036 = arith.constant 0 : i32
      %dma_wait3A_1037 = arith.constant 0 : i32
      %dma_wait3A_1038 = tpu.memref_slice %arg6[%dma_wait3A_1035, %dma_wait3A_1036, %dma_wait3A_1037] : memref<8x64x128xf32, #tpu.memory_space<vmem>> -> memref<1x64x64xf32, #tpu.memory_space<vmem>>
      %dma_wait3A_1039 = tpu.memref_squeeze %dma_wait3A_1038 : memref<1x64x64xf32, #tpu.memory_space<vmem>> -> memref<64x64xf32, #tpu.memory_space<vmem>>
      %dma_wait3A_1040 = arith.constant 0 : i32
      %dma_wait3A_1041 = tpu.memref_slice %arg4[%mul3A_2, %dma_wait3A_1040] : memref<819200x128xf32, #tpu.memory_space<hbm>> -> memref<64x64xf32, #tpu.memory_space<hbm>>
      %dma_wait3A_1042 = arith.constant 0 : i32
      %dma_wait3A_1043 = tpu.memref_slice %arg4[%mul3A_2, %dma_wait3A_1042] : memref<819200x128xf32, #tpu.memory_space<hbm>> -> memref<64x64xf32, #tpu.memory_space<hbm>>
      %dma_wait3A_1044 = arith.constant 0 : i32
      %dma_wait3A_1045 = arith.constant 0 : i32
      %dma_wait3A_1046 = tpu.memref_slice %arg6[%dma_wait3A_1035, %dma_wait3A_1044, %dma_wait3A_1045] : memref<8x64x128xf32, #tpu.memory_space<vmem>> -> memref<1x64x64xf32, #tpu.memory_space<vmem>>
      %dma_wait3A_1047 = tpu.memref_squeeze %dma_wait3A_1046 : memref<1x64x64xf32, #tpu.memory_space<vmem>> -> memref<64x64xf32, #tpu.memory_space<vmem>>
      tpu.wait_dma2 semaphore(%arg17 : memref<!tpu.dma_semaphore, #tpu.memory_space<semaphore_mem>>) src(%dma_wait3A_1047 : memref<64x64xf32, #tpu.memory_space<vmem>>) dst(%dma_wait3A_1043 : memref<64x64xf32, #tpu.memory_space<hbm>>)
      %add3A_1048 = arith.constant 7 : i32
      %add3A_1049 = arith.addi %add3A_1007, %add3A_1048 : i32
      %dma_start3A_1050 = arith.constant 2 : i32
      %dma_start3A_1051 = arith.constant 0 : i32
      %dma_start3A_1052 = arith.constant 0 : i32
      %dma_start3A_1053 = tpu.memref_slice %arg6[%dma_start3A_1050, %dma_start3A_1051, %dma_start3A_1052] : memref<8x64x128xf32, #tpu.memory_space<vmem>> -> memref<1x64x128xf32, #tpu.memory_space<vmem>>
      %dma_start3A_1054 = tpu.memref_squeeze %dma_start3A_1053 : memref<1x64x128xf32, #tpu.memory_space<vmem>> -> memref<64x128xf32, #tpu.memory_space<vmem>>
      %dma_start3A_1055 = arith.constant 0 : i32
      %dma_start3A_1056 = tpu.memref_slice %arg5[%add3A_1049, %dma_start3A_1055] : memref<400x64xi32, #tpu.memory_space<vmem>> -> memref<1x64xi32, #tpu.memory_space<vmem>>
      %dma_start3A_1057 = tpu.memref_squeeze %dma_start3A_1056 : memref<1x64xi32, #tpu.memory_space<vmem>> -> memref<64xi32, #tpu.memory_space<vmem>>
      %dma_start3A_1058 = arith.constant 0 : i32
      %dma_start3A_1059 = arith.constant 0 : i32
      %dma_start3A_1060 = tpu.memref_slice %arg3[%dma_start3A_1058, %dma_start3A_1059] : memref<1000000x128xf32, #tpu.memory_space<hbm>> -> memref<1000000x128xf32, #tpu.memory_space<hbm>>
      tpu.enqueue_indirect_dma source(%dma_start3A_1060 : memref<1000000x128xf32, #tpu.memory_space<hbm>>) target(%dma_start3A_1054 : memref<64x128xf32, #tpu.memory_space<vmem>>) offsets(%dma_start3A_1057 : memref<64xi32, #tpu.memory_space<vmem>>) semaphore(%arg9 : memref<!tpu.dma_semaphore, #tpu.memory_space<semaphore_mem>>)
      %add3A_1061 = arith.constant 4 : i32
      %add3A_1062 = arith.addi %mul3A_840, %add3A_1061 : i32
      %dma_wait3A_1063 = arith.constant 4 : i32
      %dma_wait3A_1064 = arith.constant 0 : i32
      %dma_wait3A_1065 = arith.constant 0 : i32
      %dma_wait3A_1066 = tpu.memref_slice %arg6[%dma_wait3A_1063, %dma_wait3A_1064, %dma_wait3A_1065] : memref<8x64x128xf32, #tpu.memory_space<vmem>> -> memref<1x64x128xf32, #tpu.memory_space<vmem>>
      %dma_wait3A_1067 = tpu.memref_squeeze %dma_wait3A_1066 : memref<1x64x128xf32, #tpu.memory_space<vmem>> -> memref<64x128xf32, #tpu.memory_space<vmem>>
      %dma_wait3A_1068 = arith.constant 0 : i32
      %dma_wait3A_1069 = tpu.memref_slice %arg5[%add3A_1062, %dma_wait3A_1068] : memref<400x64xi32, #tpu.memory_space<vmem>> -> memref<1x64xi32, #tpu.memory_space<vmem>>
      %dma_wait3A_1070 = tpu.memref_squeeze %dma_wait3A_1069 : memref<1x64xi32, #tpu.memory_space<vmem>> -> memref<64xi32, #tpu.memory_space<vmem>>
      %dma_wait3A_1071 = arith.constant 0 : i32
      %dma_wait3A_1072 = arith.constant 0 : i32
      %dma_wait3A_1073 = tpu.memref_slice %arg3[%dma_wait3A_1071, %dma_wait3A_1072] : memref<1000000x128xf32, #tpu.memory_space<hbm>> -> memref<1000000x128xf32, #tpu.memory_space<hbm>>
      tpu.wait_indirect_dma semaphore(%arg11 : memref<!tpu.dma_semaphore, #tpu.memory_space<semaphore_mem>>) src(%dma_wait3A_1073 : memref<1000000x128xf32, #tpu.memory_space<hbm>>) dst(%dma_wait3A_1067 : memref<64x128xf32, #tpu.memory_space<vmem>>)
      %mul3A_1074 = arith.constant 64 : i32
      %mul3A_1075 = arith.muli %add3A_1062, %mul3A_1074 : i32
      %add3A_1076 = arith.addi %mul3A_2, %mul3A_1075 : i32
      %dma_start3A_1077 = arith.constant 4 : i32
      %dma_start3A_1078 = arith.constant 0 : i32
      %dma_start3A_1079 = arith.constant 0 : i32
      %dma_start3A_1080 = tpu.memref_slice %arg6[%dma_start3A_1077, %dma_start3A_1078, %dma_start3A_1079] : memref<8x64x128xf32, #tpu.memory_space<vmem>> -> memref<1x64x64xf32, #tpu.memory_space<vmem>>
      %dma_start3A_1081 = tpu.memref_squeeze %dma_start3A_1080 : memref<1x64x64xf32, #tpu.memory_space<vmem>> -> memref<64x64xf32, #tpu.memory_space<vmem>>
      %dma_start3A_1082 = arith.constant 0 : i32
      %dma_start3A_1083 = tpu.memref_slice %arg4[%add3A_1076, %dma_start3A_1082] : memref<819200x128xf32, #tpu.memory_space<hbm>> -> memref<64x64xf32, #tpu.memory_space<hbm>>
      %dma_start3A_1084 = arith.constant 0 : i32
      %dma_start3A_1085 = tpu.memref_slice %arg4[%add3A_1076, %dma_start3A_1084] : memref<819200x128xf32, #tpu.memory_space<hbm>> -> memref<64x64xf32, #tpu.memory_space<hbm>>
      %dma_start3A_1086 = arith.constant 0 : i32
      %dma_start3A_1087 = arith.constant 0 : i32
      %dma_start3A_1088 = tpu.memref_slice %arg6[%dma_start3A_1077, %dma_start3A_1086, %dma_start3A_1087] : memref<8x64x128xf32, #tpu.memory_space<vmem>> -> memref<1x64x64xf32, #tpu.memory_space<vmem>>
      %dma_start3A_1089 = tpu.memref_squeeze %dma_start3A_1088 : memref<1x64x64xf32, #tpu.memory_space<vmem>> -> memref<64x64xf32, #tpu.memory_space<vmem>>
      tpu.enqueue_dma source(%dma_start3A_1089 : memref<64x64xf32, #tpu.memory_space<vmem>>) target(%dma_start3A_1085 : memref<64x64xf32, #tpu.memory_space<hbm>>) target_semaphore(%arg19 : memref<!tpu.dma_semaphore, #tpu.memory_space<semaphore_mem>>)
      %dma_wait3A_1090 = arith.constant 3 : i32
      %dma_wait3A_1091 = arith.constant 0 : i32
      %dma_wait3A_1092 = arith.constant 0 : i32
      %dma_wait3A_1093 = tpu.memref_slice %arg6[%dma_wait3A_1090, %dma_wait3A_1091, %dma_wait3A_1092] : memref<8x64x128xf32, #tpu.memory_space<vmem>> -> memref<1x64x64xf32, #tpu.memory_space<vmem>>
      %dma_wait3A_1094 = tpu.memref_squeeze %dma_wait3A_1093 : memref<1x64x64xf32, #tpu.memory_space<vmem>> -> memref<64x64xf32, #tpu.memory_space<vmem>>
      %dma_wait3A_1095 = arith.constant 0 : i32
      %dma_wait3A_1096 = tpu.memref_slice %arg4[%mul3A_2, %dma_wait3A_1095] : memref<819200x128xf32, #tpu.memory_space<hbm>> -> memref<64x64xf32, #tpu.memory_space<hbm>>
      %dma_wait3A_1097 = arith.constant 0 : i32
      %dma_wait3A_1098 = tpu.memref_slice %arg4[%mul3A_2, %dma_wait3A_1097] : memref<819200x128xf32, #tpu.memory_space<hbm>> -> memref<64x64xf32, #tpu.memory_space<hbm>>
      %dma_wait3A_1099 = arith.constant 0 : i32
      %dma_wait3A_1100 = arith.constant 0 : i32
      %dma_wait3A_1101 = tpu.memref_slice %arg6[%dma_wait3A_1090, %dma_wait3A_1099, %dma_wait3A_1100] : memref<8x64x128xf32, #tpu.memory_space<vmem>> -> memref<1x64x64xf32, #tpu.memory_space<vmem>>
      %dma_wait3A_1102 = tpu.memref_squeeze %dma_wait3A_1101 : memref<1x64x64xf32, #tpu.memory_space<vmem>> -> memref<64x64xf32, #tpu.memory_space<vmem>>
      tpu.wait_dma2 semaphore(%arg18 : memref<!tpu.dma_semaphore, #tpu.memory_space<semaphore_mem>>) src(%dma_wait3A_1102 : memref<64x64xf32, #tpu.memory_space<vmem>>) dst(%dma_wait3A_1098 : memref<64x64xf32, #tpu.memory_space<hbm>>)
      %add3A_1103 = arith.constant 7 : i32
      %add3A_1104 = arith.addi %add3A_1062, %add3A_1103 : i32
      %dma_start3A_1105 = arith.constant 3 : i32
      %dma_start3A_1106 = arith.constant 0 : i32
      %dma_start3A_1107 = arith.constant 0 : i32
      %dma_start3A_1108 = tpu.memref_slice %arg6[%dma_start3A_1105, %dma_start3A_1106, %dma_start3A_1107] : memref<8x64x128xf32, #tpu.memory_space<vmem>> -> memref<1x64x128xf32, #tpu.memory_space<vmem>>
      %dma_start3A_1109 = tpu.memref_squeeze %dma_start3A_1108 : memref<1x64x128xf32, #tpu.memory_space<vmem>> -> memref<64x128xf32, #tpu.memory_space<vmem>>
      %dma_start3A_1110 = arith.constant 0 : i32
      %dma_start3A_1111 = tpu.memref_slice %arg5[%add3A_1104, %dma_start3A_1110] : memref<400x64xi32, #tpu.memory_space<vmem>> -> memref<1x64xi32, #tpu.memory_space<vmem>>
      %dma_start3A_1112 = tpu.memref_squeeze %dma_start3A_1111 : memref<1x64xi32, #tpu.memory_space<vmem>> -> memref<64xi32, #tpu.memory_space<vmem>>
      %dma_start3A_1113 = arith.constant 0 : i32
      %dma_start3A_1114 = arith.constant 0 : i32
      %dma_start3A_1115 = tpu.memref_slice %arg3[%dma_start3A_1113, %dma_start3A_1114] : memref<1000000x128xf32, #tpu.memory_space<hbm>> -> memref<1000000x128xf32, #tpu.memory_space<hbm>>
      tpu.enqueue_indirect_dma source(%dma_start3A_1115 : memref<1000000x128xf32, #tpu.memory_space<hbm>>) target(%dma_start3A_1109 : memref<64x128xf32, #tpu.memory_space<vmem>>) offsets(%dma_start3A_1112 : memref<64xi32, #tpu.memory_space<vmem>>) semaphore(%arg10 : memref<!tpu.dma_semaphore, #tpu.memory_space<semaphore_mem>>)
      %add3A_1116 = arith.constant 5 : i32
      %add3A_1117 = arith.addi %mul3A_840, %add3A_1116 : i32
      %dma_wait3A_1118 = arith.constant 5 : i32
      %dma_wait3A_1119 = arith.constant 0 : i32
      %dma_wait3A_1120 = arith.constant 0 : i32
      %dma_wait3A_1121 = tpu.memref_slice %arg6[%dma_wait3A_1118, %dma_wait3A_1119, %dma_wait3A_1120] : memref<8x64x128xf32, #tpu.memory_space<vmem>> -> memref<1x64x128xf32, #tpu.memory_space<vmem>>
      %dma_wait3A_1122 = tpu.memref_squeeze %dma_wait3A_1121 : memref<1x64x128xf32, #tpu.memory_space<vmem>> -> memref<64x128xf32, #tpu.memory_space<vmem>>
      %dma_wait3A_1123 = arith.constant 0 : i32
      %dma_wait3A_1124 = tpu.memref_slice %arg5[%add3A_1117, %dma_wait3A_1123] : memref<400x64xi32, #tpu.memory_space<vmem>> -> memref<1x64xi32, #tpu.memory_space<vmem>>
      %dma_wait3A_1125 = tpu.memref_squeeze %dma_wait3A_1124 : memref<1x64xi32, #tpu.memory_space<vmem>> -> memref<64xi32, #tpu.memory_space<vmem>>
      %dma_wait3A_1126 = arith.constant 0 : i32
      %dma_wait3A_1127 = arith.constant 0 : i32
      %dma_wait3A_1128 = tpu.memref_slice %arg3[%dma_wait3A_1126, %dma_wait3A_1127] : memref<1000000x128xf32, #tpu.memory_space<hbm>> -> memref<1000000x128xf32, #tpu.memory_space<hbm>>
      tpu.wait_indirect_dma semaphore(%arg12 : memref<!tpu.dma_semaphore, #tpu.memory_space<semaphore_mem>>) src(%dma_wait3A_1128 : memref<1000000x128xf32, #tpu.memory_space<hbm>>) dst(%dma_wait3A_1122 : memref<64x128xf32, #tpu.memory_space<vmem>>)
      %mul3A_1129 = arith.constant 64 : i32
      %mul3A_1130 = arith.muli %add3A_1117, %mul3A_1129 : i32
      %add3A_1131 = arith.addi %mul3A_2, %mul3A_1130 : i32
      %dma_start3A_1132 = arith.constant 5 : i32
      %dma_start3A_1133 = arith.constant 0 : i32
      %dma_start3A_1134 = arith.constant 0 : i32
      %dma_start3A_1135 = tpu.memref_slice %arg6[%dma_start3A_1132, %dma_start3A_1133, %dma_start3A_1134] : memref<8x64x128xf32, #tpu.memory_space<vmem>> -> memref<1x64x64xf32, #tpu.memory_space<vmem>>
      %dma_start3A_1136 = tpu.memref_squeeze %dma_start3A_1135 : memref<1x64x64xf32, #tpu.memory_space<vmem>> -> memref<64x64xf32, #tpu.memory_space<vmem>>
      %dma_start3A_1137 = arith.constant 0 : i32
      %dma_start3A_1138 = tpu.memref_slice %arg4[%add3A_1131, %dma_start3A_1137] : memref<819200x128xf32, #tpu.memory_space<hbm>> -> memref<64x64xf32, #tpu.memory_space<hbm>>
      %dma_start3A_1139 = arith.constant 0 : i32
      %dma_start3A_1140 = tpu.memref_slice %arg4[%add3A_1131, %dma_start3A_1139] : memref<819200x128xf32, #tpu.memory_space<hbm>> -> memref<64x64xf32, #tpu.memory_space<hbm>>
      %dma_start3A_1141 = arith.constant 0 : i32
      %dma_start3A_1142 = arith.constant 0 : i32
      %dma_start3A_1143 = tpu.memref_slice %arg6[%dma_start3A_1132, %dma_start3A_1141, %dma_start3A_1142] : memref<8x64x128xf32, #tpu.memory_space<vmem>> -> memref<1x64x64xf32, #tpu.memory_space<vmem>>
      %dma_start3A_1144 = tpu.memref_squeeze %dma_start3A_1143 : memref<1x64x64xf32, #tpu.memory_space<vmem>> -> memref<64x64xf32, #tpu.memory_space<vmem>>
      tpu.enqueue_dma source(%dma_start3A_1144 : memref<64x64xf32, #tpu.memory_space<vmem>>) target(%dma_start3A_1140 : memref<64x64xf32, #tpu.memory_space<hbm>>) target_semaphore(%arg20 : memref<!tpu.dma_semaphore, #tpu.memory_space<semaphore_mem>>)
      %dma_wait3A_1145 = arith.constant 4 : i32
      %dma_wait3A_1146 = arith.constant 0 : i32
      %dma_wait3A_1147 = arith.constant 0 : i32
      %dma_wait3A_1148 = tpu.memref_slice %arg6[%dma_wait3A_1145, %dma_wait3A_1146, %dma_wait3A_1147] : memref<8x64x128xf32, #tpu.memory_space<vmem>> -> memref<1x64x64xf32, #tpu.memory_space<vmem>>
      %dma_wait3A_1149 = tpu.memref_squeeze %dma_wait3A_1148 : memref<1x64x64xf32, #tpu.memory_space<vmem>> -> memref<64x64xf32, #tpu.memory_space<vmem>>
      %dma_wait3A_1150 = arith.constant 0 : i32
      %dma_wait3A_1151 = tpu.memref_slice %arg4[%mul3A_2, %dma_wait3A_1150] : memref<819200x128xf32, #tpu.memory_space<hbm>> -> memref<64x64xf32, #tpu.memory_space<hbm>>
      %dma_wait3A_1152 = arith.constant 0 : i32
      %dma_wait3A_1153 = tpu.memref_slice %arg4[%mul3A_2, %dma_wait3A_1152] : memref<819200x128xf32, #tpu.memory_space<hbm>> -> memref<64x64xf32, #tpu.memory_space<hbm>>
      %dma_wait3A_1154 = arith.constant 0 : i32
      %dma_wait3A_1155 = arith.constant 0 : i32
      %dma_wait3A_1156 = tpu.memref_slice %arg6[%dma_wait3A_1145, %dma_wait3A_1154, %dma_wait3A_1155] : memref<8x64x128xf32, #tpu.memory_space<vmem>> -> memref<1x64x64xf32, #tpu.memory_space<vmem>>
      %dma_wait3A_1157 = tpu.memref_squeeze %dma_wait3A_1156 : memref<1x64x64xf32, #tpu.memory_space<vmem>> -> memref<64x64xf32, #tpu.memory_space<vmem>>
      tpu.wait_dma2 semaphore(%arg19 : memref<!tpu.dma_semaphore, #tpu.memory_space<semaphore_mem>>) src(%dma_wait3A_1157 : memref<64x64xf32, #tpu.memory_space<vmem>>) dst(%dma_wait3A_1153 : memref<64x64xf32, #tpu.memory_space<hbm>>)
      %add3A_1158 = arith.constant 7 : i32
      %add3A_1159 = arith.addi %add3A_1117, %add3A_1158 : i32
      %dma_start3A_1160 = arith.constant 4 : i32
      %dma_start3A_1161 = arith.constant 0 : i32
      %dma_start3A_1162 = arith.constant 0 : i32
      %dma_start3A_1163 = tpu.memref_slice %arg6[%dma_start3A_1160, %dma_start3A_1161, %dma_start3A_1162] : memref<8x64x128xf32, #tpu.memory_space<vmem>> -> memref<1x64x128xf32, #tpu.memory_space<vmem>>
      %dma_start3A_1164 = tpu.memref_squeeze %dma_start3A_1163 : memref<1x64x128xf32, #tpu.memory_space<vmem>> -> memref<64x128xf32, #tpu.memory_space<vmem>>
      %dma_start3A_1165 = arith.constant 0 : i32
      %dma_start3A_1166 = tpu.memref_slice %arg5[%add3A_1159, %dma_start3A_1165] : memref<400x64xi32, #tpu.memory_space<vmem>> -> memref<1x64xi32, #tpu.memory_space<vmem>>
      %dma_start3A_1167 = tpu.memref_squeeze %dma_start3A_1166 : memref<1x64xi32, #tpu.memory_space<vmem>> -> memref<64xi32, #tpu.memory_space<vmem>>
      %dma_start3A_1168 = arith.constant 0 : i32
      %dma_start3A_1169 = arith.constant 0 : i32
      %dma_start3A_1170 = tpu.memref_slice %arg3[%dma_start3A_1168, %dma_start3A_1169] : memref<1000000x128xf32, #tpu.memory_space<hbm>> -> memref<1000000x128xf32, #tpu.memory_space<hbm>>
      tpu.enqueue_indirect_dma source(%dma_start3A_1170 : memref<1000000x128xf32, #tpu.memory_space<hbm>>) target(%dma_start3A_1164 : memref<64x128xf32, #tpu.memory_space<vmem>>) offsets(%dma_start3A_1167 : memref<64xi32, #tpu.memory_space<vmem>>) semaphore(%arg11 : memref<!tpu.dma_semaphore, #tpu.memory_space<semaphore_mem>>)
      %add3A_1171 = arith.constant 6 : i32
      %add3A_1172 = arith.addi %mul3A_840, %add3A_1171 : i32
      %dma_wait3A_1173 = arith.constant 6 : i32
      %dma_wait3A_1174 = arith.constant 0 : i32
      %dma_wait3A_1175 = arith.constant 0 : i32
      %dma_wait3A_1176 = tpu.memref_slice %arg6[%dma_wait3A_1173, %dma_wait3A_1174, %dma_wait3A_1175] : memref<8x64x128xf32, #tpu.memory_space<vmem>> -> memref<1x64x128xf32, #tpu.memory_space<vmem>>
      %dma_wait3A_1177 = tpu.memref_squeeze %dma_wait3A_1176 : memref<1x64x128xf32, #tpu.memory_space<vmem>> -> memref<64x128xf32, #tpu.memory_space<vmem>>
      %dma_wait3A_1178 = arith.constant 0 : i32
      %dma_wait3A_1179 = tpu.memref_slice %arg5[%add3A_1172, %dma_wait3A_1178] : memref<400x64xi32, #tpu.memory_space<vmem>> -> memref<1x64xi32, #tpu.memory_space<vmem>>
      %dma_wait3A_1180 = tpu.memref_squeeze %dma_wait3A_1179 : memref<1x64xi32, #tpu.memory_space<vmem>> -> memref<64xi32, #tpu.memory_space<vmem>>
      %dma_wait3A_1181 = arith.constant 0 : i32
      %dma_wait3A_1182 = arith.constant 0 : i32
      %dma_wait3A_1183 = tpu.memref_slice %arg3[%dma_wait3A_1181, %dma_wait3A_1182] : memref<1000000x128xf32, #tpu.memory_space<hbm>> -> memref<1000000x128xf32, #tpu.memory_space<hbm>>
      tpu.wait_indirect_dma semaphore(%arg13 : memref<!tpu.dma_semaphore, #tpu.memory_space<semaphore_mem>>) src(%dma_wait3A_1183 : memref<1000000x128xf32, #tpu.memory_space<hbm>>) dst(%dma_wait3A_1177 : memref<64x128xf32, #tpu.memory_space<vmem>>)
      %mul3A_1184 = arith.constant 64 : i32
      %mul3A_1185 = arith.muli %add3A_1172, %mul3A_1184 : i32
      %add3A_1186 = arith.addi %mul3A_2, %mul3A_1185 : i32
      %dma_start3A_1187 = arith.constant 6 : i32
      %dma_start3A_1188 = arith.constant 0 : i32
      %dma_start3A_1189 = arith.constant 0 : i32
      %dma_start3A_1190 = tpu.memref_slice %arg6[%dma_start3A_1187, %dma_start3A_1188, %dma_start3A_1189] : memref<8x64x128xf32, #tpu.memory_space<vmem>> -> memref<1x64x64xf32, #tpu.memory_space<vmem>>
      %dma_start3A_1191 = tpu.memref_squeeze %dma_start3A_1190 : memref<1x64x64xf32, #tpu.memory_space<vmem>> -> memref<64x64xf32, #tpu.memory_space<vmem>>
      %dma_start3A_1192 = arith.constant 0 : i32
      %dma_start3A_1193 = tpu.memref_slice %arg4[%add3A_1186, %dma_start3A_1192] : memref<819200x128xf32, #tpu.memory_space<hbm>> -> memref<64x64xf32, #tpu.memory_space<hbm>>
      %dma_start3A_1194 = arith.constant 0 : i32
      %dma_start3A_1195 = tpu.memref_slice %arg4[%add3A_1186, %dma_start3A_1194] : memref<819200x128xf32, #tpu.memory_space<hbm>> -> memref<64x64xf32, #tpu.memory_space<hbm>>
      %dma_start3A_1196 = arith.constant 0 : i32
      %dma_start3A_1197 = arith.constant 0 : i32
      %dma_start3A_1198 = tpu.memref_slice %arg6[%dma_start3A_1187, %dma_start3A_1196, %dma_start3A_1197] : memref<8x64x128xf32, #tpu.memory_space<vmem>> -> memref<1x64x64xf32, #tpu.memory_space<vmem>>
      %dma_start3A_1199 = tpu.memref_squeeze %dma_start3A_1198 : memref<1x64x64xf32, #tpu.memory_space<vmem>> -> memref<64x64xf32, #tpu.memory_space<vmem>>
      tpu.enqueue_dma source(%dma_start3A_1199 : memref<64x64xf32, #tpu.memory_space<vmem>>) target(%dma_start3A_1195 : memref<64x64xf32, #tpu.memory_space<hbm>>) target_semaphore(%arg21 : memref<!tpu.dma_semaphore, #tpu.memory_space<semaphore_mem>>)
      %dma_wait3A_1200 = arith.constant 5 : i32
      %dma_wait3A_1201 = arith.constant 0 : i32
      %dma_wait3A_1202 = arith.constant 0 : i32
      %dma_wait3A_1203 = tpu.memref_slice %arg6[%dma_wait3A_1200, %dma_wait3A_1201, %dma_wait3A_1202] : memref<8x64x128xf32, #tpu.memory_space<vmem>> -> memref<1x64x64xf32, #tpu.memory_space<vmem>>
      %dma_wait3A_1204 = tpu.memref_squeeze %dma_wait3A_1203 : memref<1x64x64xf32, #tpu.memory_space<vmem>> -> memref<64x64xf32, #tpu.memory_space<vmem>>
      %dma_wait3A_1205 = arith.constant 0 : i32
      %dma_wait3A_1206 = tpu.memref_slice %arg4[%mul3A_2, %dma_wait3A_1205] : memref<819200x128xf32, #tpu.memory_space<hbm>> -> memref<64x64xf32, #tpu.memory_space<hbm>>
      %dma_wait3A_1207 = arith.constant 0 : i32
      %dma_wait3A_1208 = tpu.memref_slice %arg4[%mul3A_2, %dma_wait3A_1207] : memref<819200x128xf32, #tpu.memory_space<hbm>> -> memref<64x64xf32, #tpu.memory_space<hbm>>
      %dma_wait3A_1209 = arith.constant 0 : i32
      %dma_wait3A_1210 = arith.constant 0 : i32
      %dma_wait3A_1211 = tpu.memref_slice %arg6[%dma_wait3A_1200, %dma_wait3A_1209, %dma_wait3A_1210] : memref<8x64x128xf32, #tpu.memory_space<vmem>> -> memref<1x64x64xf32, #tpu.memory_space<vmem>>
      %dma_wait3A_1212 = tpu.memref_squeeze %dma_wait3A_1211 : memref<1x64x64xf32, #tpu.memory_space<vmem>> -> memref<64x64xf32, #tpu.memory_space<vmem>>
      tpu.wait_dma2 semaphore(%arg20 : memref<!tpu.dma_semaphore, #tpu.memory_space<semaphore_mem>>) src(%dma_wait3A_1212 : memref<64x64xf32, #tpu.memory_space<vmem>>) dst(%dma_wait3A_1208 : memref<64x64xf32, #tpu.memory_space<hbm>>)
      %add3A_1213 = arith.constant 7 : i32
      %add3A_1214 = arith.addi %add3A_1172, %add3A_1213 : i32
      %dma_start3A_1215 = arith.constant 5 : i32
      %dma_start3A_1216 = arith.constant 0 : i32
      %dma_start3A_1217 = arith.constant 0 : i32
      %dma_start3A_1218 = tpu.memref_slice %arg6[%dma_start3A_1215, %dma_start3A_1216, %dma_start3A_1217] : memref<8x64x128xf32, #tpu.memory_space<vmem>> -> memref<1x64x128xf32, #tpu.memory_space<vmem>>
      %dma_start3A_1219 = tpu.memref_squeeze %dma_start3A_1218 : memref<1x64x128xf32, #tpu.memory_space<vmem>> -> memref<64x128xf32, #tpu.memory_space<vmem>>
      %dma_start3A_1220 = arith.constant 0 : i32
      %dma_start3A_1221 = tpu.memref_slice %arg5[%add3A_1214, %dma_start3A_1220] : memref<400x64xi32, #tpu.memory_space<vmem>> -> memref<1x64xi32, #tpu.memory_space<vmem>>
      %dma_start3A_1222 = tpu.memref_squeeze %dma_start3A_1221 : memref<1x64xi32, #tpu.memory_space<vmem>> -> memref<64xi32, #tpu.memory_space<vmem>>
      %dma_start3A_1223 = arith.constant 0 : i32
      %dma_start3A_1224 = arith.constant 0 : i32
      %dma_start3A_1225 = tpu.memref_slice %arg3[%dma_start3A_1223, %dma_start3A_1224] : memref<1000000x128xf32, #tpu.memory_space<hbm>> -> memref<1000000x128xf32, #tpu.memory_space<hbm>>
      tpu.enqueue_indirect_dma source(%dma_start3A_1225 : memref<1000000x128xf32, #tpu.memory_space<hbm>>) target(%dma_start3A_1219 : memref<64x128xf32, #tpu.memory_space<vmem>>) offsets(%dma_start3A_1222 : memref<64xi32, #tpu.memory_space<vmem>>) semaphore(%arg12 : memref<!tpu.dma_semaphore, #tpu.memory_space<semaphore_mem>>)
      %add3A_1226 = arith.constant 7 : i32
      %add3A_1227 = arith.addi %mul3A_840, %add3A_1226 : i32
      %dma_wait3A_1228 = arith.constant 7 : i32
      %dma_wait3A_1229 = arith.constant 0 : i32
      %dma_wait3A_1230 = arith.constant 0 : i32
      %dma_wait3A_1231 = tpu.memref_slice %arg6[%dma_wait3A_1228, %dma_wait3A_1229, %dma_wait3A_1230] : memref<8x64x128xf32, #tpu.memory_space<vmem>> -> memref<1x64x128xf32, #tpu.memory_space<vmem>>
      %dma_wait3A_1232 = tpu.memref_squeeze %dma_wait3A_1231 : memref<1x64x128xf32, #tpu.memory_space<vmem>> -> memref<64x128xf32, #tpu.memory_space<vmem>>
      %dma_wait3A_1233 = arith.constant 0 : i32
      %dma_wait3A_1234 = tpu.memref_slice %arg5[%add3A_1227, %dma_wait3A_1233] : memref<400x64xi32, #tpu.memory_space<vmem>> -> memref<1x64xi32, #tpu.memory_space<vmem>>
      %dma_wait3A_1235 = tpu.memref_squeeze %dma_wait3A_1234 : memref<1x64xi32, #tpu.memory_space<vmem>> -> memref<64xi32, #tpu.memory_space<vmem>>
      %dma_wait3A_1236 = arith.constant 0 : i32
      %dma_wait3A_1237 = arith.constant 0 : i32
      %dma_wait3A_1238 = tpu.memref_slice %arg3[%dma_wait3A_1236, %dma_wait3A_1237] : memref<1000000x128xf32, #tpu.memory_space<hbm>> -> memref<1000000x128xf32, #tpu.memory_space<hbm>>
      tpu.wait_indirect_dma semaphore(%arg14 : memref<!tpu.dma_semaphore, #tpu.memory_space<semaphore_mem>>) src(%dma_wait3A_1238 : memref<1000000x128xf32, #tpu.memory_space<hbm>>) dst(%dma_wait3A_1232 : memref<64x128xf32, #tpu.memory_space<vmem>>)
      %mul3A_1239 = arith.constant 64 : i32
      %mul3A_1240 = arith.muli %add3A_1227, %mul3A_1239 : i32
      %add3A_1241 = arith.addi %mul3A_2, %mul3A_1240 : i32
      %dma_start3A_1242 = arith.constant 7 : i32
      %dma_start3A_1243 = arith.constant 0 : i32
      %dma_start3A_1244 = arith.constant 0 : i32
      %dma_start3A_1245 = tpu.memref_slice %arg6[%dma_start3A_1242, %dma_start3A_1243, %dma_start3A_1244] : memref<8x64x128xf32, #tpu.memory_space<vmem>> -> memref<1x64x64xf32, #tpu.memory_space<vmem>>
      %dma_start3A_1246 = tpu.memref_squeeze %dma_start3A_1245 : memref<1x64x64xf32, #tpu.memory_space<vmem>> -> memref<64x64xf32, #tpu.memory_space<vmem>>
      %dma_start3A_1247 = arith.constant 0 : i32
      %dma_start3A_1248 = tpu.memref_slice %arg4[%add3A_1241, %dma_start3A_1247] : memref<819200x128xf32, #tpu.memory_space<hbm>> -> memref<64x64xf32, #tpu.memory_space<hbm>>
      %dma_start3A_1249 = arith.constant 0 : i32
      %dma_start3A_1250 = tpu.memref_slice %arg4[%add3A_1241, %dma_start3A_1249] : memref<819200x128xf32, #tpu.memory_space<hbm>> -> memref<64x64xf32, #tpu.memory_space<hbm>>
      %dma_start3A_1251 = arith.constant 0 : i32
      %dma_start3A_1252 = arith.constant 0 : i32
      %dma_start3A_1253 = tpu.memref_slice %arg6[%dma_start3A_1242, %dma_start3A_1251, %dma_start3A_1252] : memref<8x64x128xf32, #tpu.memory_space<vmem>> -> memref<1x64x64xf32, #tpu.memory_space<vmem>>
      %dma_start3A_1254 = tpu.memref_squeeze %dma_start3A_1253 : memref<1x64x64xf32, #tpu.memory_space<vmem>> -> memref<64x64xf32, #tpu.memory_space<vmem>>
      tpu.enqueue_dma source(%dma_start3A_1254 : memref<64x64xf32, #tpu.memory_space<vmem>>) target(%dma_start3A_1250 : memref<64x64xf32, #tpu.memory_space<hbm>>) target_semaphore(%arg22 : memref<!tpu.dma_semaphore, #tpu.memory_space<semaphore_mem>>)
      %dma_wait3A_1255 = arith.constant 6 : i32
      %dma_wait3A_1256 = arith.constant 0 : i32
      %dma_wait3A_1257 = arith.constant 0 : i32
      %dma_wait3A_1258 = tpu.memref_slice %arg6[%dma_wait3A_1255, %dma_wait3A_1256, %dma_wait3A_1257] : memref<8x64x128xf32, #tpu.memory_space<vmem>> -> memref<1x64x64xf32, #tpu.memory_space<vmem>>
      %dma_wait3A_1259 = tpu.memref_squeeze %dma_wait3A_1258 : memref<1x64x64xf32, #tpu.memory_space<vmem>> -> memref<64x64xf32, #tpu.memory_space<vmem>>
      %dma_wait3A_1260 = arith.constant 0 : i32
      %dma_wait3A_1261 = tpu.memref_slice %arg4[%mul3A_2, %dma_wait3A_1260] : memref<819200x128xf32, #tpu.memory_space<hbm>> -> memref<64x64xf32, #tpu.memory_space<hbm>>
      %dma_wait3A_1262 = arith.constant 0 : i32
      %dma_wait3A_1263 = tpu.memref_slice %arg4[%mul3A_2, %dma_wait3A_1262] : memref<819200x128xf32, #tpu.memory_space<hbm>> -> memref<64x64xf32, #tpu.memory_space<hbm>>
      %dma_wait3A_1264 = arith.constant 0 : i32
      %dma_wait3A_1265 = arith.constant 0 : i32
      %dma_wait3A_1266 = tpu.memref_slice %arg6[%dma_wait3A_1255, %dma_wait3A_1264, %dma_wait3A_1265] : memref<8x64x128xf32, #tpu.memory_space<vmem>> -> memref<1x64x64xf32, #tpu.memory_space<vmem>>
      %dma_wait3A_1267 = tpu.memref_squeeze %dma_wait3A_1266 : memref<1x64x64xf32, #tpu.memory_space<vmem>> -> memref<64x64xf32, #tpu.memory_space<vmem>>
      tpu.wait_dma2 semaphore(%arg21 : memref<!tpu.dma_semaphore, #tpu.memory_space<semaphore_mem>>) src(%dma_wait3A_1267 : memref<64x64xf32, #tpu.memory_space<vmem>>) dst(%dma_wait3A_1263 : memref<64x64xf32, #tpu.memory_space<hbm>>)
      %add3A_1268 = arith.constant 7 : i32
      %add3A_1269 = arith.addi %add3A_1227, %add3A_1268 : i32
      %dma_start3A_1270 = arith.constant 6 : i32
      %dma_start3A_1271 = arith.constant 0 : i32
      %dma_start3A_1272 = arith.constant 0 : i32
      %dma_start3A_1273 = tpu.memref_slice %arg6[%dma_start3A_1270, %dma_start3A_1271, %dma_start3A_1272] : memref<8x64x128xf32, #tpu.memory_space<vmem>> -> memref<1x64x128xf32, #tpu.memory_space<vmem>>
      %dma_start3A_1274 = tpu.memref_squeeze %dma_start3A_1273 : memref<1x64x128xf32, #tpu.memory_space<vmem>> -> memref<64x128xf32, #tpu.memory_space<vmem>>
      %dma_start3A_1275 = arith.constant 0 : i32
      %dma_start3A_1276 = tpu.memref_slice %arg5[%add3A_1269, %dma_start3A_1275] : memref<400x64xi32, #tpu.memory_space<vmem>> -> memref<1x64xi32, #tpu.memory_space<vmem>>
      %dma_start3A_1277 = tpu.memref_squeeze %dma_start3A_1276 : memref<1x64xi32, #tpu.memory_space<vmem>> -> memref<64xi32, #tpu.memory_space<vmem>>
      %dma_start3A_1278 = arith.constant 0 : i32
      %dma_start3A_1279 = arith.constant 0 : i32
      %dma_start3A_1280 = tpu.memref_slice %arg3[%dma_start3A_1278, %dma_start3A_1279] : memref<1000000x128xf32, #tpu.memory_space<hbm>> -> memref<1000000x128xf32, #tpu.memory_space<hbm>>
      tpu.enqueue_indirect_dma source(%dma_start3A_1280 : memref<1000000x128xf32, #tpu.memory_space<hbm>>) target(%dma_start3A_1274 : memref<64x128xf32, #tpu.memory_space<vmem>>) offsets(%dma_start3A_1277 : memref<64xi32, #tpu.memory_space<vmem>>) semaphore(%arg13 : memref<!tpu.dma_semaphore, #tpu.memory_space<semaphore_mem>>)
    }
    %scan3A_492 = arith.constant 48 : i32
    %dma_wait3A_493 = arith.constant 392 : i32
    %dma_wait3A_494 = arith.constant 0 : i32
    %dma_wait3A_495 = arith.constant 0 : i32
    %dma_wait3A_496 = arith.constant 0 : i32
    %dma_wait3A_497 = tpu.memref_slice %arg6[%dma_wait3A_494, %dma_wait3A_495, %dma_wait3A_496] : memref<8x64x128xf32, #tpu.memory_space<vmem>> -> memref<1x64x128xf32, #tpu.memory_space<vmem>>
    %dma_wait3A_498 = tpu.memref_squeeze %dma_wait3A_497 : memref<1x64x128xf32, #tpu.memory_space<vmem>> -> memref<64x128xf32, #tpu.memory_space<vmem>>
    %dma_wait3A_499 = arith.constant 0 : i32
    %dma_wait3A_500 = tpu.memref_slice %arg5[%dma_wait3A_493, %dma_wait3A_499] : memref<400x64xi32, #tpu.memory_space<vmem>> -> memref<1x64xi32, #tpu.memory_space<vmem>>
    %dma_wait3A_501 = tpu.memref_squeeze %dma_wait3A_500 : memref<1x64xi32, #tpu.memory_space<vmem>> -> memref<64xi32, #tpu.memory_space<vmem>>
    %dma_wait3A_502 = arith.constant 0 : i32
    %dma_wait3A_503 = arith.constant 0 : i32
    %dma_wait3A_504 = tpu.memref_slice %arg3[%dma_wait3A_502, %dma_wait3A_503] : memref<1000000x128xf32, #tpu.memory_space<hbm>> -> memref<1000000x128xf32, #tpu.memory_space<hbm>>
    tpu.wait_indirect_dma semaphore(%arg7 : memref<!tpu.dma_semaphore, #tpu.memory_space<semaphore_mem>>) src(%dma_wait3A_504 : memref<1000000x128xf32, #tpu.memory_space<hbm>>) dst(%dma_wait3A_498 : memref<64x128xf32, #tpu.memory_space<vmem>>)
    %add3A_505 = arith.constant 25088 : i32
    %add3A_506 = arith.addi %mul3A_2, %add3A_505 : i32
    %dma_start3A_507 = arith.constant 0 : i32
    %dma_start3A_508 = arith.constant 0 : i32
    %dma_start3A_509 = arith.constant 0 : i32
    %dma_start3A_510 = tpu.memref_slice %arg6[%dma_start3A_507, %dma_start3A_508, %dma_start3A_509] : memref<8x64x128xf32, #tpu.memory_space<vmem>> -> memref<1x64x64xf32, #tpu.memory_space<vmem>>
    %dma_start3A_511 = tpu.memref_squeeze %dma_start3A_510 : memref<1x64x64xf32, #tpu.memory_space<vmem>> -> memref<64x64xf32, #tpu.memory_space<vmem>>
    %dma_start3A_512 = arith.constant 0 : i32
    %dma_start3A_513 = tpu.memref_slice %arg4[%add3A_506, %dma_start3A_512] : memref<819200x128xf32, #tpu.memory_space<hbm>> -> memref<64x64xf32, #tpu.memory_space<hbm>>
    %dma_start3A_514 = arith.constant 0 : i32
    %dma_start3A_515 = tpu.memref_slice %arg4[%add3A_506, %dma_start3A_514] : memref<819200x128xf32, #tpu.memory_space<hbm>> -> memref<64x64xf32, #tpu.memory_space<hbm>>
    %dma_start3A_516 = arith.constant 0 : i32
    %dma_start3A_517 = arith.constant 0 : i32
    %dma_start3A_518 = tpu.memref_slice %arg6[%dma_start3A_507, %dma_start3A_516, %dma_start3A_517] : memref<8x64x128xf32, #tpu.memory_space<vmem>> -> memref<1x64x64xf32, #tpu.memory_space<vmem>>
    %dma_start3A_519 = tpu.memref_squeeze %dma_start3A_518 : memref<1x64x64xf32, #tpu.memory_space<vmem>> -> memref<64x64xf32, #tpu.memory_space<vmem>>
    tpu.enqueue_dma source(%dma_start3A_519 : memref<64x64xf32, #tpu.memory_space<vmem>>) target(%dma_start3A_515 : memref<64x64xf32, #tpu.memory_space<hbm>>) target_semaphore(%arg15 : memref<!tpu.dma_semaphore, #tpu.memory_space<semaphore_mem>>)
    %dma_wait3A_520 = arith.constant 7 : i32
    %dma_wait3A_521 = arith.constant 0 : i32
    %dma_wait3A_522 = arith.constant 0 : i32
    %dma_wait3A_523 = tpu.memref_slice %arg6[%dma_wait3A_520, %dma_wait3A_521, %dma_wait3A_522] : memref<8x64x128xf32, #tpu.memory_space<vmem>> -> memref<1x64x64xf32, #tpu.memory_space<vmem>>
    %dma_wait3A_524 = tpu.memref_squeeze %dma_wait3A_523 : memref<1x64x64xf32, #tpu.memory_space<vmem>> -> memref<64x64xf32, #tpu.memory_space<vmem>>
    %dma_wait3A_525 = arith.constant 0 : i32
    %dma_wait3A_526 = tpu.memref_slice %arg4[%mul3A_2, %dma_wait3A_525] : memref<819200x128xf32, #tpu.memory_space<hbm>> -> memref<64x64xf32, #tpu.memory_space<hbm>>
    %dma_wait3A_527 = arith.constant 0 : i32
    %dma_wait3A_528 = tpu.memref_slice %arg4[%mul3A_2, %dma_wait3A_527] : memref<819200x128xf32, #tpu.memory_space<hbm>> -> memref<64x64xf32, #tpu.memory_space<hbm>>
    %dma_wait3A_529 = arith.constant 0 : i32
    %dma_wait3A_530 = arith.constant 0 : i32
    %dma_wait3A_531 = tpu.memref_slice %arg6[%dma_wait3A_520, %dma_wait3A_529, %dma_wait3A_530] : memref<8x64x128xf32, #tpu.memory_space<vmem>> -> memref<1x64x64xf32, #tpu.memory_space<vmem>>
    %dma_wait3A_532 = tpu.memref_squeeze %dma_wait3A_531 : memref<1x64x64xf32, #tpu.memory_space<vmem>> -> memref<64x64xf32, #tpu.memory_space<vmem>>
    tpu.wait_dma2 semaphore(%arg22 : memref<!tpu.dma_semaphore, #tpu.memory_space<semaphore_mem>>) src(%dma_wait3A_532 : memref<64x64xf32, #tpu.memory_space<vmem>>) dst(%dma_wait3A_528 : memref<64x64xf32, #tpu.memory_space<hbm>>)
    %dma_start3A_533 = arith.constant 399 : i32
    %dma_start3A_534 = arith.constant 7 : i32
    %dma_start3A_535 = arith.constant 0 : i32
    %dma_start3A_536 = arith.constant 0 : i32
    %dma_start3A_537 = tpu.memref_slice %arg6[%dma_start3A_534, %dma_start3A_535, %dma_start3A_536] : memref<8x64x128xf32, #tpu.memory_space<vmem>> -> memref<1x64x128xf32, #tpu.memory_space<vmem>>
    %dma_start3A_538 = tpu.memref_squeeze %dma_start3A_537 : memref<1x64x128xf32, #tpu.memory_space<vmem>> -> memref<64x128xf32, #tpu.memory_space<vmem>>
    %dma_start3A_539 = arith.constant 0 : i32
    %dma_start3A_540 = tpu.memref_slice %arg5[%dma_start3A_533, %dma_start3A_539] : memref<400x64xi32, #tpu.memory_space<vmem>> -> memref<1x64xi32, #tpu.memory_space<vmem>>
    %dma_start3A_541 = tpu.memref_squeeze %dma_start3A_540 : memref<1x64xi32, #tpu.memory_space<vmem>> -> memref<64xi32, #tpu.memory_space<vmem>>
    %dma_start3A_542 = arith.constant 0 : i32
    %dma_start3A_543 = arith.constant 0 : i32
    %dma_start3A_544 = tpu.memref_slice %arg3[%dma_start3A_542, %dma_start3A_543] : memref<1000000x128xf32, #tpu.memory_space<hbm>> -> memref<1000000x128xf32, #tpu.memory_space<hbm>>
    tpu.enqueue_indirect_dma source(%dma_start3A_544 : memref<1000000x128xf32, #tpu.memory_space<hbm>>) target(%dma_start3A_538 : memref<64x128xf32, #tpu.memory_space<vmem>>) offsets(%dma_start3A_541 : memref<64xi32, #tpu.memory_space<vmem>>) semaphore(%arg14 : memref<!tpu.dma_semaphore, #tpu.memory_space<semaphore_mem>>)
    %dma_wait3A_545 = arith.constant 393 : i32
    %dma_wait3A_546 = arith.constant 1 : i32
    %dma_wait3A_547 = arith.constant 0 : i32
    %dma_wait3A_548 = arith.constant 0 : i32
    %dma_wait3A_549 = tpu.memref_slice %arg6[%dma_wait3A_546, %dma_wait3A_547, %dma_wait3A_548] : memref<8x64x128xf32, #tpu.memory_space<vmem>> -> memref<1x64x128xf32, #tpu.memory_space<vmem>>
    %dma_wait3A_550 = tpu.memref_squeeze %dma_wait3A_549 : memref<1x64x128xf32, #tpu.memory_space<vmem>> -> memref<64x128xf32, #tpu.memory_space<vmem>>
    %dma_wait3A_551 = arith.constant 0 : i32
    %dma_wait3A_552 = tpu.memref_slice %arg5[%dma_wait3A_545, %dma_wait3A_551] : memref<400x64xi32, #tpu.memory_space<vmem>> -> memref<1x64xi32, #tpu.memory_space<vmem>>
    %dma_wait3A_553 = tpu.memref_squeeze %dma_wait3A_552 : memref<1x64xi32, #tpu.memory_space<vmem>> -> memref<64xi32, #tpu.memory_space<vmem>>
    %dma_wait3A_554 = arith.constant 0 : i32
    %dma_wait3A_555 = arith.constant 0 : i32
    %dma_wait3A_556 = tpu.memref_slice %arg3[%dma_wait3A_554, %dma_wait3A_555] : memref<1000000x128xf32, #tpu.memory_space<hbm>> -> memref<1000000x128xf32, #tpu.memory_space<hbm>>
    tpu.wait_indirect_dma semaphore(%arg8 : memref<!tpu.dma_semaphore, #tpu.memory_space<semaphore_mem>>) src(%dma_wait3A_556 : memref<1000000x128xf32, #tpu.memory_space<hbm>>) dst(%dma_wait3A_550 : memref<64x128xf32, #tpu.memory_space<vmem>>)
    %add3A_557 = arith.constant 25152 : i32
    %add3A_558 = arith.addi %mul3A_2, %add3A_557 : i32
    %dma_start3A_559 = arith.constant 1 : i32
    %dma_start3A_560 = arith.constant 0 : i32
    %dma_start3A_561 = arith.constant 0 : i32
    %dma_start3A_562 = tpu.memref_slice %arg6[%dma_start3A_559, %dma_start3A_560, %dma_start3A_561] : memref<8x64x128xf32, #tpu.memory_space<vmem>> -> memref<1x64x64xf32, #tpu.memory_space<vmem>>
    %dma_start3A_563 = tpu.memref_squeeze %dma_start3A_562 : memref<1x64x64xf32, #tpu.memory_space<vmem>> -> memref<64x64xf32, #tpu.memory_space<vmem>>
    %dma_start3A_564 = arith.constant 0 : i32
    %dma_start3A_565 = tpu.memref_slice %arg4[%add3A_558, %dma_start3A_564] : memref<819200x128xf32, #tpu.memory_space<hbm>> -> memref<64x64xf32, #tpu.memory_space<hbm>>
    %dma_start3A_566 = arith.constant 0 : i32
    %dma_start3A_567 = tpu.memref_slice %arg4[%add3A_558, %dma_start3A_566] : memref<819200x128xf32, #tpu.memory_space<hbm>> -> memref<64x64xf32, #tpu.memory_space<hbm>>
    %dma_start3A_568 = arith.constant 0 : i32
    %dma_start3A_569 = arith.constant 0 : i32
    %dma_start3A_570 = tpu.memref_slice %arg6[%dma_start3A_559, %dma_start3A_568, %dma_start3A_569] : memref<8x64x128xf32, #tpu.memory_space<vmem>> -> memref<1x64x64xf32, #tpu.memory_space<vmem>>
    %dma_start3A_571 = tpu.memref_squeeze %dma_start3A_570 : memref<1x64x64xf32, #tpu.memory_space<vmem>> -> memref<64x64xf32, #tpu.memory_space<vmem>>
    tpu.enqueue_dma source(%dma_start3A_571 : memref<64x64xf32, #tpu.memory_space<vmem>>) target(%dma_start3A_567 : memref<64x64xf32, #tpu.memory_space<hbm>>) target_semaphore(%arg16 : memref<!tpu.dma_semaphore, #tpu.memory_space<semaphore_mem>>)
    %dma_wait3A_572 = arith.constant 394 : i32
    %dma_wait3A_573 = arith.constant 2 : i32
    %dma_wait3A_574 = arith.constant 0 : i32
    %dma_wait3A_575 = arith.constant 0 : i32
    %dma_wait3A_576 = tpu.memref_slice %arg6[%dma_wait3A_573, %dma_wait3A_574, %dma_wait3A_575] : memref<8x64x128xf32, #tpu.memory_space<vmem>> -> memref<1x64x128xf32, #tpu.memory_space<vmem>>
    %dma_wait3A_577 = tpu.memref_squeeze %dma_wait3A_576 : memref<1x64x128xf32, #tpu.memory_space<vmem>> -> memref<64x128xf32, #tpu.memory_space<vmem>>
    %dma_wait3A_578 = arith.constant 0 : i32
    %dma_wait3A_579 = tpu.memref_slice %arg5[%dma_wait3A_572, %dma_wait3A_578] : memref<400x64xi32, #tpu.memory_space<vmem>> -> memref<1x64xi32, #tpu.memory_space<vmem>>
    %dma_wait3A_580 = tpu.memref_squeeze %dma_wait3A_579 : memref<1x64xi32, #tpu.memory_space<vmem>> -> memref<64xi32, #tpu.memory_space<vmem>>
    %dma_wait3A_581 = arith.constant 0 : i32
    %dma_wait3A_582 = arith.constant 0 : i32
    %dma_wait3A_583 = tpu.memref_slice %arg3[%dma_wait3A_581, %dma_wait3A_582] : memref<1000000x128xf32, #tpu.memory_space<hbm>> -> memref<1000000x128xf32, #tpu.memory_space<hbm>>
    tpu.wait_indirect_dma semaphore(%arg9 : memref<!tpu.dma_semaphore, #tpu.memory_space<semaphore_mem>>) src(%dma_wait3A_583 : memref<1000000x128xf32, #tpu.memory_space<hbm>>) dst(%dma_wait3A_577 : memref<64x128xf32, #tpu.memory_space<vmem>>)
    %add3A_584 = arith.constant 25216 : i32
    %add3A_585 = arith.addi %mul3A_2, %add3A_584 : i32
    %dma_start3A_586 = arith.constant 2 : i32
    %dma_start3A_587 = arith.constant 0 : i32
    %dma_start3A_588 = arith.constant 0 : i32
    %dma_start3A_589 = tpu.memref_slice %arg6[%dma_start3A_586, %dma_start3A_587, %dma_start3A_588] : memref<8x64x128xf32, #tpu.memory_space<vmem>> -> memref<1x64x64xf32, #tpu.memory_space<vmem>>
    %dma_start3A_590 = tpu.memref_squeeze %dma_start3A_589 : memref<1x64x64xf32, #tpu.memory_space<vmem>> -> memref<64x64xf32, #tpu.memory_space<vmem>>
    %dma_start3A_591 = arith.constant 0 : i32
    %dma_start3A_592 = tpu.memref_slice %arg4[%add3A_585, %dma_start3A_591] : memref<819200x128xf32, #tpu.memory_space<hbm>> -> memref<64x64xf32, #tpu.memory_space<hbm>>
    %dma_start3A_593 = arith.constant 0 : i32
    %dma_start3A_594 = tpu.memref_slice %arg4[%add3A_585, %dma_start3A_593] : memref<819200x128xf32, #tpu.memory_space<hbm>> -> memref<64x64xf32, #tpu.memory_space<hbm>>
    %dma_start3A_595 = arith.constant 0 : i32
    %dma_start3A_596 = arith.constant 0 : i32
    %dma_start3A_597 = tpu.memref_slice %arg6[%dma_start3A_586, %dma_start3A_595, %dma_start3A_596] : memref<8x64x128xf32, #tpu.memory_space<vmem>> -> memref<1x64x64xf32, #tpu.memory_space<vmem>>
    %dma_start3A_598 = tpu.memref_squeeze %dma_start3A_597 : memref<1x64x64xf32, #tpu.memory_space<vmem>> -> memref<64x64xf32, #tpu.memory_space<vmem>>
    tpu.enqueue_dma source(%dma_start3A_598 : memref<64x64xf32, #tpu.memory_space<vmem>>) target(%dma_start3A_594 : memref<64x64xf32, #tpu.memory_space<hbm>>) target_semaphore(%arg17 : memref<!tpu.dma_semaphore, #tpu.memory_space<semaphore_mem>>)
    %dma_wait3A_599 = arith.constant 395 : i32
    %dma_wait3A_600 = arith.constant 3 : i32
    %dma_wait3A_601 = arith.constant 0 : i32
    %dma_wait3A_602 = arith.constant 0 : i32
    %dma_wait3A_603 = tpu.memref_slice %arg6[%dma_wait3A_600, %dma_wait3A_601, %dma_wait3A_602] : memref<8x64x128xf32, #tpu.memory_space<vmem>> -> memref<1x64x128xf32, #tpu.memory_space<vmem>>
    %dma_wait3A_604 = tpu.memref_squeeze %dma_wait3A_603 : memref<1x64x128xf32, #tpu.memory_space<vmem>> -> memref<64x128xf32, #tpu.memory_space<vmem>>
    %dma_wait3A_605 = arith.constant 0 : i32
    %dma_wait3A_606 = tpu.memref_slice %arg5[%dma_wait3A_599, %dma_wait3A_605] : memref<400x64xi32, #tpu.memory_space<vmem>> -> memref<1x64xi32, #tpu.memory_space<vmem>>
    %dma_wait3A_607 = tpu.memref_squeeze %dma_wait3A_606 : memref<1x64xi32, #tpu.memory_space<vmem>> -> memref<64xi32, #tpu.memory_space<vmem>>
    %dma_wait3A_608 = arith.constant 0 : i32
    %dma_wait3A_609 = arith.constant 0 : i32
    %dma_wait3A_610 = tpu.memref_slice %arg3[%dma_wait3A_608, %dma_wait3A_609] : memref<1000000x128xf32, #tpu.memory_space<hbm>> -> memref<1000000x128xf32, #tpu.memory_space<hbm>>
    tpu.wait_indirect_dma semaphore(%arg10 : memref<!tpu.dma_semaphore, #tpu.memory_space<semaphore_mem>>) src(%dma_wait3A_610 : memref<1000000x128xf32, #tpu.memory_space<hbm>>) dst(%dma_wait3A_604 : memref<64x128xf32, #tpu.memory_space<vmem>>)
    %add3A_611 = arith.constant 25280 : i32
    %add3A_612 = arith.addi %mul3A_2, %add3A_611 : i32
    %dma_start3A_613 = arith.constant 3 : i32
    %dma_start3A_614 = arith.constant 0 : i32
    %dma_start3A_615 = arith.constant 0 : i32
    %dma_start3A_616 = tpu.memref_slice %arg6[%dma_start3A_613, %dma_start3A_614, %dma_start3A_615] : memref<8x64x128xf32, #tpu.memory_space<vmem>> -> memref<1x64x64xf32, #tpu.memory_space<vmem>>
    %dma_start3A_617 = tpu.memref_squeeze %dma_start3A_616 : memref<1x64x64xf32, #tpu.memory_space<vmem>> -> memref<64x64xf32, #tpu.memory_space<vmem>>
    %dma_start3A_618 = arith.constant 0 : i32
    %dma_start3A_619 = tpu.memref_slice %arg4[%add3A_612, %dma_start3A_618] : memref<819200x128xf32, #tpu.memory_space<hbm>> -> memref<64x64xf32, #tpu.memory_space<hbm>>
    %dma_start3A_620 = arith.constant 0 : i32
    %dma_start3A_621 = tpu.memref_slice %arg4[%add3A_612, %dma_start3A_620] : memref<819200x128xf32, #tpu.memory_space<hbm>> -> memref<64x64xf32, #tpu.memory_space<hbm>>
    %dma_start3A_622 = arith.constant 0 : i32
    %dma_start3A_623 = arith.constant 0 : i32
    %dma_start3A_624 = tpu.memref_slice %arg6[%dma_start3A_613, %dma_start3A_622, %dma_start3A_623] : memref<8x64x128xf32, #tpu.memory_space<vmem>> -> memref<1x64x64xf32, #tpu.memory_space<vmem>>
    %dma_start3A_625 = tpu.memref_squeeze %dma_start3A_624 : memref<1x64x64xf32, #tpu.memory_space<vmem>> -> memref<64x64xf32, #tpu.memory_space<vmem>>
    tpu.enqueue_dma source(%dma_start3A_625 : memref<64x64xf32, #tpu.memory_space<vmem>>) target(%dma_start3A_621 : memref<64x64xf32, #tpu.memory_space<hbm>>) target_semaphore(%arg18 : memref<!tpu.dma_semaphore, #tpu.memory_space<semaphore_mem>>)
    %dma_wait3A_626 = arith.constant 396 : i32
    %dma_wait3A_627 = arith.constant 4 : i32
    %dma_wait3A_628 = arith.constant 0 : i32
    %dma_wait3A_629 = arith.constant 0 : i32
    %dma_wait3A_630 = tpu.memref_slice %arg6[%dma_wait3A_627, %dma_wait3A_628, %dma_wait3A_629] : memref<8x64x128xf32, #tpu.memory_space<vmem>> -> memref<1x64x128xf32, #tpu.memory_space<vmem>>
    %dma_wait3A_631 = tpu.memref_squeeze %dma_wait3A_630 : memref<1x64x128xf32, #tpu.memory_space<vmem>> -> memref<64x128xf32, #tpu.memory_space<vmem>>
    %dma_wait3A_632 = arith.constant 0 : i32
    %dma_wait3A_633 = tpu.memref_slice %arg5[%dma_wait3A_626, %dma_wait3A_632] : memref<400x64xi32, #tpu.memory_space<vmem>> -> memref<1x64xi32, #tpu.memory_space<vmem>>
    %dma_wait3A_634 = tpu.memref_squeeze %dma_wait3A_633 : memref<1x64xi32, #tpu.memory_space<vmem>> -> memref<64xi32, #tpu.memory_space<vmem>>
    %dma_wait3A_635 = arith.constant 0 : i32
    %dma_wait3A_636 = arith.constant 0 : i32
    %dma_wait3A_637 = tpu.memref_slice %arg3[%dma_wait3A_635, %dma_wait3A_636] : memref<1000000x128xf32, #tpu.memory_space<hbm>> -> memref<1000000x128xf32, #tpu.memory_space<hbm>>
    tpu.wait_indirect_dma semaphore(%arg11 : memref<!tpu.dma_semaphore, #tpu.memory_space<semaphore_mem>>) src(%dma_wait3A_637 : memref<1000000x128xf32, #tpu.memory_space<hbm>>) dst(%dma_wait3A_631 : memref<64x128xf32, #tpu.memory_space<vmem>>)
    %add3A_638 = arith.constant 25344 : i32
    %add3A_639 = arith.addi %mul3A_2, %add3A_638 : i32
    %dma_start3A_640 = arith.constant 4 : i32
    %dma_start3A_641 = arith.constant 0 : i32
    %dma_start3A_642 = arith.constant 0 : i32
    %dma_start3A_643 = tpu.memref_slice %arg6[%dma_start3A_640, %dma_start3A_641, %dma_start3A_642] : memref<8x64x128xf32, #tpu.memory_space<vmem>> -> memref<1x64x64xf32, #tpu.memory_space<vmem>>
    %dma_start3A_644 = tpu.memref_squeeze %dma_start3A_643 : memref<1x64x64xf32, #tpu.memory_space<vmem>> -> memref<64x64xf32, #tpu.memory_space<vmem>>
    %dma_start3A_645 = arith.constant 0 : i32
    %dma_start3A_646 = tpu.memref_slice %arg4[%add3A_639, %dma_start3A_645] : memref<819200x128xf32, #tpu.memory_space<hbm>> -> memref<64x64xf32, #tpu.memory_space<hbm>>
    %dma_start3A_647 = arith.constant 0 : i32
    %dma_start3A_648 = tpu.memref_slice %arg4[%add3A_639, %dma_start3A_647] : memref<819200x128xf32, #tpu.memory_space<hbm>> -> memref<64x64xf32, #tpu.memory_space<hbm>>
    %dma_start3A_649 = arith.constant 0 : i32
    %dma_start3A_650 = arith.constant 0 : i32
    %dma_start3A_651 = tpu.memref_slice %arg6[%dma_start3A_640, %dma_start3A_649, %dma_start3A_650] : memref<8x64x128xf32, #tpu.memory_space<vmem>> -> memref<1x64x64xf32, #tpu.memory_space<vmem>>
    %dma_start3A_652 = tpu.memref_squeeze %dma_start3A_651 : memref<1x64x64xf32, #tpu.memory_space<vmem>> -> memref<64x64xf32, #tpu.memory_space<vmem>>
    tpu.enqueue_dma source(%dma_start3A_652 : memref<64x64xf32, #tpu.memory_space<vmem>>) target(%dma_start3A_648 : memref<64x64xf32, #tpu.memory_space<hbm>>) target_semaphore(%arg19 : memref<!tpu.dma_semaphore, #tpu.memory_space<semaphore_mem>>)
    %dma_wait3A_653 = arith.constant 397 : i32
    %dma_wait3A_654 = arith.constant 5 : i32
    %dma_wait3A_655 = arith.constant 0 : i32
    %dma_wait3A_656 = arith.constant 0 : i32
    %dma_wait3A_657 = tpu.memref_slice %arg6[%dma_wait3A_654, %dma_wait3A_655, %dma_wait3A_656] : memref<8x64x128xf32, #tpu.memory_space<vmem>> -> memref<1x64x128xf32, #tpu.memory_space<vmem>>
    %dma_wait3A_658 = tpu.memref_squeeze %dma_wait3A_657 : memref<1x64x128xf32, #tpu.memory_space<vmem>> -> memref<64x128xf32, #tpu.memory_space<vmem>>
    %dma_wait3A_659 = arith.constant 0 : i32
    %dma_wait3A_660 = tpu.memref_slice %arg5[%dma_wait3A_653, %dma_wait3A_659] : memref<400x64xi32, #tpu.memory_space<vmem>> -> memref<1x64xi32, #tpu.memory_space<vmem>>
    %dma_wait3A_661 = tpu.memref_squeeze %dma_wait3A_660 : memref<1x64xi32, #tpu.memory_space<vmem>> -> memref<64xi32, #tpu.memory_space<vmem>>
    %dma_wait3A_662 = arith.constant 0 : i32
    %dma_wait3A_663 = arith.constant 0 : i32
    %dma_wait3A_664 = tpu.memref_slice %arg3[%dma_wait3A_662, %dma_wait3A_663] : memref<1000000x128xf32, #tpu.memory_space<hbm>> -> memref<1000000x128xf32, #tpu.memory_space<hbm>>
    tpu.wait_indirect_dma semaphore(%arg12 : memref<!tpu.dma_semaphore, #tpu.memory_space<semaphore_mem>>) src(%dma_wait3A_664 : memref<1000000x128xf32, #tpu.memory_space<hbm>>) dst(%dma_wait3A_658 : memref<64x128xf32, #tpu.memory_space<vmem>>)
    %add3A_665 = arith.constant 25408 : i32
    %add3A_666 = arith.addi %mul3A_2, %add3A_665 : i32
    %dma_start3A_667 = arith.constant 5 : i32
    %dma_start3A_668 = arith.constant 0 : i32
    %dma_start3A_669 = arith.constant 0 : i32
    %dma_start3A_670 = tpu.memref_slice %arg6[%dma_start3A_667, %dma_start3A_668, %dma_start3A_669] : memref<8x64x128xf32, #tpu.memory_space<vmem>> -> memref<1x64x64xf32, #tpu.memory_space<vmem>>
    %dma_start3A_671 = tpu.memref_squeeze %dma_start3A_670 : memref<1x64x64xf32, #tpu.memory_space<vmem>> -> memref<64x64xf32, #tpu.memory_space<vmem>>
    %dma_start3A_672 = arith.constant 0 : i32
    %dma_start3A_673 = tpu.memref_slice %arg4[%add3A_666, %dma_start3A_672] : memref<819200x128xf32, #tpu.memory_space<hbm>> -> memref<64x64xf32, #tpu.memory_space<hbm>>
    %dma_start3A_674 = arith.constant 0 : i32
    %dma_start3A_675 = tpu.memref_slice %arg4[%add3A_666, %dma_start3A_674] : memref<819200x128xf32, #tpu.memory_space<hbm>> -> memref<64x64xf32, #tpu.memory_space<hbm>>
    %dma_start3A_676 = arith.constant 0 : i32
    %dma_start3A_677 = arith.constant 0 : i32
    %dma_start3A_678 = tpu.memref_slice %arg6[%dma_start3A_667, %dma_start3A_676, %dma_start3A_677] : memref<8x64x128xf32, #tpu.memory_space<vmem>> -> memref<1x64x64xf32, #tpu.memory_space<vmem>>
    %dma_start3A_679 = tpu.memref_squeeze %dma_start3A_678 : memref<1x64x64xf32, #tpu.memory_space<vmem>> -> memref<64x64xf32, #tpu.memory_space<vmem>>
    tpu.enqueue_dma source(%dma_start3A_679 : memref<64x64xf32, #tpu.memory_space<vmem>>) target(%dma_start3A_675 : memref<64x64xf32, #tpu.memory_space<hbm>>) target_semaphore(%arg20 : memref<!tpu.dma_semaphore, #tpu.memory_space<semaphore_mem>>)
    %dma_wait3A_680 = arith.constant 398 : i32
    %dma_wait3A_681 = arith.constant 6 : i32
    %dma_wait3A_682 = arith.constant 0 : i32
    %dma_wait3A_683 = arith.constant 0 : i32
    %dma_wait3A_684 = tpu.memref_slice %arg6[%dma_wait3A_681, %dma_wait3A_682, %dma_wait3A_683] : memref<8x64x128xf32, #tpu.memory_space<vmem>> -> memref<1x64x128xf32, #tpu.memory_space<vmem>>
    %dma_wait3A_685 = tpu.memref_squeeze %dma_wait3A_684 : memref<1x64x128xf32, #tpu.memory_space<vmem>> -> memref<64x128xf32, #tpu.memory_space<vmem>>
    %dma_wait3A_686 = arith.constant 0 : i32
    %dma_wait3A_687 = tpu.memref_slice %arg5[%dma_wait3A_680, %dma_wait3A_686] : memref<400x64xi32, #tpu.memory_space<vmem>> -> memref<1x64xi32, #tpu.memory_space<vmem>>
    %dma_wait3A_688 = tpu.memref_squeeze %dma_wait3A_687 : memref<1x64xi32, #tpu.memory_space<vmem>> -> memref<64xi32, #tpu.memory_space<vmem>>
    %dma_wait3A_689 = arith.constant 0 : i32
    %dma_wait3A_690 = arith.constant 0 : i32
    %dma_wait3A_691 = tpu.memref_slice %arg3[%dma_wait3A_689, %dma_wait3A_690] : memref<1000000x128xf32, #tpu.memory_space<hbm>> -> memref<1000000x128xf32, #tpu.memory_space<hbm>>
    tpu.wait_indirect_dma semaphore(%arg13 : memref<!tpu.dma_semaphore, #tpu.memory_space<semaphore_mem>>) src(%dma_wait3A_691 : memref<1000000x128xf32, #tpu.memory_space<hbm>>) dst(%dma_wait3A_685 : memref<64x128xf32, #tpu.memory_space<vmem>>)
    %add3A_692 = arith.constant 25472 : i32
    %add3A_693 = arith.addi %mul3A_2, %add3A_692 : i32
    %dma_start3A_694 = arith.constant 6 : i32
    %dma_start3A_695 = arith.constant 0 : i32
    %dma_start3A_696 = arith.constant 0 : i32
    %dma_start3A_697 = tpu.memref_slice %arg6[%dma_start3A_694, %dma_start3A_695, %dma_start3A_696] : memref<8x64x128xf32, #tpu.memory_space<vmem>> -> memref<1x64x64xf32, #tpu.memory_space<vmem>>
    %dma_start3A_698 = tpu.memref_squeeze %dma_start3A_697 : memref<1x64x64xf32, #tpu.memory_space<vmem>> -> memref<64x64xf32, #tpu.memory_space<vmem>>
    %dma_start3A_699 = arith.constant 0 : i32
    %dma_start3A_700 = tpu.memref_slice %arg4[%add3A_693, %dma_start3A_699] : memref<819200x128xf32, #tpu.memory_space<hbm>> -> memref<64x64xf32, #tpu.memory_space<hbm>>
    %dma_start3A_701 = arith.constant 0 : i32
    %dma_start3A_702 = tpu.memref_slice %arg4[%add3A_693, %dma_start3A_701] : memref<819200x128xf32, #tpu.memory_space<hbm>> -> memref<64x64xf32, #tpu.memory_space<hbm>>
    %dma_start3A_703 = arith.constant 0 : i32
    %dma_start3A_704 = arith.constant 0 : i32
    %dma_start3A_705 = tpu.memref_slice %arg6[%dma_start3A_694, %dma_start3A_703, %dma_start3A_704] : memref<8x64x128xf32, #tpu.memory_space<vmem>> -> memref<1x64x64xf32, #tpu.memory_space<vmem>>
    %dma_start3A_706 = tpu.memref_squeeze %dma_start3A_705 : memref<1x64x64xf32, #tpu.memory_space<vmem>> -> memref<64x64xf32, #tpu.memory_space<vmem>>
    tpu.enqueue_dma source(%dma_start3A_706 : memref<64x64xf32, #tpu.memory_space<vmem>>) target(%dma_start3A_702 : memref<64x64xf32, #tpu.memory_space<hbm>>) target_semaphore(%arg21 : memref<!tpu.dma_semaphore, #tpu.memory_space<semaphore_mem>>)
    %dma_wait3A_707 = arith.constant 399 : i32
    %dma_wait3A_708 = arith.constant 7 : i32
    %dma_wait3A_709 = arith.constant 0 : i32
    %dma_wait3A_710 = arith.constant 0 : i32
    %dma_wait3A_711 = tpu.memref_slice %arg6[%dma_wait3A_708, %dma_wait3A_709, %dma_wait3A_710] : memref<8x64x128xf32, #tpu.memory_space<vmem>> -> memref<1x64x128xf32, #tpu.memory_space<vmem>>
    %dma_wait3A_712 = tpu.memref_squeeze %dma_wait3A_711 : memref<1x64x128xf32, #tpu.memory_space<vmem>> -> memref<64x128xf32, #tpu.memory_space<vmem>>
    %dma_wait3A_713 = arith.constant 0 : i32
    %dma_wait3A_714 = tpu.memref_slice %arg5[%dma_wait3A_707, %dma_wait3A_713] : memref<400x64xi32, #tpu.memory_space<vmem>> -> memref<1x64xi32, #tpu.memory_space<vmem>>
    %dma_wait3A_715 = tpu.memref_squeeze %dma_wait3A_714 : memref<1x64xi32, #tpu.memory_space<vmem>> -> memref<64xi32, #tpu.memory_space<vmem>>
    %dma_wait3A_716 = arith.constant 0 : i32
    %dma_wait3A_717 = arith.constant 0 : i32
    %dma_wait3A_718 = tpu.memref_slice %arg3[%dma_wait3A_716, %dma_wait3A_717] : memref<1000000x128xf32, #tpu.memory_space<hbm>> -> memref<1000000x128xf32, #tpu.memory_space<hbm>>
    tpu.wait_indirect_dma semaphore(%arg14 : memref<!tpu.dma_semaphore, #tpu.memory_space<semaphore_mem>>) src(%dma_wait3A_718 : memref<1000000x128xf32, #tpu.memory_space<hbm>>) dst(%dma_wait3A_712 : memref<64x128xf32, #tpu.memory_space<vmem>>)
    %add3A_719 = arith.constant 25536 : i32
    %add3A_720 = arith.addi %mul3A_2, %add3A_719 : i32
    %dma_start3A_721 = arith.constant 7 : i32
    %dma_start3A_722 = arith.constant 0 : i32
    %dma_start3A_723 = arith.constant 0 : i32
    %dma_start3A_724 = tpu.memref_slice %arg6[%dma_start3A_721, %dma_start3A_722, %dma_start3A_723] : memref<8x64x128xf32, #tpu.memory_space<vmem>> -> memref<1x64x64xf32, #tpu.memory_space<vmem>>
    %dma_start3A_725 = tpu.memref_squeeze %dma_start3A_724 : memref<1x64x64xf32, #tpu.memory_space<vmem>> -> memref<64x64xf32, #tpu.memory_space<vmem>>
    %dma_start3A_726 = arith.constant 0 : i32
    %dma_start3A_727 = tpu.memref_slice %arg4[%add3A_720, %dma_start3A_726] : memref<819200x128xf32, #tpu.memory_space<hbm>> -> memref<64x64xf32, #tpu.memory_space<hbm>>
    %dma_start3A_728 = arith.constant 0 : i32
    %dma_start3A_729 = tpu.memref_slice %arg4[%add3A_720, %dma_start3A_728] : memref<819200x128xf32, #tpu.memory_space<hbm>> -> memref<64x64xf32, #tpu.memory_space<hbm>>
    %dma_start3A_730 = arith.constant 0 : i32
    %dma_start3A_731 = arith.constant 0 : i32
    %dma_start3A_732 = tpu.memref_slice %arg6[%dma_start3A_721, %dma_start3A_730, %dma_start3A_731] : memref<8x64x128xf32, #tpu.memory_space<vmem>> -> memref<1x64x64xf32, #tpu.memory_space<vmem>>
    %dma_start3A_733 = tpu.memref_squeeze %dma_start3A_732 : memref<1x64x64xf32, #tpu.memory_space<vmem>> -> memref<64x64xf32, #tpu.memory_space<vmem>>
    tpu.enqueue_dma source(%dma_start3A_733 : memref<64x64xf32, #tpu.memory_space<vmem>>) target(%dma_start3A_729 : memref<64x64xf32, #tpu.memory_space<hbm>>) target_semaphore(%arg22 : memref<!tpu.dma_semaphore, #tpu.memory_space<semaphore_mem>>)
    %dma_wait3A_734 = arith.constant 0 : i32
    %dma_wait3A_735 = arith.constant 0 : i32
    %dma_wait3A_736 = arith.constant 0 : i32
    %dma_wait3A_737 = tpu.memref_slice %arg6[%dma_wait3A_734, %dma_wait3A_735, %dma_wait3A_736] : memref<8x64x128xf32, #tpu.memory_space<vmem>> -> memref<1x64x64xf32, #tpu.memory_space<vmem>>
    %dma_wait3A_738 = tpu.memref_squeeze %dma_wait3A_737 : memref<1x64x64xf32, #tpu.memory_space<vmem>> -> memref<64x64xf32, #tpu.memory_space<vmem>>
    %dma_wait3A_739 = arith.constant 0 : i32
    %dma_wait3A_740 = tpu.memref_slice %arg4[%mul3A_2, %dma_wait3A_739] : memref<819200x128xf32, #tpu.memory_space<hbm>> -> memref<64x64xf32, #tpu.memory_space<hbm>>
    %dma_wait3A_741 = arith.constant 0 : i32
    %dma_wait3A_742 = tpu.memref_slice %arg4[%mul3A_2, %dma_wait3A_741] : memref<819200x128xf32, #tpu.memory_space<hbm>> -> memref<64x64xf32, #tpu.memory_space<hbm>>
    %dma_wait3A_743 = arith.constant 0 : i32
    %dma_wait3A_744 = arith.constant 0 : i32
    %dma_wait3A_745 = tpu.memref_slice %arg6[%dma_wait3A_734, %dma_wait3A_743, %dma_wait3A_744] : memref<8x64x128xf32, #tpu.memory_space<vmem>> -> memref<1x64x64xf32, #tpu.memory_space<vmem>>
    %dma_wait3A_746 = tpu.memref_squeeze %dma_wait3A_745 : memref<1x64x64xf32, #tpu.memory_space<vmem>> -> memref<64x64xf32, #tpu.memory_space<vmem>>
    tpu.wait_dma2 semaphore(%arg15 : memref<!tpu.dma_semaphore, #tpu.memory_space<semaphore_mem>>) src(%dma_wait3A_746 : memref<64x64xf32, #tpu.memory_space<vmem>>) dst(%dma_wait3A_742 : memref<64x64xf32, #tpu.memory_space<hbm>>)
    %dma_wait3A_747 = arith.constant 1 : i32
    %dma_wait3A_748 = arith.constant 0 : i32
    %dma_wait3A_749 = arith.constant 0 : i32
    %dma_wait3A_750 = tpu.memref_slice %arg6[%dma_wait3A_747, %dma_wait3A_748, %dma_wait3A_749] : memref<8x64x128xf32, #tpu.memory_space<vmem>> -> memref<1x64x64xf32, #tpu.memory_space<vmem>>
    %dma_wait3A_751 = tpu.memref_squeeze %dma_wait3A_750 : memref<1x64x64xf32, #tpu.memory_space<vmem>> -> memref<64x64xf32, #tpu.memory_space<vmem>>
    %dma_wait3A_752 = arith.constant 0 : i32
    %dma_wait3A_753 = tpu.memref_slice %arg4[%mul3A_2, %dma_wait3A_752] : memref<819200x128xf32, #tpu.memory_space<hbm>> -> memref<64x64xf32, #tpu.memory_space<hbm>>
    %dma_wait3A_754 = arith.constant 0 : i32
    %dma_wait3A_755 = tpu.memref_slice %arg4[%mul3A_2, %dma_wait3A_754] : memref<819200x128xf32, #tpu.memory_space<hbm>> -> memref<64x64xf32, #tpu.memory_space<hbm>>
    %dma_wait3A_756 = arith.constant 0 : i32
    %dma_wait3A_757 = arith.constant 0 : i32
    %dma_wait3A_758 = tpu.memref_slice %arg6[%dma_wait3A_747, %dma_wait3A_756, %dma_wait3A_757] : memref<8x64x128xf32, #tpu.memory_space<vmem>> -> memref<1x64x64xf32, #tpu.memory_space<vmem>>
    %dma_wait3A_759 = tpu.memref_squeeze %dma_wait3A_758 : memref<1x64x64xf32, #tpu.memory_space<vmem>> -> memref<64x64xf32, #tpu.memory_space<vmem>>
    tpu.wait_dma2 semaphore(%arg16 : memref<!tpu.dma_semaphore, #tpu.memory_space<semaphore_mem>>) src(%dma_wait3A_759 : memref<64x64xf32, #tpu.memory_space<vmem>>) dst(%dma_wait3A_755 : memref<64x64xf32, #tpu.memory_space<hbm>>)
    %dma_wait3A_760 = arith.constant 2 : i32
    %dma_wait3A_761 = arith.constant 0 : i32
    %dma_wait3A_762 = arith.constant 0 : i32
    %dma_wait3A_763 = tpu.memref_slice %arg6[%dma_wait3A_760, %dma_wait3A_761, %dma_wait3A_762] : memref<8x64x128xf32, #tpu.memory_space<vmem>> -> memref<1x64x64xf32, #tpu.memory_space<vmem>>
    %dma_wait3A_764 = tpu.memref_squeeze %dma_wait3A_763 : memref<1x64x64xf32, #tpu.memory_space<vmem>> -> memref<64x64xf32, #tpu.memory_space<vmem>>
    %dma_wait3A_765 = arith.constant 0 : i32
    %dma_wait3A_766 = tpu.memref_slice %arg4[%mul3A_2, %dma_wait3A_765] : memref<819200x128xf32, #tpu.memory_space<hbm>> -> memref<64x64xf32, #tpu.memory_space<hbm>>
    %dma_wait3A_767 = arith.constant 0 : i32
    %dma_wait3A_768 = tpu.memref_slice %arg4[%mul3A_2, %dma_wait3A_767] : memref<819200x128xf32, #tpu.memory_space<hbm>> -> memref<64x64xf32, #tpu.memory_space<hbm>>
    %dma_wait3A_769 = arith.constant 0 : i32
    %dma_wait3A_770 = arith.constant 0 : i32
    %dma_wait3A_771 = tpu.memref_slice %arg6[%dma_wait3A_760, %dma_wait3A_769, %dma_wait3A_770] : memref<8x64x128xf32, #tpu.memory_space<vmem>> -> memref<1x64x64xf32, #tpu.memory_space<vmem>>
    %dma_wait3A_772 = tpu.memref_squeeze %dma_wait3A_771 : memref<1x64x64xf32, #tpu.memory_space<vmem>> -> memref<64x64xf32, #tpu.memory_space<vmem>>
    tpu.wait_dma2 semaphore(%arg17 : memref<!tpu.dma_semaphore, #tpu.memory_space<semaphore_mem>>) src(%dma_wait3A_772 : memref<64x64xf32, #tpu.memory_space<vmem>>) dst(%dma_wait3A_768 : memref<64x64xf32, #tpu.memory_space<hbm>>)
    %dma_wait3A_773 = arith.constant 3 : i32
    %dma_wait3A_774 = arith.constant 0 : i32
    %dma_wait3A_775 = arith.constant 0 : i32
    %dma_wait3A_776 = tpu.memref_slice %arg6[%dma_wait3A_773, %dma_wait3A_774, %dma_wait3A_775] : memref<8x64x128xf32, #tpu.memory_space<vmem>> -> memref<1x64x64xf32, #tpu.memory_space<vmem>>
    %dma_wait3A_777 = tpu.memref_squeeze %dma_wait3A_776 : memref<1x64x64xf32, #tpu.memory_space<vmem>> -> memref<64x64xf32, #tpu.memory_space<vmem>>
    %dma_wait3A_778 = arith.constant 0 : i32
    %dma_wait3A_779 = tpu.memref_slice %arg4[%mul3A_2, %dma_wait3A_778] : memref<819200x128xf32, #tpu.memory_space<hbm>> -> memref<64x64xf32, #tpu.memory_space<hbm>>
    %dma_wait3A_780 = arith.constant 0 : i32
    %dma_wait3A_781 = tpu.memref_slice %arg4[%mul3A_2, %dma_wait3A_780] : memref<819200x128xf32, #tpu.memory_space<hbm>> -> memref<64x64xf32, #tpu.memory_space<hbm>>
    %dma_wait3A_782 = arith.constant 0 : i32
    %dma_wait3A_783 = arith.constant 0 : i32
    %dma_wait3A_784 = tpu.memref_slice %arg6[%dma_wait3A_773, %dma_wait3A_782, %dma_wait3A_783] : memref<8x64x128xf32, #tpu.memory_space<vmem>> -> memref<1x64x64xf32, #tpu.memory_space<vmem>>
    %dma_wait3A_785 = tpu.memref_squeeze %dma_wait3A_784 : memref<1x64x64xf32, #tpu.memory_space<vmem>> -> memref<64x64xf32, #tpu.memory_space<vmem>>
    tpu.wait_dma2 semaphore(%arg18 : memref<!tpu.dma_semaphore, #tpu.memory_space<semaphore_mem>>) src(%dma_wait3A_785 : memref<64x64xf32, #tpu.memory_space<vmem>>) dst(%dma_wait3A_781 : memref<64x64xf32, #tpu.memory_space<hbm>>)
    %dma_wait3A_786 = arith.constant 4 : i32
    %dma_wait3A_787 = arith.constant 0 : i32
    %dma_wait3A_788 = arith.constant 0 : i32
    %dma_wait3A_789 = tpu.memref_slice %arg6[%dma_wait3A_786, %dma_wait3A_787, %dma_wait3A_788] : memref<8x64x128xf32, #tpu.memory_space<vmem>> -> memref<1x64x64xf32, #tpu.memory_space<vmem>>
    %dma_wait3A_790 = tpu.memref_squeeze %dma_wait3A_789 : memref<1x64x64xf32, #tpu.memory_space<vmem>> -> memref<64x64xf32, #tpu.memory_space<vmem>>
    %dma_wait3A_791 = arith.constant 0 : i32
    %dma_wait3A_792 = tpu.memref_slice %arg4[%mul3A_2, %dma_wait3A_791] : memref<819200x128xf32, #tpu.memory_space<hbm>> -> memref<64x64xf32, #tpu.memory_space<hbm>>
    %dma_wait3A_793 = arith.constant 0 : i32
    %dma_wait3A_794 = tpu.memref_slice %arg4[%mul3A_2, %dma_wait3A_793] : memref<819200x128xf32, #tpu.memory_space<hbm>> -> memref<64x64xf32, #tpu.memory_space<hbm>>
    %dma_wait3A_795 = arith.constant 0 : i32
    %dma_wait3A_796 = arith.constant 0 : i32
    %dma_wait3A_797 = tpu.memref_slice %arg6[%dma_wait3A_786, %dma_wait3A_795, %dma_wait3A_796] : memref<8x64x128xf32, #tpu.memory_space<vmem>> -> memref<1x64x64xf32, #tpu.memory_space<vmem>>
    %dma_wait3A_798 = tpu.memref_squeeze %dma_wait3A_797 : memref<1x64x64xf32, #tpu.memory_space<vmem>> -> memref<64x64xf32, #tpu.memory_space<vmem>>
    tpu.wait_dma2 semaphore(%arg19 : memref<!tpu.dma_semaphore, #tpu.memory_space<semaphore_mem>>) src(%dma_wait3A_798 : memref<64x64xf32, #tpu.memory_space<vmem>>) dst(%dma_wait3A_794 : memref<64x64xf32, #tpu.memory_space<hbm>>)
    %dma_wait3A_799 = arith.constant 5 : i32
    %dma_wait3A_800 = arith.constant 0 : i32
    %dma_wait3A_801 = arith.constant 0 : i32
    %dma_wait3A_802 = tpu.memref_slice %arg6[%dma_wait3A_799, %dma_wait3A_800, %dma_wait3A_801] : memref<8x64x128xf32, #tpu.memory_space<vmem>> -> memref<1x64x64xf32, #tpu.memory_space<vmem>>
    %dma_wait3A_803 = tpu.memref_squeeze %dma_wait3A_802 : memref<1x64x64xf32, #tpu.memory_space<vmem>> -> memref<64x64xf32, #tpu.memory_space<vmem>>
    %dma_wait3A_804 = arith.constant 0 : i32
    %dma_wait3A_805 = tpu.memref_slice %arg4[%mul3A_2, %dma_wait3A_804] : memref<819200x128xf32, #tpu.memory_space<hbm>> -> memref<64x64xf32, #tpu.memory_space<hbm>>
    %dma_wait3A_806 = arith.constant 0 : i32
    %dma_wait3A_807 = tpu.memref_slice %arg4[%mul3A_2, %dma_wait3A_806] : memref<819200x128xf32, #tpu.memory_space<hbm>> -> memref<64x64xf32, #tpu.memory_space<hbm>>
    %dma_wait3A_808 = arith.constant 0 : i32
    %dma_wait3A_809 = arith.constant 0 : i32
    %dma_wait3A_810 = tpu.memref_slice %arg6[%dma_wait3A_799, %dma_wait3A_808, %dma_wait3A_809] : memref<8x64x128xf32, #tpu.memory_space<vmem>> -> memref<1x64x64xf32, #tpu.memory_space<vmem>>
    %dma_wait3A_811 = tpu.memref_squeeze %dma_wait3A_810 : memref<1x64x64xf32, #tpu.memory_space<vmem>> -> memref<64x64xf32, #tpu.memory_space<vmem>>
    tpu.wait_dma2 semaphore(%arg20 : memref<!tpu.dma_semaphore, #tpu.memory_space<semaphore_mem>>) src(%dma_wait3A_811 : memref<64x64xf32, #tpu.memory_space<vmem>>) dst(%dma_wait3A_807 : memref<64x64xf32, #tpu.memory_space<hbm>>)
    %dma_wait3A_812 = arith.constant 6 : i32
    %dma_wait3A_813 = arith.constant 0 : i32
    %dma_wait3A_814 = arith.constant 0 : i32
    %dma_wait3A_815 = tpu.memref_slice %arg6[%dma_wait3A_812, %dma_wait3A_813, %dma_wait3A_814] : memref<8x64x128xf32, #tpu.memory_space<vmem>> -> memref<1x64x64xf32, #tpu.memory_space<vmem>>
    %dma_wait3A_816 = tpu.memref_squeeze %dma_wait3A_815 : memref<1x64x64xf32, #tpu.memory_space<vmem>> -> memref<64x64xf32, #tpu.memory_space<vmem>>
    %dma_wait3A_817 = arith.constant 0 : i32
    %dma_wait3A_818 = tpu.memref_slice %arg4[%mul3A_2, %dma_wait3A_817] : memref<819200x128xf32, #tpu.memory_space<hbm>> -> memref<64x64xf32, #tpu.memory_space<hbm>>
    %dma_wait3A_819 = arith.constant 0 : i32
    %dma_wait3A_820 = tpu.memref_slice %arg4[%mul3A_2, %dma_wait3A_819] : memref<819200x128xf32, #tpu.memory_space<hbm>> -> memref<64x64xf32, #tpu.memory_space<hbm>>
    %dma_wait3A_821 = arith.constant 0 : i32
    %dma_wait3A_822 = arith.constant 0 : i32
    %dma_wait3A_823 = tpu.memref_slice %arg6[%dma_wait3A_812, %dma_wait3A_821, %dma_wait3A_822] : memref<8x64x128xf32, #tpu.memory_space<vmem>> -> memref<1x64x64xf32, #tpu.memory_space<vmem>>
    %dma_wait3A_824 = tpu.memref_squeeze %dma_wait3A_823 : memref<1x64x64xf32, #tpu.memory_space<vmem>> -> memref<64x64xf32, #tpu.memory_space<vmem>>
    tpu.wait_dma2 semaphore(%arg21 : memref<!tpu.dma_semaphore, #tpu.memory_space<semaphore_mem>>) src(%dma_wait3A_824 : memref<64x64xf32, #tpu.memory_space<vmem>>) dst(%dma_wait3A_820 : memref<64x64xf32, #tpu.memory_space<hbm>>)
    %dma_wait3A_825 = arith.constant 7 : i32
    %dma_wait3A_826 = arith.constant 0 : i32
    %dma_wait3A_827 = arith.constant 0 : i32
    %dma_wait3A_828 = tpu.memref_slice %arg6[%dma_wait3A_825, %dma_wait3A_826, %dma_wait3A_827] : memref<8x64x128xf32, #tpu.memory_space<vmem>> -> memref<1x64x64xf32, #tpu.memory_space<vmem>>
    %dma_wait3A_829 = tpu.memref_squeeze %dma_wait3A_828 : memref<1x64x64xf32, #tpu.memory_space<vmem>> -> memref<64x64xf32, #tpu.memory_space<vmem>>
    %dma_wait3A_830 = arith.constant 0 : i32
    %dma_wait3A_831 = tpu.memref_slice %arg4[%mul3A_2, %dma_wait3A_830] : memref<819200x128xf32, #tpu.memory_space<hbm>> -> memref<64x64xf32, #tpu.memory_space<hbm>>
    %dma_wait3A_832 = arith.constant 0 : i32
    %dma_wait3A_833 = tpu.memref_slice %arg4[%mul3A_2, %dma_wait3A_832] : memref<819200x128xf32, #tpu.memory_space<hbm>> -> memref<64x64xf32, #tpu.memory_space<hbm>>
    %dma_wait3A_834 = arith.constant 0 : i32
    %dma_wait3A_835 = arith.constant 0 : i32
    %dma_wait3A_836 = tpu.memref_slice %arg6[%dma_wait3A_825, %dma_wait3A_834, %dma_wait3A_835] : memref<8x64x128xf32, #tpu.memory_space<vmem>> -> memref<1x64x64xf32, #tpu.memory_space<vmem>>
    %dma_wait3A_837 = tpu.memref_squeeze %dma_wait3A_836 : memref<1x64x64xf32, #tpu.memory_space<vmem>> -> memref<64x64xf32, #tpu.memory_space<vmem>>
    tpu.wait_dma2 semaphore(%arg22 : memref<!tpu.dma_semaphore, #tpu.memory_space<semaphore_mem>>) src(%dma_wait3A_837 : memref<64x64xf32, #tpu.memory_space<vmem>>) dst(%dma_wait3A_833 : memref<64x64xf32, #tpu.memory_space<hbm>>)
    return
  }
}

</mosaic_0001>

<sc_bundles>
// kernel: kernel.3.cloned.1.call-start
scs
__scs_entry_jumppad:
0x0: {  	(pc) =	sbr.rel $0x88, $3  }
0x1: {  	(tag) =	ssettag $0x0;
	lr =	simm.s32 $0x1  }
0x2: {  	[smem:$0x3F9F] =	sst lr;
	_ =	strace $0xD0000000  }
0x3: {  	_ = 	snop  }
0x4: {  	_ = 	snop  }
0x5: {  	_ = 	snop  }
0x6: {  	_ = 	snop  }
0x7: {  	_ = 	snop  }
__scs_overlays_trampoline_lowered:
0x8: {  	[smem:$0x3FAE] =	sst s0  }
0x9: {  	[smem:$0x3FAF] =	sst s1  }
0xa: {  	[smem:$0x3FB0] =	sst s2  }
0xb: {  	[smem:$0x3FB1] =	sst s3  }
0xc: {  	[smem:$0x3FB2] =	sst s4  }
0xd: {  	[smem:$0x3FB3] =	sst s5  }
0xe: {  	[smem:$0x3FB4] =	sst s6  }
0xf: {  	[smem:$0x3FB5] =	sst s7  }
0x10: {  	[smem:$0x3FB6] =	sst s8  }
0x11: {  	[smem:$0x3FB7] =	sst s9;
	s0 =	simm.s32 @!p0 $0x0  }
0x12: {  	s1 =	sld [smem:$0x3F9D];
	s0 =	simm.s32 @p0 $0x1  }
0x13: {  	[smem:$0x3FB8] =	sst s0;
	s0 =	simm.s32 @!p1 $0x0  }
0x14: {  	s2 =	sld [smem:$0x3F9C];
	s0 =	simm.s32 @p1 $0x1  }
0x15: {  	[smem:$0x3FB9] =	sst s0;
	s0 =	simm.s32 @!p2 $0x0  }
0x16: {  	s3 =	sld [smem:$0x3FDB];
	s0 =	simm.s32 @p2 $0x1  }
0x17: {  	s4 =	simm.s32 $0x1BF5;
	[smem:$0x3FBB] =	sst s0  }
0x18: {  	s0 =	sld [smem:$0x3F9E];
	_ =	swait.ge [sflag:s4], $0x0  }
0x19: {  	s7 =	sld [smem:$0x3F9F]  }
0x1a: {  	s8 =	sadd.s32 $0xFFFFE003, lr  }
0x1b: {  	s9 =	sadd.s32 $0xFFFFFEF7, lr;
	s5 =	simm.s32 $0xFFFFFFFF;
	p2 =	slt.u32 s8, $0xFFFFF086  }
0x1c: {  	p1 =	slt.u32 s9, $0xF7A;
	s5 =	simm.s32 @!p2 $0x0  }
0x1d: {  	s5 =	simm.s32 @p1 $0x1;
	p0 =	seq.s32 s7, s2  }
0x1e: {  	s7 =	smul.u32 @!p0 $0xF7A, s2;
	p2 =	seq.s32 @!p0 s5, $0x0  }
0x1f: {  	s9 =	smul.u32 $0xF7A, s1;
	s8 =	simm.s32 @!p0 $0x1BF5;
	p2 =	por !p2, p0  }
0x20: {  	[sflag:s8] =	ssyncset.s32 @!p0 $0xFFFFF086;
	s6 =	sadd.s32 @!p0 s3, s7;
	s7 =	simm.s32 @!p0 $0x108  }
0x21: {  	s3 =	sadd.s32 s3, s9;
	s6 =	sadd.s32 @!p0 $0x88, s6;
	s7 =	simm.s32 @p2 $0x1082  }
0x22: {  	[simem:s7], [sflag:s8] =	dma.local @!p0 [hbm:s6], $0xF7A  }
0x23: {  	s9 =	sor.u32 $0xD0000000, s2;
	s6 =	simm.s32 $0x108;
	_ =	swait.ge @!p0 [sflag:s8], $0x0  }
0x24: {  	s3 =	sadd.s32 $0x88, s3;
	s6 =	simm.s32 @!p1 $0x1082;
	[sflag:s4] =	ssyncset.s32 $0xFFFFF086  }
0x25: {  	[simem:s6], [sflag:s4] =	dma.local [hbm:s3], $0xF7A  }
0x26: {  	[smem:$0x3F9F] =	sst s1;
	(tag) =	ssettag s2;
	_ =	strace s9  }
0x27: {  	s1 =	sld [smem:$0x3FAF]  }
0x28: {  	s2 =	sld [smem:$0x3FB0]  }
0x29: {  	s4 =	sld [smem:$0x3FB2]  }
0x2a: {  	p0 =	seq.s32 s5, $0x0;
	s5 =	sld [smem:$0x3FB3]  }
0x2b: {  	s6 =	sld [smem:$0x3FB4]  }
0x2c: {  	s7 =	sld [smem:$0x3FB5]  }
0x2d: {  	s3 =	simm.s32 $0x108;
	s8 =	sld [smem:$0x3FB6]  }
0x2e: {  	s3 =	simm.s32 @!p0 $0x1082;
	s9 =	sld [smem:$0x3FB7]  }
0x2f: {  	lr =	sadd.s32 s0, s3;
	s0 =	sld [smem:$0x3FAE]  }
0x30: {  	s3 =	sld [smem:$0x3FB1]  }
0x31: {  	[smem:$0x3FBA] =	sst s10  }
0x32: {  	s10 =	sld [smem:$0x3FB8];
	_ =	sdelay $0x3  }
0x33: {  	p0 =	seq.s32 s10, $0x1;
	s10 =	sld [smem:$0x3FBA];
	_ =	sdelay $0x3  }
0x34: {  	[smem:$0x3FBA] =	sst s10  }
0x35: {  	s10 =	sld [smem:$0x3FB9];
	_ =	sdelay $0x3  }
0x36: {  	p1 =	seq.s32 s10, $0x1;
	s10 =	sld [smem:$0x3FBA];
	_ =	sdelay $0x3  }
0x37: {  	[smem:$0x3FBA] =	sst s10  }
0x38: {  	s10 =	sld [smem:$0x3FBB]  }
0x39: {  	_ = 	snop;
	(pc) =	sbr.ind lr, $3  }
0x3a: {  	_ = 	snop  }
0x3b: {  	_ = 	snop  }
0x3c: {  	p2 =	seq.s32 s10, $0x1;
	s10 =	sld [smem:$0x3FBA]  }
0x3d: {  	_ =	shalt  }
0x3e: {  	_ =	shalt  }
0x3f: {  	_ =	shalt  }
0x40: {  	_ =	shalt  }
0x41: {  	_ =	shalt  }
0x42: {  	_ =	shalt  }
0x43: {  	_ =	shalt  }
0x44: {  	_ =	shalt  }
0x45: {  	_ =	shalt  }
0x46: {  	_ =	shalt  }
0x47: {  	_ =	shalt  }
0x48: {  	_ =	shalt  }
0x49: {  	_ =	shalt  }
0x4a: {  	_ =	shalt  }
0x4b: {  	_ =	shalt  }
0x4c: {  	_ =	shalt  }
0x4d: {  	_ =	shalt  }
0x4e: {  	_ =	shalt  }
0x4f: {  	_ =	shalt  }
0x50: {  	_ =	shalt  }
0x51: {  	_ =	shalt  }
0x52: {  	_ =	shalt  }
0x53: {  	_ =	shalt  }
0x54: {  	_ =	shalt  }
0x55: {  	_ =	shalt  }
0x56: {  	_ =	shalt  }
0x57: {  	_ =	shalt  }
0x58: {  	_ =	shalt  }
0x59: {  	_ =	shalt  }
0x5a: {  	_ =	shalt  }
0x5b: {  	_ =	shalt  }
0x5c: {  	_ =	shalt  }
0x5d: {  	_ =	shalt  }
0x5e: {  	_ =	shalt  }
0x5f: {  	_ =	shalt  }
0x60: {  	_ =	shalt  }
0x61: {  	_ =	shalt  }
0x62: {  	_ =	shalt  }
0x63: {  	_ =	shalt  }
0x64: {  	_ =	shalt  }
0x65: {  	_ =	shalt  }
0x66: {  	_ =	shalt  }
0x67: {  	_ =	shalt  }
0x68: {  	_ =	shalt  }
0x69: {  	_ =	shalt  }
0x6a: {  	_ =	shalt  }
0x6b: {  	_ =	shalt  }
0x6c: {  	_ =	shalt  }
0x6d: {  	_ =	shalt  }
0x6e: {  	_ =	shalt  }
0x6f: {  	_ =	shalt  }
0x70: {  	_ =	shalt  }
0x71: {  	_ =	shalt  }
0x72: {  	_ =	shalt  }
0x73: {  	_ =	shalt  }
0x74: {  	_ =	shalt  }
0x75: {  	_ =	shalt  }
0x76: {  	_ =	shalt  }
0x77: {  	_ =	shalt  }
0x78: {  	_ =	shalt  }
0x79: {  	_ =	shalt  }
0x7a: {  	_ =	shalt  }
0x7b: {  	_ =	shalt  }
0x7c: {  	_ =	shalt  }
0x7d: {  	_ =	shalt  }
0x7e: {  	_ =	shalt  }
0x7f: {  	_ =	shalt  }
0x80: {  	_ =	shalt  }
0x81: {  	_ =	shalt  }
0x82: {  	_ =	shalt  }
0x83: {  	_ =	shalt  }
0x84: {  	_ =	shalt  }
0x85: {  	_ =	shalt  }
0x86: {  	_ =	shalt  }
0x87: {  	_ =	shalt  }
.Lfunc_end0:
.L_simem_size_0:
called_computation.1_lowered:
.L_overlay_start_0:
0x88: {  	s2 =	sld [smem:$0x3FD9]  }
0x89: {  	s3 =	sld [smem:$0x3FFE];
	_ =	sdelay $0x1  }
0x8a: {  	s1 =	srdreg.scid  }
0x8b: {  	s0 =	sand.u32 $0x1, s1  }
0x8c: {  	s17 =	sshll.u32 s0, $0xA;
	s2 =	sadd.s32 s3, s2  }
0x8d: {  	s2 =	sadd.s32 s2, s17  }
0x8e: {  	[smem:$0x3FC6] =	sst s2  }
0x8f: {  	_ = 	snop  }
0x90: {  	s2 =	sld [smem:$0x3FD0];
	(tm) =	ssettm $0x1  }
0x91: {  	s18 =	sld [smem:$0x3FFB];
	_ =	sdelay $0x3  }
0x92: {  	_ =	strace s18  }
0x93: {  	s3 =	sld [smem:$0x3FFC];
	_ =	sdelay $0x3  }
0x94: {  	_ =	strace s3  }
0x95: {  	s3 =	sld [smem:$0x3FFD];
	_ =	sdelay $0x3  }
0x96: {  	_ =	strace s3  }
0x97: {  	_ =	strace $0x8FFFFFFF  }
0x98: {  	s19 =	sld [smem:$0x3FDB];
	_ =	sdelay $0x1  }
0x99: {  	s4 =	simm.s32 $_scs_section_size  }
0x9a: {  	s5 =	simm.s32 $_size__tile_overlayer_lowered;
	s6 =	simm.s32 $_tile_overlayer_lowered  }
0x9b: {  	s22 =	simm.s32 $0x1BFF;
	s21 =	sshll.u32 s6, $0x1;
	s3 =	sadd.s32 s4, s19  }
0x9c: {  	s7 =	simm.s32 $0x0;
	s20 =	sshll.u32 s5, $0x1;
	s5 =	sadd.s32 s21, s3  }
0x9d: {  	[timem:s7], [sflag:s22] =	dma.local [hbm:s5], s20  }
0x9e: {  	_ =	swait.ge [sflag:s22], s20  }
0x9f: {  	s4 =	ssub.s32 $0x0, s20;
	[sflag:s22] =	ssyncset.done $0x0  }
0xa0: {  	[sflag:s22] =	ssyncadd.s32 s4;
	_ =	sdelay $0x1  }
0xa1: {  	s23 =	simm.s32 $0x1B8B  }
0xa2: {  	_ =	swait.ge [sflag:s23], $0x1  }
0xa3: {  	[sflag:s23] =	ssyncset.done $0x0  }
0xa4: {  	s25 =	simm.s32 $0x1B8E;
	s24 =	sld [smem:$0x3FFE];
	[sflag:s23] =	ssyncadd.s32 $0xFFFFFFFF  }
0xa5: {  	s26 =	simm.s32 $execute0_lowered;
	[smem:$0x3FD2] =	sst s25  }
0xa6: {  	s5 =	sshll.u32 s26, $0x1;
	_ =	strace $0x80000046;
	[dreg:$0x1] =	wrdreg $0xFFFFFFFF  }
0xa7: {  	s28 =	simm.s32 $_size_execute0_lowered;
	s3 =	sadd.s32 s3, s5;
	[dreg:$0x0] =	wrdreg $0x0  }
0xa8: {  	s5 =	sshll.u32 s28, $0x1;
	[dreg:$0x2] =	wrdreg s3  }
0xa9: {  	[dreg:$0x3] =	wrdreg s5  }
0xaa: {  	[dreg:$0x4] =	wrdreg $0xC0  }
0xab: {  	_ =	task [dreg:s7], $0x5FFFF  }
0xac: {  	[dreg:$0x1] =	wrdreg $0xFFFFFFFF  }
0xad: {  	[dreg:$0x0] =	wrdreg $0x60  }
0xae: {  	[dreg:$0x2] =	wrdreg s2  }
0xaf: {  	[dreg:$0x3] =	wrdreg s24  }
0xb0: {  	[dreg:$0x4] =	wrdreg $0x9  }
0xb1: {  	_ =	task.clear_ibuf [dreg:s7], $0x5FFFF;
	_ =	strace $0x90000046  }
0xb2: {  	s29 =	simm.s32 $0x9;
	_ =	strace $0x80000048  }
0xb3: {  	_ =	swait.ge [sflag:s29], $0x1  }
0xb4: {  	[sflag:s29] =	ssyncadd.s32 $0xFFFFFFFF  }
0xb5: {  	_ =	strace $0x90000048  }
0xb6: {  	_ =	sfence  }
0xb7: {  	s30 =	sld [smem:$0x0];
	_ =	sdelay $0x2  }
0xb8: {  	s31 =	sshll.u32 s1, $0xD;
	s1 =	sshrl.u32 s1, $0x2  }
0xb9: {  	s3 =	sand.u32 $0x4000, s31;
	s1 =	sadd.s32 s1, s30  }
0xba: {  	s0 =	sor.u32 s3, s0;
	s1 =	sshll.u32 s1, $0x11  }
0xbb: {  	s0 =	sor.u32 s1, s0  }
0xbc: {  	s0 =	sadd.s32 $0x8F2B, s0  }
0xbd: {  	[sflag:s0] =	ssyncadd.remote.s32 $0x1  }
0xbe: {  	_ =	sfence.sel $0xFFFF  }
0xbf: {  	[dreg:$0x0] =	wrdreg $0xFFFFFFFF;
	(pc) =	sbr.abs _section_cstart, $3  }
0xc0: {  	[dreg:$0x1] =	wrdreg $0xFFFFFFFF  }
0xc1: {  	_ =	task.clear_ibuf [dreg:s7], $0x2FFFF;
	_ =	strace $0x9FFFFFFF  }
0xc2: {  	(tm) =	ssettm $0x7FFFFFFF  }
0xc3: {  	_ =	shalt  }
tec
execute0_lowered:
.L_overlay_start_1:
0x0: {  	(tag) =	ssettag $0x1  }
0x1: {  	s1 =	srdreg.scid;
	s2 =	stileid.u32  }
0x2: {  	s0 =	rddreg [dreg:$0x0];
	s1 =	sand.u32 $0x1, s1;
	s4 =	sshll.u32 s2, $0x1  }
0x3: {  	s3 =	rddreg [dreg:$0x1];
	s2 =	simm.s32 $0x0;
	s7 =	sor.u32 s1, s4  }
0x4: {  	s5 =	sadd.s32 $0xA00, s3;
	[smem:$0x7FF] =	sst s2;
	s16 =	smul.u32 $0x6400, s7  }
0x5: {  	s1 =	ssub.s32 $0x2, s1;
	s4 =	sadd.s32 $0xF42E00, s3;
	s8 =	smul.u32 $0x64000, s7  }
0x6: {  	s3 =	simm.s32 $0xF;
	s6 =	sshrl.u32 s1, $0x1;
	s7 =	smul.u32 $0x320000, s7  }
0x7: {  	_ =	strace $0x80000047;
	s1 =	ssub.s32 s1, s6;
	s22 =	sshrl.u32 s16, $0x3  }
0x8: {  	s6 =	sadd.s32 s5, s8;
	[dreg:$0x4] =	wrdreg s7;
	s23 =	sshrl.u32 s7, $0x3  }
0x9: {  	s24 =	sor.u32 $0x40, s16;
	s25 =	smax.u32 s1, $0x1;
	[dreg:$0x3] =	wrdreg s16  }
0xa: {  	s26 =	sor.u32 $0x80, s16;
	s28 =	sor.u32 $0xC0, s16;
	[dreg:$0x6] =	wrdreg s24  }
0xb: {  	s29 =	sor.u32 $0x100, s16;
	s30 =	sor.u32 $0x140, s16;
	[dreg:$0x7] =	wrdreg s25  }
0xc: {  	s31 =	sor.u32 $0x180, s16;
	s7 =	simm.s32 $0x10;
	[dreg:$0x8] =	wrdreg s26  }
0xd: {  	s8 =	simm.s32 $0x0;
	s0 =	sadd.s32 s0, s22;
	[dreg:$0x9] =	wrdreg s28  }
0xe: {  	s9 =	sadd.s32 $0x400, s6;
	s10 =	sadd.s32 $0x800, s6;
	[dreg:$0xa] =	wrdreg s29  }
0xf: {  	s11 =	sadd.s32 $0xC00, s6;
	s12 =	sadd.s32 $0x1000, s6;
	[dreg:$0xb] =	wrdreg s30  }
0x10: {  	s13 =	sadd.s32 $0x1400, s6;
	s14 =	sadd.s32 $0x1800, s6;
	[dreg:$0xc] =	wrdreg s31  }
0x11: {  	s15 =	sadd.s32 $0x1C00, s6;
	[dreg:$0x5] =	wrdreg s0;
	s0 =	sadd.s32 s5, s23  }
0x12: {  	s17 =	sadd.s32 $0x62000, s0;
	s18 =	sadd.s32 $0x62400, s0;
	s19 =	sadd.s32 $0x62800, s0  }
0x13: {  	s20 =	sadd.s32 $0x62C00, s0;
	s21 =	sadd.s32 $0x63000, s0;
	s22 =	sadd.s32 $0x63400, s0  }
0x14: {  	s23 =	sadd.s32 $0x63800, s0;
	s24 =	sadd.s32 $0x63C00, s0;
	s0 =	simm.s32 $0x40  }
.LBB2_1:
0x15: {  	[dreg:$0xd] =	wrdreg s8  }
0x16: {  	s1 =	rddreg [dreg:$0x5];
	s16 =	simm.s32 $0x11  }
0x17: {  	[tilespmem:s2], [sflag:$0x11] =	stream.linear.gather [hbm4b:s1+s2], $0x6400, $0x38;
	[tilespmem:$0x16400] =	vst v63  }
0x18: {  	_ =	swait.ge [sflag:s16], $0x6400  }
0x19: {  	[sflag:s16] =	ssyncset.done $0x0  }
0x1a: {  	s25 =	simm.s32 $0x6400;
	[sflag:s16] =	ssyncadd.s32 $0xFFFF9C00  }
0x1b: {  	[tilespmem:s25], [sflag:$0x1] =	stream.indirect.gather [hbm4b:s4+s0], $0x80, s2, s0, $0xb8;
	[tilespmem:$0x16400] =	vst v63  }
0x1c: {  	s26 =	simm.s32 $0x8400  }
0x1d: {  	[tilespmem:s26], [sflag:$0x2] =	stream.indirect.gather [hbm4b:s4+s0], $0x80, s0, s0, $0xb8;
	[tilespmem:$0x16400] =	vst v63  }
0x1e: {  	s28 =	simm.s32 $0x80;
	s29 =	simm.s32 $0xA400  }
0x1f: {  	[tilespmem:s29], [sflag:$0x3] =	stream.indirect.gather [hbm4b:s4+s0], $0x80, s28, s0, $0xb8;
	[tilespmem:$0x16400] =	vst v63  }
0x20: {  	s30 =	simm.s32 $0xC0;
	s31 =	simm.s32 $0xC400  }
0x21: {  	[tilespmem:s31], [sflag:$0x4] =	stream.indirect.gather [hbm4b:s4+s0], $0x80, s30, s0, $0xb8;
	[tilespmem:$0x16400] =	vst v63  }
0x22: {  	s16 =	simm.s32 $0x100;
	s25 =	simm.s32 $0xE400  }
0x23: {  	[tilespmem:s25], [sflag:$0x5] =	stream.indirect.gather [hbm4b:s4+s0], $0x80, s16, s0, $0xb8;
	[tilespmem:$0x16400] =	vst v63  }
0x24: {  	s26 =	simm.s32 $0x140;
	s28 =	simm.s32 $0x10400  }
0x25: {  	[tilespmem:s28], [sflag:$0x6] =	stream.indirect.gather [hbm4b:s4+s0], $0x80, s26, s0, $0xb8;
	[tilespmem:$0x16400] =	vst v63  }
0x26: {  	s29 =	simm.s32 $0x180;
	s30 =	simm.s32 $0x12400;
	s31 =	simm.s32 $0x1  }
0x27: {  	[tilespmem:s30], [sflag:$0x7] =	stream.indirect.gather [hbm4b:s4+s0], $0x80, s29, s0, $0xb8;
	[tilespmem:$0x16400] =	vst v63  }
0x28: {  	_ =	swait.ge [sflag:s31], $0x2000  }
0x29: {  	s8 =	simm.s32 $0x6480;
	s1 =	simm.s32 $0x6400;
	[sflag:s31] =	ssyncset.done $0x0  }
0x2a: {  	s16 =	simm.s32 $0x10;
	s26 =	sadd.s32 $0x0, s6;
	[sflag:s31] =	ssyncadd.s32 $0xFFFFE000  }
.LBB2_2:
0x2b: {  	[hbm4b:s26+s2] =	stream.linear.scatter [tilespmem:s1], [sflag:$0x9], $0x40, $0x38;
	[tilespmem:$0x16400] =	vst v63  }
0x2c: {  	s25 =	smov.u32 s16;
	s1 =	smov.u32 s8;
	p0 =	sne.s32 s16, $0x3F0  }
.Ltmp0:
0x2d: {  	s16 =	sadd.s32 $0x10, s16;
	(pc) =	sbr.rel @p0 .LBB2_2-.Ltmp0, $2  }
0x2e: {  	_ =	sdelay $0x2  }
0x2f: {  	s8 =	sadd.s32 $0x80, s8;
	s26 =	sadd.s32 s25, s6  }
0x30: {  	[hbm4b:s26+s2] =	stream.linear.scatter [tilespmem:s1], [sflag:$0x9], $0x40, $0x38;
	[tilespmem:$0x16400] =	vst v63  }
0x31: {  	s30 =	simm.s32 $0x1C0;
	s8 =	simm.s32 $0x14400;
	s31 =	simm.s32 $0x2  }
0x32: {  	[tilespmem:s8], [sflag:$0x8] =	stream.indirect.gather [hbm4b:s4+s0], $0x80, s30, s0, $0xb8;
	[tilespmem:$0x16400] =	vst v63  }
0x33: {  	_ =	swait.ge [sflag:s31], $0x2000  }
0x34: {  	s16 =	simm.s32 $0x8400;
	s26 =	simm.s32 $0x10;
	[sflag:s31] =	ssyncset.done $0x0  }
0x35: {  	s1 =	sadd.s32 $0x0, s9;
	s8 =	simm.s32 $0x8480;
	[sflag:s31] =	ssyncadd.s32 $0xFFFFE000  }
.LBB2_4:
0x36: {  	[hbm4b:s1+s2] =	stream.linear.scatter [tilespmem:s16], [sflag:$0xA], $0x40, $0x38;
	[tilespmem:$0x16400] =	vst v63  }
0x37: {  	s1 =	smov.u32 s26;
	s16 =	smov.u32 s8;
	p0 =	sne.s32 s26, $0x3F0  }
.Ltmp1:
0x38: {  	s26 =	sadd.s32 $0x10, s26;
	(pc) =	sbr.rel @p0 .LBB2_4-.Ltmp1, $2  }
0x39: {  	_ =	sdelay $0x2  }
0x3a: {  	s8 =	sadd.s32 $0x80, s8;
	s1 =	sadd.s32 s1, s9  }
0x3b: {  	[hbm4b:s1+s2] =	stream.linear.scatter [tilespmem:s16], [sflag:$0xA], $0x40, $0x38;
	[tilespmem:$0x16400] =	vst v63  }
0x3c: {  	s29 =	simm.s32 $0x9  }
0x3d: {  	_ =	swait.ge [sflag:s29], $0x1000  }
0x3e: {  	s30 =	simm.s32 $0x200;
	[sflag:s29] =	ssyncset.done $0x0  }
0x3f: {  	s8 =	simm.s32 $0x6400;
	s31 =	simm.s32 $0x3;
	[sflag:s29] =	ssyncadd.s32 $0xFFFFF000  }
0x40: {  	[tilespmem:s8], [sflag:$0x1] =	stream.indirect.gather [hbm4b:s4+s0], $0x80, s30, s0, $0xb8;
	[tilespmem:$0x16400] =	vst v63  }
0x41: {  	_ =	swait.ge [sflag:s31], $0x2000  }
0x42: {  	s16 =	simm.s32 $0xA400;
	s26 =	simm.s32 $0x10;
	[sflag:s31] =	ssyncset.done $0x0  }
0x43: {  	s1 =	sadd.s32 $0x0, s10;
	s8 =	simm.s32 $0xA480;
	[sflag:s31] =	ssyncadd.s32 $0xFFFFE000  }
.LBB2_6:
0x44: {  	[hbm4b:s1+s2] =	stream.linear.scatter [tilespmem:s16], [sflag:$0xB], $0x40, $0x38;
	[tilespmem:$0x16400] =	vst v63  }
0x45: {  	s1 =	smov.u32 s26;
	s16 =	smov.u32 s8;
	p0 =	sne.s32 s26, $0x3F0  }
.Ltmp2:
0x46: {  	s26 =	sadd.s32 $0x10, s26;
	(pc) =	sbr.rel @p0 .LBB2_6-.Ltmp2, $2  }
0x47: {  	_ =	sdelay $0x2  }
0x48: {  	s8 =	sadd.s32 $0x80, s8;
	s1 =	sadd.s32 s1, s10  }
0x49: {  	[hbm4b:s1+s2] =	stream.linear.scatter [tilespmem:s16], [sflag:$0xB], $0x40, $0x38;
	[tilespmem:$0x16400] =	vst v63  }
0x4a: {  	s29 =	simm.s32 $0xA  }
0x4b: {  	_ =	swait.ge [sflag:s29], $0x1000  }
0x4c: {  	s30 =	simm.s32 $0x8400;
	[sflag:s29] =	ssyncset.done $0x0  }
0x4d: {  	s8 =	simm.s32 $0x240;
	s31 =	simm.s32 $0x4;
	[sflag:s29] =	ssyncadd.s32 $0xFFFFF000  }
0x4e: {  	[tilespmem:s30], [sflag:$0x2] =	stream.indirect.gather [hbm4b:s4+s0], $0x80, s8, s0, $0xb8;
	[tilespmem:$0x16400] =	vst v63  }
0x4f: {  	_ =	swait.ge [sflag:s31], $0x2000  }
0x50: {  	s16 =	simm.s32 $0xC400;
	s26 =	simm.s32 $0x10;
	[sflag:s31] =	ssyncset.done $0x0  }
0x51: {  	s1 =	sadd.s32 $0x0, s11;
	s8 =	simm.s32 $0xC480;
	[sflag:s31] =	ssyncadd.s32 $0xFFFFE000  }
.LBB2_8:
0x52: {  	[hbm4b:s1+s2] =	stream.linear.scatter [tilespmem:s16], [sflag:$0xC], $0x40, $0x38;
	[tilespmem:$0x16400] =	vst v63  }
0x53: {  	s1 =	smov.u32 s26;
	s16 =	smov.u32 s8;
	p0 =	sne.s32 s26, $0x3F0  }
.Ltmp3:
0x54: {  	s26 =	sadd.s32 $0x10, s26;
	(pc) =	sbr.rel @p0 .LBB2_8-.Ltmp3, $2  }
0x55: {  	_ =	sdelay $0x2  }
0x56: {  	s8 =	sadd.s32 $0x80, s8;
	s1 =	sadd.s32 s1, s11  }
0x57: {  	[hbm4b:s1+s2] =	stream.linear.scatter [tilespmem:s16], [sflag:$0xC], $0x40, $0x38;
	[tilespmem:$0x16400] =	vst v63  }
0x58: {  	s29 =	simm.s32 $0xB  }
0x59: {  	_ =	swait.ge [sflag:s29], $0x1000  }
0x5a: {  	s30 =	simm.s32 $0xA400;
	[sflag:s29] =	ssyncset.done $0x0  }
0x5b: {  	s8 =	simm.s32 $0x280;
	s31 =	simm.s32 $0x5;
	[sflag:s29] =	ssyncadd.s32 $0xFFFFF000  }
0x5c: {  	[tilespmem:s30], [sflag:$0x3] =	stream.indirect.gather [hbm4b:s4+s0], $0x80, s8, s0, $0xb8;
	[tilespmem:$0x16400] =	vst v63  }
0x5d: {  	_ =	swait.ge [sflag:s31], $0x2000  }
0x5e: {  	s16 =	simm.s32 $0xE400;
	s26 =	simm.s32 $0x10;
	[sflag:s31] =	ssyncset.done $0x0  }
0x5f: {  	s1 =	sadd.s32 $0x0, s12;
	s8 =	simm.s32 $0xE480;
	[sflag:s31] =	ssyncadd.s32 $0xFFFFE000  }
.LBB2_10:
0x60: {  	[hbm4b:s1+s2] =	stream.linear.scatter [tilespmem:s16], [sflag:$0xD], $0x40, $0x38;
	[tilespmem:$0x16400] =	vst v63  }
0x61: {  	s1 =	smov.u32 s26;
	s16 =	smov.u32 s8;
	p0 =	sne.s32 s26, $0x3F0  }
.Ltmp4:
0x62: {  	s26 =	sadd.s32 $0x10, s26;
	(pc) =	sbr.rel @p0 .LBB2_10-.Ltmp4, $2  }
0x63: {  	_ =	sdelay $0x2  }
0x64: {  	s8 =	sadd.s32 $0x80, s8;
	s1 =	sadd.s32 s1, s12  }
0x65: {  	[hbm4b:s1+s2] =	stream.linear.scatter [tilespmem:s16], [sflag:$0xD], $0x40, $0x38;
	[tilespmem:$0x16400] =	vst v63  }
0x66: {  	s29 =	simm.s32 $0xC  }
0x67: {  	_ =	swait.ge [sflag:s29], $0x1000  }
0x68: {  	s30 =	simm.s32 $0xC400;
	[sflag:s29] =	ssyncset.done $0x0  }
0x69: {  	s8 =	simm.s32 $0x2C0;
	s31 =	simm.s32 $0x6;
	[sflag:s29] =	ssyncadd.s32 $0xFFFFF000  }
0x6a: {  	[tilespmem:s30], [sflag:$0x4] =	stream.indirect.gather [hbm4b:s4+s0], $0x80, s8, s0, $0xb8;
	[tilespmem:$0x16400] =	vst v63  }
0x6b: {  	_ =	swait.ge [sflag:s31], $0x2000  }
0x6c: {  	s16 =	simm.s32 $0x10400;
	s26 =	simm.s32 $0x10;
	[sflag:s31] =	ssyncset.done $0x0  }
0x6d: {  	s1 =	sadd.s32 $0x0, s13;
	s8 =	simm.s32 $0x10480;
	[sflag:s31] =	ssyncadd.s32 $0xFFFFE000  }
.LBB2_12:
0x6e: {  	[hbm4b:s1+s2] =	stream.linear.scatter [tilespmem:s16], [sflag:$0xE], $0x40, $0x38;
	[tilespmem:$0x16400] =	vst v63  }
0x6f: {  	s1 =	smov.u32 s26;
	s16 =	smov.u32 s8;
	p0 =	sne.s32 s26, $0x3F0  }
.Ltmp5:
0x70: {  	s26 =	sadd.s32 $0x10, s26;
	(pc) =	sbr.rel @p0 .LBB2_12-.Ltmp5, $2  }
0x71: {  	_ =	sdelay $0x2  }
0x72: {  	s8 =	sadd.s32 $0x80, s8;
	s1 =	sadd.s32 s1, s13  }
0x73: {  	[hbm4b:s1+s2] =	stream.linear.scatter [tilespmem:s16], [sflag:$0xE], $0x40, $0x38;
	[tilespmem:$0x16400] =	vst v63  }
0x74: {  	s29 =	simm.s32 $0xD  }
0x75: {  	_ =	swait.ge [sflag:s29], $0x1000  }
0x76: {  	s30 =	simm.s32 $0xE400;
	[sflag:s29] =	ssyncset.done $0x0  }
0x77: {  	s8 =	simm.s32 $0x300;
	s31 =	simm.s32 $0x7;
	[sflag:s29] =	ssyncadd.s32 $0xFFFFF000  }
0x78: {  	[tilespmem:s30], [sflag:$0x5] =	stream.indirect.gather [hbm4b:s4+s0], $0x80, s8, s0, $0xb8;
	[tilespmem:$0x16400] =	vst v63  }
0x79: {  	_ =	swait.ge [sflag:s31], $0x2000  }
0x7a: {  	s16 =	simm.s32 $0x12400;
	s26 =	simm.s32 $0x10;
	[sflag:s31] =	ssyncset.done $0x0  }
0x7b: {  	s1 =	sadd.s32 $0x0, s14;
	s8 =	simm.s32 $0x12480;
	[sflag:s31] =	ssyncadd.s32 $0xFFFFE000  }
.LBB2_14:
0x7c: {  	[hbm4b:s1+s2] =	stream.linear.scatter [tilespmem:s16], [sflag:$0xF], $0x40, $0x38;
	[tilespmem:$0x16400] =	vst v63  }
0x7d: {  	s1 =	smov.u32 s26;
	s16 =	smov.u32 s8;
	p0 =	sne.s32 s26, $0x3F0  }
.Ltmp6:
0x7e: {  	s26 =	sadd.s32 $0x10, s26;
	(pc) =	sbr.rel @p0 .LBB2_14-.Ltmp6, $2  }
0x7f: {  	_ =	sdelay $0x2  }
0x80: {  	s8 =	sadd.s32 $0x80, s8;
	s1 =	sadd.s32 s1, s14  }
0x81: {  	[hbm4b:s1+s2] =	stream.linear.scatter [tilespmem:s16], [sflag:$0xF], $0x40, $0x38;
	[tilespmem:$0x16400] =	vst v63  }
0x82: {  	s29 =	simm.s32 $0xE  }
0x83: {  	_ =	swait.ge [sflag:s29], $0x1000  }
0x84: {  	s30 =	simm.s32 $0x10400;
	[sflag:s29] =	ssyncset.done $0x0  }
0x85: {  	s8 =	simm.s32 $0x340;
	s31 =	simm.s32 $0x8;
	[sflag:s29] =	ssyncadd.s32 $0xFFFFF000  }
0x86: {  	[tilespmem:s30], [sflag:$0x6] =	stream.indirect.gather [hbm4b:s4+s0], $0x80, s8, s0, $0xb8;
	[tilespmem:$0x16400] =	vst v63  }
0x87: {  	_ =	swait.ge [sflag:s31], $0x2000  }
0x88: {  	s16 =	simm.s32 $0x14400;
	s26 =	simm.s32 $0x10;
	[sflag:s31] =	ssyncset.done $0x0  }
0x89: {  	s1 =	sadd.s32 $0x0, s15;
	s8 =	simm.s32 $0x14480;
	[sflag:s31] =	ssyncadd.s32 $0xFFFFE000  }
.LBB2_16:
0x8a: {  	[hbm4b:s1+s2] =	stream.linear.scatter [tilespmem:s16], [sflag:$0x10], $0x40, $0x38;
	[tilespmem:$0x16400] =	vst v63  }
0x8b: {  	s1 =	smov.u32 s26;
	s16 =	smov.u32 s8;
	p0 =	sne.s32 s26, $0x3F0  }
.Ltmp7:
0x8c: {  	s26 =	sadd.s32 $0x10, s26;
	(pc) =	sbr.rel @p0 .LBB2_16-.Ltmp7, $2  }
0x8d: {  	_ =	sdelay $0x2  }
0x8e: {  	s8 =	sadd.s32 $0x80, s8;
	s1 =	sadd.s32 s1, s15  }
0x8f: {  	[hbm4b:s1+s2] =	stream.linear.scatter [tilespmem:s16], [sflag:$0x10], $0x40, $0x38;
	[tilespmem:$0x16400] =	vst v63  }
0x90: {  	_ =	swait.ge [sflag:s3], $0x1000  }
0x91: {  	s31 =	simm.s32 $0x12400;
	[sflag:s3] =	ssyncset.done $0x0  }
0x92: {  	s8 =	simm.s32 $0x380;
	s16 =	simm.s32 $0x1;
	[sflag:s3] =	ssyncadd.s32 $0xFFFFF000  }
0x93: {  	[tilespmem:s31], [sflag:$0x7] =	stream.indirect.gather [hbm4b:s4+s0], $0x80, s8, s0, $0xb8;
	[tilespmem:$0x16400] =	vst v63  }
.LBB2_18:
0x94: {  	s25 =	simm.s32 $0x1  }
0x95: {  	_ =	swait.ge [sflag:s25], $0x2000  }
0x96: {  	s1 =	sshll.u32 s16, $0x10;
	s8 =	rddreg [dreg:$0x4]  }
0x97: {  	s1 =	sadd.s32 s8, s1  }
0x98: {  	s28 =	simm.s32 $0x6400;
	s1 =	sshrl.u32 s1, $0x3  }
0x99: {  	s29 =	simm.s32 $0x10;
	[sflag:s25] =	ssyncset.done $0x0;
	s26 =	sadd.s32 s5, s1  }
0x9a: {  	[sflag:s25] =	ssyncadd.s32 $0xFFFFE000;
	s8 =	simm.s32 $0x6480;
	s1 =	sadd.s32 $0x0, s26  }
.LBB2_19:
0x9b: {  	[hbm4b:s1+s2] =	stream.linear.scatter [tilespmem:s28], [sflag:$0x9], $0x40, $0x38;
	[tilespmem:$0x16400] =	vst v63  }
0x9c: {  	s1 =	smov.u32 s29;
	s28 =	smov.u32 s8;
	p0 =	sne.s32 s29, $0x3F0  }
.Ltmp8:
0x9d: {  	s29 =	sadd.s32 $0x10, s29;
	(pc) =	sbr.rel @p0 .LBB2_19-.Ltmp8, $2  }
0x9e: {  	_ =	sdelay $0x2  }
0x9f: {  	s8 =	sadd.s32 $0x80, s8;
	s1 =	sadd.s32 s1, s26  }
0xa0: {  	[hbm4b:s1+s2] =	stream.linear.scatter [tilespmem:s28], [sflag:$0x9], $0x40, $0x38;
	[tilespmem:$0x16400] =	vst v63  }
0xa1: {  	s29 =	sshll.u32 s16, $0x9;
	_ =	swait.ge [sflag:s7], $0x1000  }
0xa2: {  	s8 =	simm.s32 $0x14400;
	[sflag:s7] =	ssyncset.done $0x0;
	s25 =	rddreg [dreg:$0x6]  }
0xa3: {  	s26 =	sor.u32 $0x1C0, s29;
	[sflag:s7] =	ssyncadd.s32 $0xFFFFF000;
	s1 =	sadd.s32 s29, s25  }
0xa4: {  	[tilespmem:s8], [sflag:$0x8] =	stream.indirect.gather [hbm4b:s4+s0], $0x80, s26, s0, $0xb8;
	[tilespmem:$0x16400] =	vst v63  }
0xa5: {  	s8 =	simm.s32 $0x2;
	s1 =	sshll.u32 s1, $0x4  }
0xa6: {  	s30 =	simm.s32 $0x8400;
	_ =	swait.ge [sflag:s8], $0x2000;
	s1 =	sand.u32 $0x1FFFE400, s1  }
0xa7: {  	s31 =	simm.s32 $0x10;
	[sflag:s8] =	ssyncset.done $0x0;
	s28 =	sadd.s32 s5, s1  }
0xa8: {  	[sflag:s8] =	ssyncadd.s32 $0xFFFFE000;
	s1 =	sadd.s32 $0x0, s28;
	s8 =	simm.s32 $0x8480  }
.LBB2_21:
0xa9: {  	[hbm4b:s1+s2] =	stream.linear.scatter [tilespmem:s30], [sflag:$0xA], $0x40, $0x38;
	[tilespmem:$0x16400] =	vst v63  }
0xaa: {  	s1 =	smov.u32 s31;
	s30 =	smov.u32 s8;
	p0 =	sne.s32 s31, $0x3F0  }
.Ltmp9:
0xab: {  	s31 =	sadd.s32 $0x10, s31;
	(pc) =	sbr.rel @p0 .LBB2_21-.Ltmp9, $2  }
0xac: {  	_ =	sdelay $0x2  }
0xad: {  	s8 =	sadd.s32 $0x80, s8;
	s1 =	sadd.s32 s1, s28  }
0xae: {  	[hbm4b:s1+s2] =	stream.linear.scatter [tilespmem:s30], [sflag:$0xA], $0x40, $0x38;
	[tilespmem:$0x16400] =	vst v63  }
0xaf: {  	s8 =	simm.s32 $0x9  }
0xb0: {  	_ =	swait.ge [sflag:s8], $0x1000  }
0xb1: {  	s28 =	sand.u32 $0x3FFFFE00, s29;
	[sflag:s8] =	ssyncset.done $0x0  }
0xb2: {  	s25 =	sadd.s32 $0x200, s28;
	[sflag:s8] =	ssyncadd.s32 $0xFFFFF000;
	s8 =	simm.s32 $0x6400  }
0xb3: {  	[tilespmem:s8], [sflag:$0x1] =	stream.indirect.gather [hbm4b:s4+s0], $0x80, s25, s0, $0xb8;
	[tilespmem:$0x16400] =	vst v63  }
0xb4: {  	s8 =	rddreg [dreg:$0x8]  }
0xb5: {  	s1 =	sadd.s32 s29, s8  }
0xb6: {  	s25 =	simm.s32 $0x3;
	s1 =	sshll.u32 s1, $0x4  }
0xb7: {  	s31 =	simm.s32 $0xA400;
	_ =	swait.ge [sflag:s25], $0x2000;
	s1 =	sand.u32 $0x1FFFE800, s1  }
0xb8: {  	s8 =	simm.s32 $0x10;
	[sflag:s25] =	ssyncset.done $0x0;
	s30 =	sadd.s32 s5, s1  }
0xb9: {  	[sflag:s25] =	ssyncadd.s32 $0xFFFFE000;
	s1 =	simm.s32 $0xA480;
	s25 =	sadd.s32 $0x0, s30  }
.LBB2_23:
0xba: {  	[hbm4b:s25+s2] =	stream.linear.scatter [tilespmem:s31], [sflag:$0xB], $0x40, $0x38;
	[tilespmem:$0x16400] =	vst v63  }
0xbb: {  	s25 =	smov.u32 s8;
	s31 =	smov.u32 s1;
	p0 =	sne.s32 s8, $0x3F0  }
.Ltmp10:
0xbc: {  	s8 =	sadd.s32 $0x10, s8;
	(pc) =	sbr.rel @p0 .LBB2_23-.Ltmp10, $2  }
0xbd: {  	_ =	sdelay $0x2  }
0xbe: {  	s1 =	sadd.s32 $0x80, s1;
	s25 =	sadd.s32 s25, s30  }
0xbf: {  	[hbm4b:s25+s2] =	stream.linear.scatter [tilespmem:s31], [sflag:$0xB], $0x40, $0x38;
	[tilespmem:$0x16400] =	vst v63  }
0xc0: {  	s1 =	simm.s32 $0xA  }
0xc1: {  	_ =	swait.ge [sflag:s1], $0x1000  }
0xc2: {  	[sflag:s1] =	ssyncset.done $0x0  }
0xc3: {  	s25 =	sadd.s32 $0x240, s28;
	s8 =	simm.s32 $0x8400;
	[sflag:s1] =	ssyncadd.s32 $0xFFFFF000  }
0xc4: {  	[tilespmem:s8], [sflag:$0x2] =	stream.indirect.gather [hbm4b:s4+s0], $0x80, s25, s0, $0xb8;
	[tilespmem:$0x16400] =	vst v63  }
0xc5: {  	s8 =	rddreg [dreg:$0x9]  }
0xc6: {  	s1 =	sadd.s32 s29, s8  }
0xc7: {  	s25 =	simm.s32 $0x4;
	s1 =	sshll.u32 s1, $0x4  }
0xc8: {  	s31 =	simm.s32 $0xC400;
	_ =	swait.ge [sflag:s25], $0x2000;
	s1 =	sand.u32 $0x1FFFEC00, s1  }
0xc9: {  	s8 =	simm.s32 $0x10;
	[sflag:s25] =	ssyncset.done $0x0;
	s30 =	sadd.s32 s5, s1  }
0xca: {  	[sflag:s25] =	ssyncadd.s32 $0xFFFFE000;
	s1 =	simm.s32 $0xC480;
	s25 =	sadd.s32 $0x0, s30  }
.LBB2_25:
0xcb: {  	[hbm4b:s25+s2] =	stream.linear.scatter [tilespmem:s31], [sflag:$0xC], $0x40, $0x38;
	[tilespmem:$0x16400] =	vst v63  }
0xcc: {  	s25 =	smov.u32 s8;
	s31 =	smov.u32 s1;
	p0 =	sne.s32 s8, $0x3F0  }
.Ltmp11:
0xcd: {  	s8 =	sadd.s32 $0x10, s8;
	(pc) =	sbr.rel @p0 .LBB2_25-.Ltmp11, $2  }
0xce: {  	_ =	sdelay $0x2  }
0xcf: {  	s1 =	sadd.s32 $0x80, s1;
	s25 =	sadd.s32 s25, s30  }
0xd0: {  	[hbm4b:s25+s2] =	stream.linear.scatter [tilespmem:s31], [sflag:$0xC], $0x40, $0x38;
	[tilespmem:$0x16400] =	vst v63  }
0xd1: {  	s1 =	simm.s32 $0xB  }
0xd2: {  	_ =	swait.ge [sflag:s1], $0x1000  }
0xd3: {  	[sflag:s1] =	ssyncset.done $0x0  }
0xd4: {  	s25 =	sadd.s32 $0x280, s28;
	s8 =	simm.s32 $0xA400;
	[sflag:s1] =	ssyncadd.s32 $0xFFFFF000  }
0xd5: {  	[tilespmem:s8], [sflag:$0x3] =	stream.indirect.gather [hbm4b:s4+s0], $0x80, s25, s0, $0xb8;
	[tilespmem:$0x16400] =	vst v63  }
0xd6: {  	s8 =	rddreg [dreg:$0xa]  }
0xd7: {  	s1 =	sadd.s32 s29, s8  }
0xd8: {  	s25 =	simm.s32 $0x5;
	s1 =	sshll.u32 s1, $0x4  }
0xd9: {  	s31 =	simm.s32 $0xE400;
	_ =	swait.ge [sflag:s25], $0x2000;
	s1 =	sand.u32 $0x1FFFF000, s1  }
0xda: {  	s8 =	simm.s32 $0x10;
	[sflag:s25] =	ssyncset.done $0x0;
	s30 =	sadd.s32 s5, s1  }
0xdb: {  	[sflag:s25] =	ssyncadd.s32 $0xFFFFE000;
	s1 =	simm.s32 $0xE480;
	s25 =	sadd.s32 $0x0, s30  }
.LBB2_27:
0xdc: {  	[hbm4b:s25+s2] =	stream.linear.scatter [tilespmem:s31], [sflag:$0xD], $0x40, $0x38;
	[tilespmem:$0x16400] =	vst v63  }
0xdd: {  	s25 =	smov.u32 s8;
	s31 =	smov.u32 s1;
	p0 =	sne.s32 s8, $0x3F0  }
.Ltmp12:
0xde: {  	s8 =	sadd.s32 $0x10, s8;
	(pc) =	sbr.rel @p0 .LBB2_27-.Ltmp12, $2  }
0xdf: {  	_ =	sdelay $0x2  }
0xe0: {  	s1 =	sadd.s32 $0x80, s1;
	s25 =	sadd.s32 s25, s30  }
0xe1: {  	[hbm4b:s25+s2] =	stream.linear.scatter [tilespmem:s31], [sflag:$0xD], $0x40, $0x38;
	[tilespmem:$0x16400] =	vst v63  }
0xe2: {  	s1 =	simm.s32 $0xC  }
0xe3: {  	_ =	swait.ge [sflag:s1], $0x1000  }
0xe4: {  	[sflag:s1] =	ssyncset.done $0x0  }
0xe5: {  	s25 =	sadd.s32 $0x2C0, s28;
	s8 =	simm.s32 $0xC400;
	[sflag:s1] =	ssyncadd.s32 $0xFFFFF000  }
0xe6: {  	[tilespmem:s8], [sflag:$0x4] =	stream.indirect.gather [hbm4b:s4+s0], $0x80, s25, s0, $0xb8;
	[tilespmem:$0x16400] =	vst v63  }
0xe7: {  	s8 =	rddreg [dreg:$0xb]  }
0xe8: {  	s1 =	sadd.s32 s29, s8  }
0xe9: {  	s25 =	simm.s32 $0x6;
	s1 =	sshll.u32 s1, $0x4  }
0xea: {  	s31 =	simm.s32 $0x10400;
	_ =	swait.ge [sflag:s25], $0x2000;
	s1 =	sand.u32 $0x1FFFF400, s1  }
0xeb: {  	s8 =	simm.s32 $0x10;
	[sflag:s25] =	ssyncset.done $0x0;
	s30 =	sadd.s32 s5, s1  }
0xec: {  	[sflag:s25] =	ssyncadd.s32 $0xFFFFE000;
	s1 =	simm.s32 $0x10480;
	s25 =	sadd.s32 $0x0, s30  }
.LBB2_29:
0xed: {  	[hbm4b:s25+s2] =	stream.linear.scatter [tilespmem:s31], [sflag:$0xE], $0x40, $0x38;
	[tilespmem:$0x16400] =	vst v63  }
0xee: {  	s25 =	smov.u32 s8;
	s31 =	smov.u32 s1;
	p0 =	sne.s32 s8, $0x3F0  }
.Ltmp13:
0xef: {  	s8 =	sadd.s32 $0x10, s8;
	(pc) =	sbr.rel @p0 .LBB2_29-.Ltmp13, $2  }
0xf0: {  	_ =	sdelay $0x2  }
0xf1: {  	s1 =	sadd.s32 $0x80, s1;
	s25 =	sadd.s32 s25, s30  }
0xf2: {  	[hbm4b:s25+s2] =	stream.linear.scatter [tilespmem:s31], [sflag:$0xE], $0x40, $0x38;
	[tilespmem:$0x16400] =	vst v63  }
0xf3: {  	s1 =	simm.s32 $0xD  }
0xf4: {  	_ =	swait.ge [sflag:s1], $0x1000  }
0xf5: {  	s31 =	sadd.s32 $0x300, s28;
	[sflag:s1] =	ssyncset.done $0x0;
	s25 =	rddreg [dreg:$0xc]  }
0xf6: {  	s8 =	simm.s32 $0xE400;
	[sflag:s1] =	ssyncadd.s32 $0xFFFFF000;
	s1 =	sadd.s32 s29, s25  }
0xf7: {  	[tilespmem:s8], [sflag:$0x5] =	stream.indirect.gather [hbm4b:s4+s0], $0x80, s31, s0, $0xb8;
	[tilespmem:$0x16400] =	vst v63  }
0xf8: {  	s31 =	simm.s32 $0x7;
	s1 =	sshll.u32 s1, $0x4  }
0xf9: {  	s30 =	simm.s32 $0x12400;
	_ =	swait.ge [sflag:s31], $0x2000;
	s1 =	sand.u32 $0x1FFFF800, s1  }
0xfa: {  	s8 =	simm.s32 $0x10;
	[sflag:s31] =	ssyncset.done $0x0;
	s29 =	sadd.s32 s5, s1  }
0xfb: {  	s1 =	simm.s32 $0x12480;
	[sflag:s31] =	ssyncadd.s32 $0xFFFFE000;
	s25 =	sadd.s32 $0x0, s29  }
.LBB2_31:
0xfc: {  	[hbm4b:s25+s2] =	stream.linear.scatter [tilespmem:s30], [sflag:$0xF], $0x40, $0x38;
	[tilespmem:$0x16400] =	vst v63  }
0xfd: {  	s25 =	smov.u32 s8;
	s30 =	smov.u32 s1;
	p0 =	sne.s32 s8, $0x3F0  }
.Ltmp14:
0xfe: {  	s8 =	sadd.s32 $0x10, s8;
	(pc) =	sbr.rel @p0 .LBB2_31-.Ltmp14, $2  }
0xff: {  	_ =	sdelay $0x2  }
0x100: {  	s1 =	sadd.s32 $0x80, s1;
	s25 =	sadd.s32 s25, s29  }
0x101: {  	[hbm4b:s25+s2] =	stream.linear.scatter [tilespmem:s30], [sflag:$0xF], $0x40, $0x38;
	[tilespmem:$0x16400] =	vst v63  }
0x102: {  	s1 =	simm.s32 $0xE  }
0x103: {  	_ =	swait.ge [sflag:s1], $0x1000  }
0x104: {  	s25 =	sadd.s32 $0x340, s28;
	[sflag:s1] =	ssyncset.done $0x0;
	s30 =	rddreg [dreg:$0x3]  }
0x105: {  	s8 =	simm.s32 $0x10400;
	[sflag:s1] =	ssyncadd.s32 $0xFFFFF000;
	s1 =	sadd.s32 s30, s26  }
0x106: {  	[tilespmem:s8], [sflag:$0x6] =	stream.indirect.gather [hbm4b:s4+s0], $0x80, s25, s0, $0xb8;
	[tilespmem:$0x16400] =	vst v63  }
0x107: {  	s31 =	simm.s32 $0x8;
	s1 =	sshll.u32 s1, $0x4  }
0x108: {  	s29 =	simm.s32 $0x14400;
	_ =	swait.ge [sflag:s31], $0x2000;
	s1 =	sand.u32 $0x1FFFFC00, s1  }
0x109: {  	s8 =	simm.s32 $0x10;
	[sflag:s31] =	ssyncset.done $0x0;
	s26 =	sadd.s32 s5, s1  }
0x10a: {  	s1 =	simm.s32 $0x14480;
	[sflag:s31] =	ssyncadd.s32 $0xFFFFE000;
	s25 =	sadd.s32 $0x0, s26  }
.LBB2_33:
0x10b: {  	[hbm4b:s25+s2] =	stream.linear.scatter [tilespmem:s29], [sflag:$0x10], $0x40, $0x38;
	[tilespmem:$0x16400] =	vst v63  }
0x10c: {  	s25 =	smov.u32 s8;
	s29 =	smov.u32 s1;
	p0 =	sne.s32 s8, $0x3F0  }
.Ltmp15:
0x10d: {  	s8 =	sadd.s32 $0x10, s8;
	(pc) =	sbr.rel @p0 .LBB2_33-.Ltmp15, $2  }
0x10e: {  	_ =	sdelay $0x2  }
0x10f: {  	s1 =	sadd.s32 $0x80, s1;
	s25 =	sadd.s32 s25, s26  }
0x110: {  	[hbm4b:s25+s2] =	stream.linear.scatter [tilespmem:s29], [sflag:$0x10], $0x40, $0x38;
	[tilespmem:$0x16400] =	vst v63  }
0x111: {  	s16 =	sadd.s32 $0x1, s16  }
0x112: {  	p0 =	sne.s32 s16, $0x31  }
.Ltmp16:
0x113: {  	_ = 	snop;
	(pc) =	sbr.rel @p0 .LBB2_18-.Ltmp16, $4  }
0x114: {  	_ =	swait.ge [sflag:s3], $0x1000  }
0x115: {  	[sflag:s3] =	ssyncset.done $0x0  }
0x116: {  	s1 =	sadd.s32 $0x380, s28;
	s8 =	simm.s32 $0x12400;
	[sflag:s3] =	ssyncadd.s32 $0xFFFFF000  }
0x117: {  	[tilespmem:s8], [sflag:$0x7] =	stream.indirect.gather [hbm4b:s4+s0], $0x80, s1, s0, $0xb8;
	[tilespmem:$0x16400] =	vst v63  }
0x118: {  	s1 =	simm.s32 $0x1  }
0x119: {  	_ =	swait.ge [sflag:s1], $0x2000  }
0x11a: {  	s16 =	simm.s32 $0x6400;
	s8 =	simm.s32 $0x10;
	[sflag:s1] =	ssyncset.done $0x0  }
0x11b: {  	s25 =	sadd.s32 $0x0, s17;
	[sflag:s1] =	ssyncadd.s32 $0xFFFFE000;
	s1 =	simm.s32 $0x6480  }
.LBB2_36:
0x11c: {  	[hbm4b:s25+s2] =	stream.linear.scatter [tilespmem:s16], [sflag:$0x9], $0x40, $0x38;
	[tilespmem:$0x16400] =	vst v63  }
0x11d: {  	s25 =	smov.u32 s8;
	s16 =	smov.u32 s1;
	p0 =	sne.s32 s8, $0x3F0  }
.Ltmp17:
0x11e: {  	s8 =	sadd.s32 $0x10, s8;
	(pc) =	sbr.rel @p0 .LBB2_36-.Ltmp17, $2  }
0x11f: {  	_ =	sdelay $0x2  }
0x120: {  	s1 =	sadd.s32 $0x80, s1;
	s25 =	sadd.s32 s25, s17  }
0x121: {  	[hbm4b:s25+s2] =	stream.linear.scatter [tilespmem:s16], [sflag:$0x9], $0x40, $0x38;
	[tilespmem:$0x16400] =	vst v63  }
0x122: {  	_ =	swait.ge [sflag:s7], $0x1000  }
0x123: {  	s1 =	simm.s32 $0x14400;
	[sflag:s7] =	ssyncset.done $0x0  }
0x124: {  	s8 =	simm.s32 $0x63C0;
	s31 =	simm.s32 $0x2;
	[sflag:s7] =	ssyncadd.s32 $0xFFFFF000  }
0x125: {  	[tilespmem:s1], [sflag:$0x8] =	stream.indirect.gather [hbm4b:s4+s0], $0x80, s8, s0, $0xb8;
	[tilespmem:$0x16400] =	vst v63  }
0x126: {  	_ =	swait.ge [sflag:s31], $0x2000  }
0x127: {  	s16 =	simm.s32 $0x8400;
	s25 =	sadd.s32 $0x0, s18;
	[sflag:s31] =	ssyncset.done $0x0  }
0x128: {  	s8 =	simm.s32 $0x10;
	s1 =	simm.s32 $0x8480;
	[sflag:s31] =	ssyncadd.s32 $0xFFFFE000  }
.LBB2_38:
0x129: {  	[hbm4b:s25+s2] =	stream.linear.scatter [tilespmem:s16], [sflag:$0xA], $0x40, $0x38;
	[tilespmem:$0x16400] =	vst v63  }
0x12a: {  	s25 =	smov.u32 s8;
	s16 =	smov.u32 s1;
	p0 =	sne.s32 s8, $0x3F0  }
.Ltmp18:
0x12b: {  	s8 =	sadd.s32 $0x10, s8;
	(pc) =	sbr.rel @p0 .LBB2_38-.Ltmp18, $2  }
0x12c: {  	_ =	sdelay $0x2  }
0x12d: {  	s1 =	sadd.s32 $0x80, s1;
	s25 =	sadd.s32 s25, s18  }
0x12e: {  	[hbm4b:s25+s2] =	stream.linear.scatter [tilespmem:s16], [sflag:$0xA], $0x40, $0x38;
	[tilespmem:$0x16400] =	vst v63  }
0x12f: {  	s1 =	simm.s32 $0x3  }
0x130: {  	_ =	swait.ge [sflag:s1], $0x2000  }
0x131: {  	s16 =	simm.s32 $0xA400;
	s8 =	simm.s32 $0x10;
	[sflag:s1] =	ssyncset.done $0x0  }
0x132: {  	s25 =	sadd.s32 $0x0, s19;
	[sflag:s1] =	ssyncadd.s32 $0xFFFFE000;
	s1 =	simm.s32 $0xA480  }
.LBB2_40:
0x133: {  	[hbm4b:s25+s2] =	stream.linear.scatter [tilespmem:s16], [sflag:$0xB], $0x40, $0x38;
	[tilespmem:$0x16400] =	vst v63  }
0x134: {  	s25 =	smov.u32 s8;
	s16 =	smov.u32 s1;
	p0 =	sne.s32 s8, $0x3F0  }
.Ltmp19:
0x135: {  	s8 =	sadd.s32 $0x10, s8;
	(pc) =	sbr.rel @p0 .LBB2_40-.Ltmp19, $2  }
0x136: {  	_ =	sdelay $0x2  }
0x137: {  	s1 =	sadd.s32 $0x80, s1;
	s25 =	sadd.s32 s25, s19  }
0x138: {  	[hbm4b:s25+s2] =	stream.linear.scatter [tilespmem:s16], [sflag:$0xB], $0x40, $0x38;
	[tilespmem:$0x16400] =	vst v63  }
0x139: {  	s1 =	simm.s32 $0x4  }
0x13a: {  	_ =	swait.ge [sflag:s1], $0x2000  }
0x13b: {  	s16 =	simm.s32 $0xC400;
	s8 =	simm.s32 $0x10;
	[sflag:s1] =	ssyncset.done $0x0  }
0x13c: {  	s25 =	sadd.s32 $0x0, s20;
	[sflag:s1] =	ssyncadd.s32 $0xFFFFE000;
	s1 =	simm.s32 $0xC480  }
.LBB2_42:
0x13d: {  	[hbm4b:s25+s2] =	stream.linear.scatter [tilespmem:s16], [sflag:$0xC], $0x40, $0x38;
	[tilespmem:$0x16400] =	vst v63  }
0x13e: {  	s25 =	smov.u32 s8;
	s16 =	smov.u32 s1;
	p0 =	sne.s32 s8, $0x3F0  }
.Ltmp20:
0x13f: {  	s8 =	sadd.s32 $0x10, s8;
	(pc) =	sbr.rel @p0 .LBB2_42-.Ltmp20, $2  }
0x140: {  	_ =	sdelay $0x2  }
0x141: {  	s1 =	sadd.s32 $0x80, s1;
	s25 =	sadd.s32 s25, s20  }
0x142: {  	[hbm4b:s25+s2] =	stream.linear.scatter [tilespmem:s16], [sflag:$0xC], $0x40, $0x38;
	[tilespmem:$0x16400] =	vst v63  }
0x143: {  	s1 =	simm.s32 $0x5  }
0x144: {  	_ =	swait.ge [sflag:s1], $0x2000  }
0x145: {  	s16 =	simm.s32 $0xE400;
	s8 =	simm.s32 $0x10;
	[sflag:s1] =	ssyncset.done $0x0  }
0x146: {  	s25 =	sadd.s32 $0x0, s21;
	[sflag:s1] =	ssyncadd.s32 $0xFFFFE000;
	s1 =	simm.s32 $0xE480  }
.LBB2_44:
0x147: {  	[hbm4b:s25+s2] =	stream.linear.scatter [tilespmem:s16], [sflag:$0xD], $0x40, $0x38;
	[tilespmem:$0x16400] =	vst v63  }
0x148: {  	s25 =	smov.u32 s8;
	s16 =	smov.u32 s1;
	p0 =	sne.s32 s8, $0x3F0  }
.Ltmp21:
0x149: {  	s8 =	sadd.s32 $0x10, s8;
	(pc) =	sbr.rel @p0 .LBB2_44-.Ltmp21, $2  }
0x14a: {  	_ =	sdelay $0x2  }
0x14b: {  	s1 =	sadd.s32 $0x80, s1;
	s25 =	sadd.s32 s25, s21  }
0x14c: {  	[hbm4b:s25+s2] =	stream.linear.scatter [tilespmem:s16], [sflag:$0xD], $0x40, $0x38;
	[tilespmem:$0x16400] =	vst v63  }
0x14d: {  	s1 =	simm.s32 $0x6  }
0x14e: {  	_ =	swait.ge [sflag:s1], $0x2000  }
0x14f: {  	s16 =	simm.s32 $0x10400;
	s8 =	simm.s32 $0x10;
	[sflag:s1] =	ssyncset.done $0x0  }
0x150: {  	s25 =	sadd.s32 $0x0, s22;
	[sflag:s1] =	ssyncadd.s32 $0xFFFFE000;
	s1 =	simm.s32 $0x10480  }
.LBB2_46:
0x151: {  	[hbm4b:s25+s2] =	stream.linear.scatter [tilespmem:s16], [sflag:$0xE], $0x40, $0x38;
	[tilespmem:$0x16400] =	vst v63  }
0x152: {  	s25 =	smov.u32 s8;
	s16 =	smov.u32 s1;
	p0 =	sne.s32 s8, $0x3F0  }
.Ltmp22:
0x153: {  	s8 =	sadd.s32 $0x10, s8;
	(pc) =	sbr.rel @p0 .LBB2_46-.Ltmp22, $2  }
0x154: {  	_ =	sdelay $0x2  }
0x155: {  	s1 =	sadd.s32 $0x80, s1;
	s25 =	sadd.s32 s25, s22  }
0x156: {  	[hbm4b:s25+s2] =	stream.linear.scatter [tilespmem:s16], [sflag:$0xE], $0x40, $0x38;
	[tilespmem:$0x16400] =	vst v63  }
0x157: {  	s1 =	simm.s32 $0x7  }
0x158: {  	_ =	swait.ge [sflag:s1], $0x2000  }
0x159: {  	s16 =	simm.s32 $0x12400;
	s8 =	simm.s32 $0x10;
	[sflag:s1] =	ssyncset.done $0x0  }
0x15a: {  	s25 =	sadd.s32 $0x0, s23;
	[sflag:s1] =	ssyncadd.s32 $0xFFFFE000;
	s1 =	simm.s32 $0x12480  }
.LBB2_48:
0x15b: {  	[hbm4b:s25+s2] =	stream.linear.scatter [tilespmem:s16], [sflag:$0xF], $0x40, $0x38;
	[tilespmem:$0x16400] =	vst v63  }
0x15c: {  	s25 =	smov.u32 s8;
	s16 =	smov.u32 s1;
	p0 =	sne.s32 s8, $0x3F0  }
.Ltmp23:
0x15d: {  	s8 =	sadd.s32 $0x10, s8;
	(pc) =	sbr.rel @p0 .LBB2_48-.Ltmp23, $2  }
0x15e: {  	_ =	sdelay $0x2  }
0x15f: {  	s1 =	sadd.s32 $0x80, s1;
	s25 =	sadd.s32 s25, s23  }
0x160: {  	[hbm4b:s25+s2] =	stream.linear.scatter [tilespmem:s16], [sflag:$0xF], $0x40, $0x38;
	[tilespmem:$0x16400] =	vst v63  }
0x161: {  	s1 =	simm.s32 $0x8  }
0x162: {  	_ =	swait.ge [sflag:s1], $0x2000  }
0x163: {  	s16 =	simm.s32 $0x14400;
	s8 =	simm.s32 $0x10;
	[sflag:s1] =	ssyncset.done $0x0  }
0x164: {  	s25 =	sadd.s32 $0x0, s24;
	[sflag:s1] =	ssyncadd.s32 $0xFFFFE000;
	s1 =	simm.s32 $0x14480  }
.LBB2_50:
0x165: {  	[hbm4b:s25+s2] =	stream.linear.scatter [tilespmem:s16], [sflag:$0x10], $0x40, $0x38;
	[tilespmem:$0x16400] =	vst v63  }
0x166: {  	s25 =	smov.u32 s8;
	s16 =	smov.u32 s1;
	p0 =	sne.s32 s8, $0x3F0  }
.Ltmp24:
0x167: {  	s8 =	sadd.s32 $0x10, s8;
	(pc) =	sbr.rel @p0 .LBB2_50-.Ltmp24, $2  }
0x168: {  	_ =	sdelay $0x2  }
0x169: {  	s1 =	sadd.s32 $0x80, s1;
	s25 =	sadd.s32 s25, s24  }
0x16a: {  	[hbm4b:s25+s2] =	stream.linear.scatter [tilespmem:s16], [sflag:$0x10], $0x40, $0x38;
	[tilespmem:$0x16400] =	vst v63  }
0x16b: {  	s1 =	simm.s32 $0x9  }
0x16c: {  	_ =	swait.ge [sflag:s1], $0x1000  }
0x16d: {  	[sflag:s1] =	ssyncset.done $0x0  }
0x16e: {  	s25 =	simm.s32 $0xA;
	[sflag:s1] =	ssyncadd.s32 $0xFFFFF000  }
0x16f: {  	_ =	swait.ge [sflag:s25], $0x1000  }
0x170: {  	[sflag:s25] =	ssyncset.done $0x0  }
0x171: {  	s26 =	simm.s32 $0xB;
	[sflag:s25] =	ssyncadd.s32 $0xFFFFF000  }
0x172: {  	_ =	swait.ge [sflag:s26], $0x1000  }
0x173: {  	[sflag:s26] =	ssyncset.done $0x0  }
0x174: {  	s28 =	simm.s32 $0xC;
	[sflag:s26] =	ssyncadd.s32 $0xFFFFF000  }
0x175: {  	_ =	swait.ge [sflag:s28], $0x1000  }
0x176: {  	[sflag:s28] =	ssyncset.done $0x0  }
0x177: {  	s29 =	simm.s32 $0xD;
	[sflag:s28] =	ssyncadd.s32 $0xFFFFF000  }
0x178: {  	_ =	swait.ge [sflag:s29], $0x1000  }
0x179: {  	[sflag:s29] =	ssyncset.done $0x0  }
0x17a: {  	s30 =	simm.s32 $0xE;
	[sflag:s29] =	ssyncadd.s32 $0xFFFFF000  }
0x17b: {  	_ =	swait.ge [sflag:s30], $0x1000  }
0x17c: {  	[sflag:s30] =	ssyncset.done $0x0  }
0x17d: {  	[sflag:s30] =	ssyncadd.s32 $0xFFFFF000  }
0x17e: {  	_ =	swait.ge [sflag:s3], $0x1000  }
0x17f: {  	[sflag:s3] =	ssyncset.done $0x0  }
0x180: {  	[sflag:s3] =	ssyncadd.s32 $0xFFFFF000  }
0x181: {  	_ =	swait.ge [sflag:s7], $0x1000  }
0x182: {  	s8 =	rddreg [dreg:$0xd]  }
0x183: {  	s31 =	rddreg [dreg:$0x7];
	s8 =	sadd.s32 $0x1, s8  }
0x184: {  	p0 =	sne.s32 s8, s31  }
.Ltmp25:
0x185: {  	_ = 	snop;
	(pc) =	sbr.rel @p0 .LBB2_1-.Ltmp25, $3  }
0x186: {  	_ =	sdelay $0x1  }
0x187: {  	[sflag:s7] =	ssyncset.done $0x0  }
0x188: {  	[sflag:s7] =	ssyncadd.s32 $0xFFFFF000  }
0x189: {  	_ =	sfence.sel $0x180000  }
0x18a: {  	[bflag:$0x0] =	sbarrier.arrive $0xFFFF  }
0x18b: {  	_ =	strace $0x90000047  }
0x18c: {  	s0 =	stileid.u32;
	[bflag:$0x2] =	sbarrier.arrive $0xFFFF  }
0x18d: {  	p0 =	sne.s32 s0, $0x0;
	s0 =	rddreg [dreg:$0x2]  }
0x18e: {  	s0 =	sadd.s32 @!p0 $0x100000, s0  }
0x18f: {  	[sflag:s0] =	ssyncadd.tile.s32 @!p0 $0x1;
	_ =	shalt  }
.Lfunc_end2:
_tile_overlayer_lowered:
.L_overlay_start_2:
0x190: {  	(tag) =	ssettag $0x2  }
0x191: {  	s0 =	rddreg [dreg:$0x0];
	s2 =	stileid.u32  }
0x192: {  	s1 =	rddreg [dreg:$0x1];
	p0 =	sne.s32 s2, $0x0  }
0x193: {  	s3 =	rddreg [dreg:$0x2];
	[bflag:$0x3] =	sbarrier.arrive $0xFFFF;
	s2 =	simm.s32 @!p0 $0x1C11  }
0x194: {  	[timem:s3], [sflag:s2] =	dma.local @!p0 [hbm:s0], s1  }
0x195: {  	s0 =	simm.s32 @!p0 $0x11  }
0x196: {  	_ =	swait.ge @!p0 [sflag:s0], s1  }
0x197: {  	s1 =	ssub.s32 @!p0 $0x0, s1;
	[sflag:s0] =	ssyncset.done @!p0 $0x0  }
0x198: {  	[sflag:s0] =	ssyncadd.s32 @!p0 s1  }
0x199: {  	[bflag:$0x3] =	sbarrier.arrive $0xFFFF  }
0x19a: {  	_ =	shalt  }

// kernel: sparse-core-data-format-call.cloned.1.call-start
scs
called_computation_lowered:
.L_overlay_start_0:
0x0: {  	s2 =	sld [smem:$0x3FD9]  }
0x1: {  	s3 =	sld [smem:$0x3FFE];
	_ =	sdelay $0x1  }
0x2: {  	s1 =	srdreg.scid  }
0x3: {  	s0 =	sand.u32 $0x1, s1  }
0x4: {  	s18 =	sshll.u32 s0, $0xA;
	s2 =	sadd.s32 s3, s2  }
0x5: {  	s2 =	sadd.s32 s2, s18  }
0x6: {  	[smem:$0x3FC6] =	sst s2  }
0x7: {  	_ = 	snop  }
0x8: {  	s2 =	sld [smem:$0x3FD0];
	(tm) =	ssettm $0x1  }
0x9: {  	s19 =	sld [smem:$0x3FFB];
	_ =	sdelay $0x3  }
0xa: {  	_ =	strace s19  }
0xb: {  	s3 =	sld [smem:$0x3FFC];
	_ =	sdelay $0x3  }
0xc: {  	_ =	strace s3  }
0xd: {  	s3 =	sld [smem:$0x3FFD];
	_ =	sdelay $0x3  }
0xe: {  	_ =	strace s3  }
0xf: {  	_ =	strace $0x8FFFFFFF  }
0x10: {  	s20 =	sld [smem:$0x3FDB];
	_ =	sdelay $0x1  }
0x11: {  	s4 =	simm.s32 $_scs_section_size  }
0x12: {  	s5 =	simm.s32 $_size__tile_overlayer_lowered;
	s6 =	simm.s32 $_tile_overlayer_lowered  }
0x13: {  	s23 =	simm.s32 $0x1BFF;
	s22 =	sshll.u32 s6, $0x1;
	s3 =	sadd.s32 s4, s20  }
0x14: {  	s7 =	simm.s32 $0x0;
	s21 =	sshll.u32 s5, $0x1;
	s5 =	sadd.s32 s22, s3  }
0x15: {  	[timem:s7], [sflag:s23] =	dma.local [hbm:s5], s21  }
0x16: {  	_ =	swait.ge [sflag:s23], s21  }
0x17: {  	s4 =	ssub.s32 $0x0, s21;
	[sflag:s23] =	ssyncset.done $0x0  }
0x18: {  	[sflag:s23] =	ssyncadd.s32 s4;
	_ =	sdelay $0x1  }
0x19: {  	s24 =	simm.s32 $0x1B8B  }
0x1a: {  	_ =	swait.ge [sflag:s24], $0x1  }
0x1b: {  	[sflag:s24] =	ssyncset.done $0x0  }
0x1c: {  	s26 =	simm.s32 $0x1B8E;
	s25 =	sld [smem:$0x3FFE];
	[sflag:s24] =	ssyncadd.s32 $0xFFFFFFFF  }
0x1d: {  	s27 =	simm.s32 $execute0_lowered;
	[smem:$0x3FD2] =	sst s26  }
0x1e: {  	s5 =	sshll.u32 s27, $0x1;
	_ =	strace $0x80000049;
	[dreg:$0x1] =	wrdreg $0xFFFFFFFF  }
0x1f: {  	s28 =	simm.s32 $_size_execute0_lowered;
	s3 =	sadd.s32 s3, s5;
	[dreg:$0x0] =	wrdreg $0x0  }
0x20: {  	s5 =	sshll.u32 s28, $0x1;
	[dreg:$0x2] =	wrdreg s3  }
0x21: {  	[dreg:$0x3] =	wrdreg s5  }
0x22: {  	[dreg:$0x4] =	wrdreg $0xC0  }
0x23: {  	_ =	task [dreg:s7], $0x5FFFF  }
0x24: {  	[dreg:$0x1] =	wrdreg $0xFFFFFFFF  }
0x25: {  	[dreg:$0x0] =	wrdreg $0x60  }
0x26: {  	[dreg:$0x2] =	wrdreg s25  }
0x27: {  	[dreg:$0x3] =	wrdreg s2  }
0x28: {  	[dreg:$0x4] =	wrdreg $0x9  }
0x29: {  	_ =	task.clear_ibuf [dreg:s7], $0x5FFFF;
	_ =	strace $0x90000049  }
0x2a: {  	s29 =	simm.s32 $0x9;
	_ =	strace $0x8000004B  }
0x2b: {  	_ =	swait.ge [sflag:s29], $0x1  }
0x2c: {  	[sflag:s29] =	ssyncadd.s32 $0xFFFFFFFF  }
0x2d: {  	_ =	strace $0x9000004B  }
0x2e: {  	_ =	sfence  }
0x2f: {  	s30 =	sld [smem:$0x0];
	_ =	sdelay $0x2  }
0x30: {  	s31 =	sshll.u32 s1, $0xD;
	s1 =	sshrl.u32 s1, $0x2  }
0x31: {  	s3 =	sand.u32 $0x4000, s31;
	s1 =	sadd.s32 s1, s30  }
0x32: {  	s0 =	sor.u32 s3, s0;
	s1 =	sshll.u32 s1, $0x11  }
0x33: {  	s0 =	sor.u32 s1, s0  }
0x34: {  	s0 =	sadd.s32 $0x8F2B, s0  }
0x35: {  	[sflag:s0] =	ssyncadd.remote.s32 $0x1  }
0x36: {  	_ =	sfence.sel $0xFFFF  }
0x37: {  	[dreg:$0x0] =	wrdreg $0xFFFFFFFF;
	(pc) =	sbr.abs _section_cstart, $3  }
0x38: {  	[dreg:$0x1] =	wrdreg $0xFFFFFFFF  }
0x39: {  	_ =	task.clear_ibuf [dreg:s7], $0x2FFFF;
	_ =	strace $0x9FFFFFFF  }
0x3a: {  	(tm) =	ssettm $0x7FFFFFFF  }
0x3b: {  	_ =	shalt  }
tec
execute0_lowered:
.L_overlay_start_1:
0x0: {  	(tag) =	ssettag $0x1  }
0x1: {  	s0 =	srdreg.scid  }
0x2: {  	s1 =	sshll.u32 s0, $0x4  }
0x3: {  	s0 =	stileid.u32;
	s1 =	sand.u32 $0x10, s1  }
0x4: {  	s1 =	sor.u32 s0, s1  }
0x5: {  	s6 =	rddreg [dreg:$0x0];
	s4 =	simm.s32 $0x1;
	s2 =	sshll.u32 s1, $0x7  }
0x6: {  	s7 =	simm.s32 $0x2;
	s12 =	simm.s32 $0x0;
	s1 =	ssub.s32 $0x1000, s2  }
0x7: {  	s8 =	simm.s32 $0x8000;
	s13 =	simm.s32 $0x0;
	s3 =	sand.u32 $0xF80, s1  }
0x8: {  	s9 =	simm.s32 $0x0;
	s5 =	sshrl.u32 s1, $0xC;
	p0 =	sne.s32 s3, $0x0  }
.Ltmp0:
0x9: {  	s1 =	rddreg [dreg:$0x2];
	s4 =	simm.s32 @!p0 $0x0;
	(pc) =	sbr.rel .LBB1_1-.Ltmp0, $4  }
0xa: {  	s11 =	simm.s32 $0x0;
	s3 =	rddreg [dreg:$0x1];
	s5 =	sadd.s32 s4, s5  }
0xb: {  	_ =	strace $0x8000004A;
	s4 =	simm.s32 $0x1;
	s5 =	smul.u32 $0xC8, s5  }
0xc: {  	s6 =	sadd.s32 $0xA00, s6;
	s10 =	smov.u32 s2;
	[sflag:s4] =	ssyncpa.u1 $0x0  }
0xd: {  	p0 =	por $0x0, $0x0;
	[sflag:s7] =	ssyncpa.u1 $0x0;
	s7 =	sor.u32 $0x1, s5  }
.LBB1_4:
0xe: {  	s16 =	sshll.u32 s13, $0x3;
	s17 =	sand.u32 $0x78, s13  }
0xf: {  	s30 =	sand.u32 $0x7E00, s13;
	s12 =	sshll.u32 s12, $0xF;
	s16 =	sand.u32 $0xC00, s16  }
0x10: {  	[tilespmem:s15+$0x810 ss:$0x81] =	vst.msk $0xffff, v2;
	s31 =	sand.u32 $0x7, s13;
	s16 =	sor.u32 s17, s16;
	s17 =	sadd.s32 s3, s30  }
0x11: {  	[tilespmem:s15+$0x1020 ss:$0x81] =	vst.msk $0xffff, v0;
	s13 =	sshll.u32 s31, $0x12;
	s12 =	sadd.s32 s12, s17;
	s16 =	sshrl.u32 s16, $0x3  }
0x12: {  	[tilespmem:s15+$0x0 ss:$0x81] =	vst.msk $0xffff, v1;
	s13 =	sor.u32 $0x400, s13;
	s12 =	sadd.s32 s16, s12  }
0x13: {  	[hbm4b:s12+s13] =	stream.strided.scatter [tilespmem:s14], [sflag:$0x2], $0x2000, s8, s13, $0x20;
	[tilespmem:$0x8080] =	vst v63  }
.LBB1_5:
0x14: {  	s14 =	sadd.s32 $0x1, s9  }
0x15: {  	s12 =	sadd.s32 $0x1000, s10;
	s16 =	smov.u32 s10;
	p2 =	sgt.s32 s14, $0xC7  }
0x16: {  	s16 =	smov.u32 @p2 s12  }
0x17: {  	s14 =	simm.s32 @p2 $0x0;
	p2 =	sgt.s32 s16, $0xFFF  }
0x18: {  	s16 =	smov.u32 @p2 s2;
	p2 =	sne.s32 s11, s7  }
.Ltmp1:
0x19: {  	p1 =	slt.u32 s11, $0x2;
	(pc) =	sbr.rel @!p2 .LBB1_6-.Ltmp1, $4  }
0x1a: {  	s15 =	simm.s32 @!p1 $0x2  }
0x1b: {  	s13 =	smov.u32 s10;
	p0 =	por !p0, !p0;
	_ =	swait.ge @!p1 [sflag:s15], $0x2000  }
0x1c: {  	s12 =	smov.u32 s9;
	[sflag:s15] =	ssyncset.done @!p1 $0x0;
	s9 =	smov.u32 s14  }
0x1d: {  	s11 =	sadd.s32 $0x1, s11;
	[sflag:s15] =	ssyncadd.s32 @!p1 $0xFFFFE000;
	s10 =	smov.u32 s16  }
.LBB1_1:
0x1e: {  	p1 =	sge.u32 s11, s5  }
0x1f: {  	s14 =	sand.u32 @!p1 $0x1FFFFFF, s9  }
0x20: {  	s15 =	smulhi.u32 @!p1 $0x147AE15, s14;
	_ =	sdelay $0x1  }
0x21: {  	s15 =	smul.u32 @!p1 $0xC8, s15  }
0x22: {  	s16 =	sxor.u32 @!p1 $0xFFFFFFFF, s11;
	s17 =	smul.u32 @!p1 $0xC80, s10  }
0x23: {  	s31 =	sadd.s32 $0xFFFFFFFF, s11;
	s16 =	sshll.u32 @!p1 s16, $0xD;
	s14 =	ssub.s32 @!p1 s14, s15  }
0x24: {  	s15 =	sand.u32 @!p1 $0x2000, s16;
	s16 =	sadd.s32 @!p1 s6, s17;
	s14 =	sshll.u32 @!p1 s14, $0x4  }
0x25: {  	s17 =	simm.s32 @!p1 $0x6400;
	s14 =	sadd.s32 @!p1 s14, s16;
	s16 =	simm.s32 @!p1 $0x40  }
0x26: {  	[tilespmem:s15], [sflag:$0x1] =	stream.strided.gather @!p1 [hbm4b:s14+s16], $0x2000, s17, s16, $0x38;
	[tilespmem:$0x8080] =	vst v63  }
0x27: {  	p1 =	sge.u32 s31, s5  }
.Ltmp2:
0x28: {  	_ = 	snop;
	(pc) =	sbr.rel @p1 .LBB1_5-.Ltmp2, $1  }
0x29: {  	_ =	sdelay $0x3  }
0x2a: {  	s14 =	simm.s32 $0x1  }
0x2b: {  	_ =	swait.ge [sflag:s4], $0x2000;
	s14 =	simm.s32 @!p0 $0x0  }
0x2c: {  	[sflag:s4] =	ssyncset.done $0x0;
	s15 =	sshll.u32 s14, $0xD  }
0x2d: {  	[sflag:s4] =	ssyncadd.s32 $0xFFFFE000;
	s18 =	sor.u32 $0x20, s15  }
0x2e: {  	s14 =	smul.u32 $0x8100, s14;
	v3 =	vld [tilespmem:s18+$0x10]  }
0x2f: {  	s30 =	sand.u32 $0x1, s11;
	v2 =	vld [tilespmem:s18+$0xFFFFFFF0]  }
0x30: {  	s15 =	smul.u32 $0x8100, s30;
	s14 =	sshrl.u32 s14, $0x2;
	v0 =	vld [tilespmem:s18+$0x0]  }
0x31: {  	v1 =	vld [tilespmem:s18+$0xFFFFFFE0];
	s16 =	sor.u32 $0x4000, s14  }
0x32: {  	s31 =	sshrl.u32 s15, $0x2;
	s15 =	sadd.s32 $0x0, s16  }
0x33: {  	s17 =	simm.s32 $0x4;
	s18 =	sadd.s32 $0x40, s18;
	s14 =	sor.u32 $0x4000, s31;
	[tilespmem:s15+$0x1830 ss:$0x81] =	vst.msk $0xffff, v3  }
.LBB1_3:
0x34: {  	v3 =	vld [tilespmem:s18+$0x10];
	p1 =	sne.s32 s17, $0x1FC;
	[tilespmem:s15+$0x810 ss:$0x81] =	vst.msk $0xffff, v2;
	s19 =	smov.u32 s17;
	s17 =	sadd.s32 $0x4, s17  }
.Ltmp3:
0x35: {  	v2 =	vld [tilespmem:s18+$0xFFFFFFF0];
	[tilespmem:s15+$0x1020 ss:$0x81] =	vst.msk $0xffff, v0;
	(pc) =	sbr.rel @p1 .LBB1_3-.Ltmp3, $4  }
0x36: {  	v0 =	vld [tilespmem:s18+$0x0];
	[tilespmem:s15+$0x0 ss:$0x81] =	vst.msk $0xffff, v1  }
0x37: {  	s15 =	sshra.s32 s19, $0x2;
	v1 =	vld [tilespmem:s18+$0xFFFFFFE0]  }
0x38: {  	s15 =	sadd.s32 s15, s16  }
0x39: {  	s18 =	sadd.s32 $0x40, s18;
	[tilespmem:s15+$0x1830 ss:$0x81] =	vst.msk $0xffff, v3  }
.Ltmp4:
0x3a: {  	_ = 	snop;
	(pc) =	sbr.rel .LBB1_4-.Ltmp4, $1  }
0x3b: {  	_ =	sdelay $0x3  }
.LBB1_6:
0x3c: {  	_ =	sfence.sel $0x180000  }
0x3d: {  	s2 =	simm.s32 $0x1;
	[bflag:$0x0] =	sbarrier.arrive $0xFFFF  }
0x3e: {  	s31 =	simm.s32 $0x2;
	[sflag:s2] =	ssyncpa.u1 $0x1  }
0x3f: {  	[sflag:s31] =	ssyncpa.u1 $0x1  }
0x40: {  	p0 =	sne.s32 s0, $0x0;
	_ =	strace $0x9000004A  }
0x41: {  	s0 =	sadd.s32 @!p0 $0x100000, s1;
	[bflag:$0x2] =	sbarrier.arrive $0xFFFF  }
0x42: {  	[sflag:s0] =	ssyncadd.tile.s32 @!p0 $0x1;
	_ =	shalt  }
.Lfunc_end1:
_tile_overlayer_lowered:
.L_overlay_start_2:
0x43: {  	(tag) =	ssettag $0x2  }
0x44: {  	s0 =	rddreg [dreg:$0x0];
	s2 =	stileid.u32  }
0x45: {  	s1 =	rddreg [dreg:$0x1];
	p0 =	sne.s32 s2, $0x0  }
0x46: {  	s3 =	rddreg [dreg:$0x2];
	[bflag:$0x3] =	sbarrier.arrive $0xFFFF;
	s2 =	simm.s32 @!p0 $0x1C01  }
0x47: {  	[timem:s3], [sflag:s2] =	dma.local @!p0 [hbm:s0], s1  }
0x48: {  	s0 =	simm.s32 @!p0 $0x1  }
0x49: {  	_ =	swait.ge @!p0 [sflag:s0], s1  }
0x4a: {  	s1 =	ssub.s32 @!p0 $0x0, s1;
	[sflag:s0] =	ssyncset.done @!p0 $0x0  }
0x4b: {  	[sflag:s0] =	ssyncadd.s32 @!p0 s1  }
0x4c: {  	[bflag:$0x3] =	sbarrier.arrive $0xFFFF  }
0x4d: {  	_ =	shalt  }

</sc_bundles>
